<compile_context>
chip_gen: v7x
topology: tpu7x:2x2x1
jax: 0.10.2.dev20260603
libtpu: 0.0.44.dev20260713+nightly
codegen_flags: <defaults>
</compile_context>

<pallas_src>
import functools

import jax
import jax.numpy as jnp
from jax import lax
from jax.experimental import pallas as pl
from jax.experimental.pallas import tpu as pltpu
from jax.experimental.pallas import tpu_sc as plsc

N_NODES = 10000
NFEAT = 128
NHID = 128

NC = 2
NS = 16
NW = NC * NS
L = 16

N_PAD = 10240
ROWS_PER_TILE = N_PAD // NS

N_EDGES = 320000
CHUNK = 128
NCHUNK_TOT = N_EDGES // CHUNK
NCHUNK = 80
H = NCHUNK // 2
VPC = CHUNK // L
PART = NCHUNK_TOT - (NW - 1) * NCHUNK

_mesh = plsc.VectorSubcoreMesh(core_axis_name="c", subcore_axis_name="s")


def _nh(wid, h):
    n_real = jnp.clip(NCHUNK_TOT - wid * NCHUNK, 0, NCHUNK)
    return jnp.clip(n_real - h * H, 0, H)


@functools.partial(
    pl.kernel,
    out_type=(
        jax.ShapeDtypeStruct((NW, N_PAD), jnp.float32),
        jax.ShapeDtypeStruct((NW * NCHUNK, CHUNK), jnp.int32),
    ),
    mesh=_mesh,
    scratch_types=[
        pltpu.VMEM((H * CHUNK,), jnp.int32),
        pltpu.VMEM((H, CHUNK), jnp.int32),
        pltpu.VMEM((N_PAD,), jnp.float32),
    ],
    compiler_params=pltpu.CompilerParams(needs_layout_passes=False),
)
def _deg_kernel(ei_hbm, out_hbm, dst2_hbm, idxf_v, idx2_v, deg_v):
    c = lax.axis_index("c")
    s = lax.axis_index("s")
    wid = c * NS + s
    zeros = jnp.zeros((L,), jnp.float32)
    ones = jnp.ones((L,), jnp.float32)

    def zero_body(i, _):
        for u in range(4):
            deg_v[pl.ds((4 * i + u) * L, L)] = zeros
        return 0

    lax.fori_loop(0, N_PAD // L // 4, zero_body, 0)

    for h in range(2):
        nh = _nh(wid, h)
        e0 = wid * NCHUNK * CHUNK + h * H * CHUNK

        @pl.when(nh >= H)
        def _full():
            pltpu.sync_copy(ei_hbm.at[1, pl.ds(e0, H * CHUNK)], idxf_v)

        @pl.when(jnp.logical_and(nh > 0, nh < H))
        def _tail():
            pltpu.sync_copy(ei_hbm.at[1, pl.ds(e0, PART * CHUNK)],
                            idxf_v.at[pl.ds(0, PART * CHUNK)])

        @pl.when(nh > 0)
        def _half():
            def body(i4, _):
                for u in range(4):
                    i = i4 * 4 + u
                    idx = idxf_v[pl.ds(i * L, L)]
                    plsc.addupdate_scatter(deg_v, [idx], ones)
                    idx2_v[i // VPC, pl.ds((i % VPC) * L, L)] = idx
                return 0

            lax.fori_loop(0, nh * VPC // 4, body, 0)
            pltpu.sync_copy(idx2_v,
                            dst2_hbm.at[pl.ds(wid * NCHUNK + h * H, H)])

    pltpu.sync_copy(deg_v, out_hbm.at[wid])


def _scale_body(degp_ref, x_ref, w_ref, g_ref, dinv_ref):
    deg = jnp.sum(degp_ref[...], axis=0) + 1.0
    dinv = lax.rsqrt(deg)[:N_NODES]
    h = jnp.dot(x_ref[...], w_ref[...], preferred_element_type=jnp.float32)
    g_ref[...] = h * dinv[:, None]
    dinv_ref[...] = dinv[:, None]


def _scale(degp, x, w):
    return pl.pallas_call(
        _scale_body,
        out_shape=(
            jax.ShapeDtypeStruct((N_NODES, NHID), jnp.float32),
            jax.ShapeDtypeStruct((N_NODES, 1), jnp.float32),
        ),
    )(degp, x, w)


@functools.partial(
    pl.kernel,
    out_type=jax.ShapeDtypeStruct((NC, N_PAD, NHID), jnp.float32),
    mesh=_mesh,
    scratch_types=[
        pltpu.VMEM((H * CHUNK,), jnp.int32),
        pltpu.VMEM((H, CHUNK), jnp.int32),
        pltpu.VMEM((2, CHUNK, NHID), jnp.float32),
        pltpu.VMEM_SHARED((N_PAD, NHID), jnp.float32),
        pltpu.SemaphoreType.DMA,
        pltpu.SemaphoreType.DMA,
    ],
)
def _edge_kernel(ei_hbm, dst2_hbm, g_hbm, zeros_hbm, out_hbm,
                 src_v, dst_v, rows_v, acc_sh, sem, sem_s):
    c = lax.axis_index("c")
    s = lax.axis_index("s")
    wid = c * NS + s

    pltpu.sync_copy(zeros_hbm, rows_v.at[0])
    base_row = s * ROWS_PER_TILE
    NZ = ROWS_PER_TILE // CHUNK
    for k in range(NZ):
        pltpu.async_copy(rows_v.at[0],
                         acc_sh.at[pl.ds(base_row + k * CHUNK, CHUNK)],
                         sem_s)

    nh0 = _nh(wid, 0)
    e00 = wid * NCHUNK * CHUNK

    @pl.when(nh0 >= H)
    def _full0():
        pltpu.sync_copy(ei_hbm.at[0, pl.ds(e00, H * CHUNK)], src_v)

    @pl.when(jnp.logical_and(nh0 > 0, nh0 < H))
    def _tail0():
        pltpu.sync_copy(ei_hbm.at[0, pl.ds(e00, PART * CHUNK)],
                        src_v.at[pl.ds(0, PART * CHUNK)])

    @pl.when(nh0 > 0)
    def _dst0():
        pltpu.sync_copy(dst2_hbm.at[pl.ds(wid * NCHUNK, H)], dst_v)

    for k in range(NZ):
        pltpu.make_async_copy(
            rows_v.at[0], acc_sh.at[pl.ds(base_row + k * CHUNK, CHUNK)],
            sem_s).wait()
    plsc.subcore_barrier()

    for h in range(2):
        nh = _nh(wid, h)
        e0 = wid * NCHUNK * CHUNK + h * H * CHUNK

        if h == 1:
            @pl.when(nh >= H)
            def _full():
                pltpu.sync_copy(ei_hbm.at[0, pl.ds(e0, H * CHUNK)], src_v)

            @pl.when(jnp.logical_and(nh > 0, nh < H))
            def _tail():
                pltpu.sync_copy(ei_hbm.at[0, pl.ds(e0, PART * CHUNK)],
                                src_v.at[pl.ds(0, PART * CHUNK)])

            @pl.when(nh > 0)
            def _dsth():
                pltpu.sync_copy(
                    dst2_hbm.at[pl.ds(wid * NCHUNK + h * H, H)], dst_v)

        def _g(j):
            pltpu.async_copy(g_hbm.at[src_v.at[pl.ds(j * CHUNK, CHUNK)]],
                             rows_v.at[j & 1], sem)

        def _wait_g(j):
            pltpu.make_async_copy(
                g_hbm.at[src_v.at[pl.ds(j * CHUNK, CHUNK)]],
                rows_v.at[j & 1], sem).wait()

        def _s(j):
            pltpu.async_copy(rows_v.at[j & 1], acc_sh.at[dst_v.at[j]],
                             sem_s, add=True)

        def _wait_s(j):
            pltpu.make_async_copy(rows_v.at[j & 1], acc_sh.at[dst_v.at[j]],
                                  sem_s).wait()

        @pl.when(nh > 0)
        def _half():
            _g(0)

            @pl.when(nh > 1)
            def _p2():
                _g(1)

            _wait_g(0)
            _s(0)

            @pl.when(nh > 1)
            def _steady():
                def chunk_body(j, _):
                    _wait_s(j - 1)
                    _g(j + 1)
                    _wait_g(j)
                    _s(j)
                    return 0

                lax.fori_loop(1, nh - 1, chunk_body, 0)
                _wait_s(nh - 2)
                _wait_g(nh - 1)
                _s(nh - 1)
                _wait_s(nh - 1)

            @pl.when(nh == 1)
            def _one():
                _wait_s(0)

    plsc.subcore_barrier()
    pltpu.sync_copy(acc_sh.at[pl.ds(base_row, ROWS_PER_TILE)],
                    out_hbm.at[c, pl.ds(base_row, ROWS_PER_TILE)])


def _tc2_body(accp_ref, g_ref, dinv_ref, b_ref, out_ref):
    ssum = accp_ref[0] + accp_ref[1] + g_ref[...]
    out_ref[...] = ssum * dinv_ref[...] + b_ref[...]


def _tc2(accp, g, dinv, b):
    blk = 2000
    return pl.pallas_call(
        _tc2_body,
        grid=(N_NODES // blk,),
        in_specs=[
            pl.BlockSpec((2, blk, NHID), lambda i: (0, i, 0)),
            pl.BlockSpec((blk, NHID), lambda i: (i, 0)),
            pl.BlockSpec((blk, 1), lambda i: (i, 0)),
            pl.BlockSpec((1, NHID), lambda i: (0, 0)),
        ],
        out_specs=pl.BlockSpec((blk, NHID), lambda i: (i, 0)),
        out_shape=jax.ShapeDtypeStruct((N_NODES, NHID), jnp.float32),
    )(accp, g, dinv, b)


@jax.jit
def kernel(x, edge_index, W, b):
    ei = edge_index.astype(jnp.int32)
    degp, dst2 = _deg_kernel(ei)
    g, dinv = _scale(degp, x, W)
    zc = jnp.zeros((CHUNK, NHID), jnp.float32)
    accp = _edge_kernel(ei, dst2, g, zc)
    return _tc2(accp, g, dinv, b.reshape(1, NHID))

# --- scband reference (transcript-rebuilt; emitter-appended) ---
"""Pipeline reference for scband-gcn-5385888989901 (READ-ONLY COPY).

The authoritative reference and input builder live on the scoring server;
editing this copy changes nothing except your own understanding.
"""

import jax, jax.numpy as jnp
import numpy as np

N_NODES = 10000
N_EDGES = 320000
NFEAT = 128
NHID = 128


def setup_inputs(seed: int = 0) -> dict:
    key = jax.random.key(seed)
    k1, k2, k3, k4 = jax.random.split(key, 4)
    x = jax.random.normal(k1, (N_NODES, NFEAT), dtype=jnp.float32)
    edge_index = jax.random.randint(k2, (2, N_EDGES), 0, N_NODES, dtype=jnp.int64)
    # GCNConv learned parameters: weight [nfeat, nhid] (glorot-style scale), bias [nhid]
    W = jax.random.normal(k3, (NFEAT, NHID), dtype=jnp.float32) * (1.0 / np.sqrt(NFEAT))
    b = jnp.zeros((NHID,), dtype=jnp.float32)
    return {"x": x, "edge_index": edge_index, "W": W, "b": b}


def reference(x, edge_index, W, b):
    # Faithful PyG GCNConv: add self-loops, symmetric gcn_norm, linear, scatter-add aggregate, bias.
    N = x.shape[0]
    src = edge_index[0]
    dst = edge_index[1]
    loop = jnp.arange(N, dtype=edge_index.dtype)
    src = jnp.concatenate([src, loop])
    dst = jnp.concatenate([dst, loop])
    edge_weight = jnp.ones(src.shape[0], dtype=x.dtype)
    # degree computed at destination (target) nodes
    deg = jnp.zeros((N,), dtype=x.dtype).at[dst].add(edge_weight)
    deg_inv_sqrt = jnp.where(deg > 0, jax.lax.rsqrt(deg), 0.0)
    norm = deg_inv_sqrt[src] * edge_weight * deg_inv_sqrt[dst]
    # linear transform first (nfeat -> nhid)
    h = x @ W
    # message = norm * x_j (gather at src), aggregate via scatter-add at dst
    msg = norm[:, None] * jnp.take(h, src, axis=0)
    out = jnp.zeros((N, h.shape[1]), dtype=x.dtype).at[dst].add(msg)
    out = out + b
    return out

if __name__ == "__main__":
    import jax
    _d = setup_inputs()
    print(jax.jit(kernel)(*tuple(_d.values())))

</pallas_src>

<mosaic_0001>
#map = affine_map<(d0, d1) -> (0, 0)>
module attributes {stable_mosaic.version = 14 : i64} {
  func.func @_deg_kernel(%arg0: i32, %arg1: i32, %arg2: memref<2x320000xi32, #tpu.memory_space<hbm>>, %arg3: memref<32x10240xf32, #tpu.memory_space<hbm>>, %arg4: memref<2560x128xi32, #tpu.memory_space<hbm>>, %arg5: memref<5120xi32, #tpu.memory_space<vmem>>, %arg6: memref<40x128xi32, #tpu.memory_space<vmem>>, %arg7: memref<10240xf32, #tpu.memory_space<vmem>>) attributes {dimension_semantics = [#tpu.dimension_semantics<core_parallel>, #tpu.dimension_semantics<subcore_parallel>], iteration_bounds = array<i64: 2, 16>, scalar_prefetch = 0 : i64, scratch_operands = 3 : i64, tpu.core_type = #tpu.core_type<sc_vector_subcore>, window_params = [{transform_indices = #map}, {transform_indices = #map}, {transform_indices = #map}]} {
    %mul3A = arith.constant 16 : i32
    %mul3A_0 = arith.muli %arg0, %mul3A : i32
    %add3A = arith.addi %mul3A_0, %arg1 : i32
    %broadcast_in_dim3A = arith.constant 0.000000e+00 : f32
    %broadcast_in_dim3A_1 = vector.broadcast %broadcast_in_dim3A : f32 to vector<16xf32>
    %broadcast_in_dim3A_2 = arith.constant 1.000000e+00 : f32
    %broadcast_in_dim3A_3 = vector.broadcast %broadcast_in_dim3A_2 : f32 to vector<16xf32>
    %scan3A = arith.constant 0 : i32
    %scan3A_4 = arith.constant 0 : i32
    %scan3A_5 = arith.constant 160 : i32
    %scan3A_6 = arith.addi %scan3A_4, %scan3A_5 : i32
    %scan3A_7 = arith.constant 1 : i32
    %scan3A_8 = scf.for %scan3A_76 = %scan3A_4 to %scan3A_6 step %scan3A_7 iter_args(%scan3A_77 = %scan3A) -> (i32)  : i32 {
      %mul3A_78 = arith.constant 4 : i32
      %mul3A_79 = arith.muli %mul3A_78, %scan3A_76 : i32
      %add3A_80 = arith.constant 0 : i32
      %add3A_81 = arith.addi %mul3A_79, %add3A_80 : i32
      %mul3A_82 = arith.constant 16 : i32
      %mul3A_83 = arith.muli %add3A_81, %mul3A_82 : i32
      %swap3A = arith.index_cast %mul3A_83 : i32 to index
      %swap3A_84 = tpu.vector_load %arg7[%swap3A] {strides = array<i32>} : memref<10240xf32, #tpu.memory_space<vmem>>, vector<16xf32>,
      tpu.vector_store %arg7[%swap3A], %broadcast_in_dim3A_1 {strides = array<i32>} : memref<10240xf32, #tpu.memory_space<vmem>>, vector<16xf32>,
      %mul3A_85 = arith.constant 4 : i32
      %mul3A_86 = arith.muli %mul3A_85, %scan3A_76 : i32
      %add3A_87 = arith.constant 1 : i32
      %add3A_88 = arith.addi %mul3A_86, %add3A_87 : i32
      %mul3A_89 = arith.constant 16 : i32
      %mul3A_90 = arith.muli %add3A_88, %mul3A_89 : i32
      %swap3A_91 = arith.index_cast %mul3A_90 : i32 to index
      %swap3A_92 = tpu.vector_load %arg7[%swap3A_91] {strides = array<i32>} : memref<10240xf32, #tpu.memory_space<vmem>>, vector<16xf32>,
      tpu.vector_store %arg7[%swap3A_91], %broadcast_in_dim3A_1 {strides = array<i32>} : memref<10240xf32, #tpu.memory_space<vmem>>, vector<16xf32>,
      %mul3A_93 = arith.constant 4 : i32
      %mul3A_94 = arith.muli %mul3A_93, %scan3A_76 : i32
      %add3A_95 = arith.constant 2 : i32
      %add3A_96 = arith.addi %mul3A_94, %add3A_95 : i32
      %mul3A_97 = arith.constant 16 : i32
      %mul3A_98 = arith.muli %add3A_96, %mul3A_97 : i32
      %swap3A_99 = arith.index_cast %mul3A_98 : i32 to index
      %swap3A_100 = tpu.vector_load %arg7[%swap3A_99] {strides = array<i32>} : memref<10240xf32, #tpu.memory_space<vmem>>, vector<16xf32>,
      tpu.vector_store %arg7[%swap3A_99], %broadcast_in_dim3A_1 {strides = array<i32>} : memref<10240xf32, #tpu.memory_space<vmem>>, vector<16xf32>,
      %mul3A_101 = arith.constant 4 : i32
      %mul3A_102 = arith.muli %mul3A_101, %scan3A_76 : i32
      %add3A_103 = arith.constant 3 : i32
      %add3A_104 = arith.addi %mul3A_102, %add3A_103 : i32
      %mul3A_105 = arith.constant 16 : i32
      %mul3A_106 = arith.muli %add3A_104, %mul3A_105 : i32
      %swap3A_107 = arith.index_cast %mul3A_106 : i32 to index
      %swap3A_108 = tpu.vector_load %arg7[%swap3A_107] {strides = array<i32>} : memref<10240xf32, #tpu.memory_space<vmem>>, vector<16xf32>,
      tpu.vector_store %arg7[%swap3A_107], %broadcast_in_dim3A_1 {strides = array<i32>} : memref<10240xf32, #tpu.memory_space<vmem>>, vector<16xf32>,
      %scan3A_109 = arith.constant 0 : i32
      scf.yield %scan3A_109 : i32
    }
    %scan3A_9 = arith.constant 160 : i32
    %mul3A_10 = arith.constant 80 : i32
    %mul3A_11 = arith.muli %add3A, %mul3A_10 : i32
    %sub3A = arith.constant 2500 : i32
    %sub3A_12 = arith.subi %sub3A, %mul3A_11 : i32
    %jit3A = arith.constant 0 : i32
    %jit3A_13 = arith.constant 80 : i32
    %max3A = arith.maxsi %jit3A, %sub3A_12 : i32
    %min3A = arith.minsi %jit3A_13, %max3A : i32
    %sub3A_14 = arith.constant 0 : i32
    %sub3A_15 = arith.subi %min3A, %sub3A_14 : i32
    %jit3A_16 = arith.constant 0 : i32
    %jit3A_17 = arith.constant 40 : i32
    %max3A_18 = arith.maxsi %jit3A_16, %sub3A_15 : i32
    %min3A_19 = arith.minsi %jit3A_17, %max3A_18 : i32
    %mul3A_20 = arith.constant 80 : i32
    %mul3A_21 = arith.muli %add3A, %mul3A_20 : i32
    %mul3A_22 = arith.constant 128 : i32
    %mul3A_23 = arith.muli %mul3A_21, %mul3A_22 : i32
    %add3A_24 = arith.constant 0 : i32
    %add3A_25 = arith.addi %mul3A_23, %add3A_24 : i32
    %ge3A = arith.constant 40 : i32
    %ge3A_26 = arith.cmpi sge, %min3A_19, %ge3A : i32
    %convert_element_type3A = arith.extui %ge3A_26 : i1 to i32
    %cond3A = arith.constant 0 : i32
    %cond3A_27 = arith.cmpi ne, %convert_element_type3A, %cond3A : i32
    scf.if %cond3A_27 {
      %run_scoped3A = arith.constant 1 : i32
      "tpu.region"() ({
        %run_scoped3A_76 = tpu.sem_alloc : memref<!tpu.dma_semaphore, #tpu.memory_space<semaphore_mem>>
        %dma_start3A = tpu.memref_slice %arg2[%run_scoped3A, %add3A_25] : memref<2x320000xi32, #tpu.memory_space<hbm>> -> memref<1x5120xi32, #tpu.memory_space<hbm>>
        %dma_start3A_77 = tpu.memref_squeeze %dma_start3A : memref<1x5120xi32, #tpu.memory_space<hbm>> -> memref<5120xi32, #tpu.memory_space<hbm>>
        %dma_start3A_78 = tpu.memref_slice %arg2[%run_scoped3A, %add3A_25] : memref<2x320000xi32, #tpu.memory_space<hbm>> -> memref<1x5120xi32, #tpu.memory_space<hbm>>
        %dma_start3A_79 = tpu.memref_squeeze %dma_start3A_78 : memref<1x5120xi32, #tpu.memory_space<hbm>> -> memref<5120xi32, #tpu.memory_space<hbm>>
        tpu.enqueue_dma source(%dma_start3A_79 : memref<5120xi32, #tpu.memory_space<hbm>>) target(%arg5 : memref<5120xi32, #tpu.memory_space<vmem>>) target_semaphore(%run_scoped3A_76 : memref<!tpu.dma_semaphore, #tpu.memory_space<semaphore_mem>>)
        %dma_wait3A = tpu.memref_slice %arg2[%run_scoped3A, %add3A_25] : memref<2x320000xi32, #tpu.memory_space<hbm>> -> memref<1x5120xi32, #tpu.memory_space<hbm>>
        %dma_wait3A_80 = tpu.memref_squeeze %dma_wait3A : memref<1x5120xi32, #tpu.memory_space<hbm>> -> memref<5120xi32, #tpu.memory_space<hbm>>
        %dma_wait3A_81 = tpu.memref_slice %arg2[%run_scoped3A, %add3A_25] : memref<2x320000xi32, #tpu.memory_space<hbm>> -> memref<1x5120xi32, #tpu.memory_space<hbm>>
        %dma_wait3A_82 = tpu.memref_squeeze %dma_wait3A_81 : memref<1x5120xi32, #tpu.memory_space<hbm>> -> memref<5120xi32, #tpu.memory_space<hbm>>
        tpu.wait_dma2 semaphore(%run_scoped3A_76 : memref<!tpu.dma_semaphore, #tpu.memory_space<semaphore_mem>>) src(%dma_wait3A_82 : memref<5120xi32, #tpu.memory_space<hbm>>) dst(%arg5 : memref<5120xi32, #tpu.memory_space<vmem>>)
        tpu.yield
      }) : () -> ()
    } else {
    }
    %gt3A = arith.constant 0 : i32
    %gt3A_28 = arith.cmpi sgt, %min3A_19, %gt3A : i32
    %lt3A = arith.constant 40 : i32
    %lt3A_29 = arith.cmpi slt, %min3A_19, %lt3A : i32
    %and3A = arith.andi %gt3A_28, %lt3A_29 : i1
    %convert_element_type3A_30 = arith.extui %and3A : i1 to i32
    %cond3A_31 = arith.constant 0 : i32
    %cond3A_32 = arith.cmpi ne, %convert_element_type3A_30, %cond3A_31 : i32
    scf.if %cond3A_32 {
      %run_scoped3A = arith.constant 1 : i32
      "tpu.region"() ({
        %run_scoped3A_76 = tpu.sem_alloc : memref<!tpu.dma_semaphore, #tpu.memory_space<semaphore_mem>>
        %dma_start3A = arith.constant 0 : i32
        %dma_start3A_77 = tpu.memref_slice %arg5[%dma_start3A] : memref<5120xi32, #tpu.memory_space<vmem>> -> memref<2560xi32, #tpu.memory_space<vmem>>
        %dma_start3A_78 = tpu.memref_slice %arg2[%run_scoped3A, %add3A_25] : memref<2x320000xi32, #tpu.memory_space<hbm>> -> memref<1x2560xi32, #tpu.memory_space<hbm>>
        %dma_start3A_79 = tpu.memref_squeeze %dma_start3A_78 : memref<1x2560xi32, #tpu.memory_space<hbm>> -> memref<2560xi32, #tpu.memory_space<hbm>>
        %dma_start3A_80 = arith.constant 0 : i32
        %dma_start3A_81 = tpu.memref_slice %arg5[%dma_start3A_80] : memref<5120xi32, #tpu.memory_space<vmem>> -> memref<2560xi32, #tpu.memory_space<vmem>>
        %dma_start3A_82 = tpu.memref_slice %arg2[%run_scoped3A, %add3A_25] : memref<2x320000xi32, #tpu.memory_space<hbm>> -> memref<1x2560xi32, #tpu.memory_space<hbm>>
        %dma_start3A_83 = tpu.memref_squeeze %dma_start3A_82 : memref<1x2560xi32, #tpu.memory_space<hbm>> -> memref<2560xi32, #tpu.memory_space<hbm>>
        tpu.enqueue_dma source(%dma_start3A_83 : memref<2560xi32, #tpu.memory_space<hbm>>) target(%dma_start3A_81 : memref<2560xi32, #tpu.memory_space<vmem>>) target_semaphore(%run_scoped3A_76 : memref<!tpu.dma_semaphore, #tpu.memory_space<semaphore_mem>>)
        %dma_wait3A = arith.constant 0 : i32
        %dma_wait3A_84 = tpu.memref_slice %arg5[%dma_wait3A] : memref<5120xi32, #tpu.memory_space<vmem>> -> memref<2560xi32, #tpu.memory_space<vmem>>
        %dma_wait3A_85 = tpu.memref_slice %arg2[%run_scoped3A, %add3A_25] : memref<2x320000xi32, #tpu.memory_space<hbm>> -> memref<1x2560xi32, #tpu.memory_space<hbm>>
        %dma_wait3A_86 = tpu.memref_squeeze %dma_wait3A_85 : memref<1x2560xi32, #tpu.memory_space<hbm>> -> memref<2560xi32, #tpu.memory_space<hbm>>
        %dma_wait3A_87 = arith.constant 0 : i32
        %dma_wait3A_88 = tpu.memref_slice %arg5[%dma_wait3A_87] : memref<5120xi32, #tpu.memory_space<vmem>> -> memref<2560xi32, #tpu.memory_space<vmem>>
        %dma_wait3A_89 = tpu.memref_slice %arg2[%run_scoped3A, %add3A_25] : memref<2x320000xi32, #tpu.memory_space<hbm>> -> memref<1x2560xi32, #tpu.memory_space<hbm>>
        %dma_wait3A_90 = tpu.memref_squeeze %dma_wait3A_89 : memref<1x2560xi32, #tpu.memory_space<hbm>> -> memref<2560xi32, #tpu.memory_space<hbm>>
        tpu.wait_dma2 semaphore(%run_scoped3A_76 : memref<!tpu.dma_semaphore, #tpu.memory_space<semaphore_mem>>) src(%dma_wait3A_90 : memref<2560xi32, #tpu.memory_space<hbm>>) dst(%dma_wait3A_88 : memref<2560xi32, #tpu.memory_space<vmem>>)
        tpu.yield
      }) : () -> ()
    } else {
    }
    %gt3A_33 = arith.constant 0 : i32
    %gt3A_34 = arith.cmpi sgt, %min3A_19, %gt3A_33 : i32
    %convert_element_type3A_35 = arith.extui %gt3A_34 : i1 to i32
    %cond3A_36 = arith.constant 0 : i32
    %cond3A_37 = arith.cmpi ne, %convert_element_type3A_35, %cond3A_36 : i32
    scf.if %cond3A_37 {
      %mul3A_76 = arith.constant 8 : i32
      %mul3A_77 = arith.muli %min3A_19, %mul3A_76 : i32
      %jit3A_78 = arith.constant 4 : i32
      %div3A = arith.divsi %mul3A_77, %jit3A_78 : i32
      %sign3A = arith.constant 0 : i32
      %sign3A_79 = arith.cmpi sgt, %mul3A_77, %sign3A : i32
      %sign3A_80 = arith.extui %sign3A_79 : i1 to i32
      %sign3A_81 = arith.constant 0 : i32
      %sign3A_82 = arith.cmpi slt, %mul3A_77, %sign3A_81 : i32
      %sign3A_83 = arith.extui %sign3A_82 : i1 to i32
      %sign3A_84 = arith.subi %sign3A_80, %sign3A_83 : i32
      %sign3A_85 = arith.constant 0 : i32
      %sign3A_86 = arith.cmpi sgt, %jit3A_78, %sign3A_85 : i32
      %sign3A_87 = arith.extui %sign3A_86 : i1 to i32
      %sign3A_88 = arith.constant 0 : i32
      %sign3A_89 = arith.cmpi slt, %jit3A_78, %sign3A_88 : i32
      %sign3A_90 = arith.extui %sign3A_89 : i1 to i32
      %sign3A_91 = arith.subi %sign3A_87, %sign3A_90 : i32
      %ne3A = arith.cmpi ne, %sign3A_84, %sign3A_91 : i32
      %rem3A = arith.remsi %mul3A_77, %jit3A_78 : i32
      %ne3A_92 = arith.constant 0 : i32
      %ne3A_93 = arith.cmpi ne, %rem3A, %ne3A_92 : i32
      %and3A_94 = arith.andi %ne3A, %ne3A_93 : i1
      %sub3A_95 = arith.constant 1 : i32
      %sub3A_96 = arith.subi %div3A, %sub3A_95 : i32
      %select_n3A = arith.select %and3A_94, %sub3A_96, %div3A : i32
      %while3A = arith.constant 0 : i32
      %while3A_97 = arith.constant 0 : i32
      %while3A_98 = arith.subi %select_n3A, %while3A : i32
      %while3A_99 = arith.addi %while3A, %while3A_98 : i32
      %while3A_100 = arith.constant 1 : i32
      %while3A_101 = arith.divsi %while3A_98, %while3A_100 : i32
      %while3A_102 = arith.muli %while3A_101, %while3A_100 : i32
      %while3A_103 = arith.addi %while3A, %while3A_102 : i32
      %while3A_104 = arith.constant 1 : i32
      %while3A_105 = scf.for %while3A_112 = %while3A to %while3A_103 step %while3A_104 iter_args(%while3A_113 = %while3A_97) -> (i32)  : i32 {
        %mul3A_114 = arith.constant 4 : i32
        %mul3A_115 = arith.muli %while3A_112, %mul3A_114 : i32
        %add3A_116 = arith.constant 0 : i32
        %add3A_117 = arith.addi %mul3A_115, %add3A_116 : i32
        %mul3A_118 = arith.constant 16 : i32
        %mul3A_119 = arith.muli %add3A_117, %mul3A_118 : i32
        %get3A = arith.index_cast %mul3A_119 : i32 to index
        %get3A_120 = tpu.vector_load %arg5[%get3A] {strides = array<i32>} : memref<5120xi32, #tpu.memory_space<vmem>>, vector<16xi32>,
        tpu.vector_store_idx %arg7[%get3A_120], %broadcast_in_dim3A_3 {add = true} : memref<10240xf32, #tpu.memory_space<vmem>>[vector<16xi32>], vector<16xf32>,
        %jit3A_121 = arith.constant 8 : i32
        %div3A_122 = arith.divsi %add3A_117, %jit3A_121 : i32
        %sign3A_123 = arith.constant 0 : i32
        %sign3A_124 = arith.cmpi sgt, %add3A_117, %sign3A_123 : i32
        %sign3A_125 = arith.extui %sign3A_124 : i1 to i32
        %sign3A_126 = arith.constant 0 : i32
        %sign3A_127 = arith.cmpi slt, %add3A_117, %sign3A_126 : i32
        %sign3A_128 = arith.extui %sign3A_127 : i1 to i32
        %sign3A_129 = arith.subi %sign3A_125, %sign3A_128 : i32
        %sign3A_130 = arith.constant 0 : i32
        %sign3A_131 = arith.cmpi sgt, %jit3A_121, %sign3A_130 : i32
        %sign3A_132 = arith.extui %sign3A_131 : i1 to i32
        %sign3A_133 = arith.constant 0 : i32
        %sign3A_134 = arith.cmpi slt, %jit3A_121, %sign3A_133 : i32
        %sign3A_135 = arith.extui %sign3A_134 : i1 to i32
        %sign3A_136 = arith.subi %sign3A_132, %sign3A_135 : i32
        %ne3A_137 = arith.cmpi ne, %sign3A_129, %sign3A_136 : i32
        %rem3A_138 = arith.remsi %add3A_117, %jit3A_121 : i32
        %ne3A_139 = arith.constant 0 : i32
        %ne3A_140 = arith.cmpi ne, %rem3A_138, %ne3A_139 : i32
        %and3A_141 = arith.andi %ne3A_137, %ne3A_140 : i1
        %sub3A_142 = arith.constant 1 : i32
        %sub3A_143 = arith.subi %div3A_122, %sub3A_142 : i32
        %select_n3A_144 = arith.select %and3A_141, %sub3A_143, %div3A_122 : i32
        %jit3A_145 = arith.constant 8 : i32
        %eq3A = arith.constant 0 : i32
        %eq3A_146 = arith.cmpi eq, %jit3A_145, %eq3A : i32
        %jit3A_147 = arith.constant 1 : i32
        %select_n3A_148 = arith.select %eq3A_146, %jit3A_147, %jit3A_145 : i32
        %rem3A_149 = arith.remsi %add3A_117, %select_n3A_148 : i32
        %ne3A_150 = arith.constant 0 : i32
        %ne3A_151 = arith.cmpi ne, %rem3A_149, %ne3A_150 : i32
        %lt3A_152 = arith.constant 0 : i32
        %lt3A_153 = arith.cmpi slt, %rem3A_149, %lt3A_152 : i32
        %lt3A_154 = arith.constant 0 : i32
        %lt3A_155 = arith.cmpi slt, %select_n3A_148, %lt3A_154 : i32
        %ne3A_156 = arith.xori %lt3A_153, %lt3A_155 : i1
        %and3A_157 = arith.andi %ne3A_156, %ne3A_151 : i1
        %add3A_158 = arith.addi %rem3A_149, %select_n3A_148 : i32
        %select_n3A_159 = arith.select %and3A_157, %add3A_158, %rem3A_149 : i32
        %mul3A_160 = arith.constant 16 : i32
        %mul3A_161 = arith.muli %select_n3A_159, %mul3A_160 : i32
        %swap3A = arith.index_cast %select_n3A_144 : i32 to index
        %swap3A_162 = arith.index_cast %mul3A_161 : i32 to index
        %swap3A_163 = tpu.vector_load %arg6[%swap3A, %swap3A_162] {strides = array<i32>} : memref<40x128xi32, #tpu.memory_space<vmem>>, vector<16xi32>,
        tpu.vector_store %arg6[%swap3A, %swap3A_162], %get3A_120 {strides = array<i32>} : memref<40x128xi32, #tpu.memory_space<vmem>>, vector<16xi32>,
        %mul3A_164 = arith.constant 4 : i32
        %mul3A_165 = arith.muli %while3A_112, %mul3A_164 : i32
        %add3A_166 = arith.constant 1 : i32
        %add3A_167 = arith.addi %mul3A_165, %add3A_166 : i32
        %mul3A_168 = arith.constant 16 : i32
        %mul3A_169 = arith.muli %add3A_167, %mul3A_168 : i32
        %get3A_170 = arith.index_cast %mul3A_169 : i32 to index
        %get3A_171 = tpu.vector_load %arg5[%get3A_170] {strides = array<i32>} : memref<5120xi32, #tpu.memory_space<vmem>>, vector<16xi32>,
        tpu.vector_store_idx %arg7[%get3A_171], %broadcast_in_dim3A_3 {add = true} : memref<10240xf32, #tpu.memory_space<vmem>>[vector<16xi32>], vector<16xf32>,
        %jit3A_172 = arith.constant 8 : i32
        %div3A_173 = arith.divsi %add3A_167, %jit3A_172 : i32
        %sign3A_174 = arith.constant 0 : i32
        %sign3A_175 = arith.cmpi sgt, %add3A_167, %sign3A_174 : i32
        %sign3A_176 = arith.extui %sign3A_175 : i1 to i32
        %sign3A_177 = arith.constant 0 : i32
        %sign3A_178 = arith.cmpi slt, %add3A_167, %sign3A_177 : i32
        %sign3A_179 = arith.extui %sign3A_178 : i1 to i32
        %sign3A_180 = arith.subi %sign3A_176, %sign3A_179 : i32
        %sign3A_181 = arith.constant 0 : i32
        %sign3A_182 = arith.cmpi sgt, %jit3A_172, %sign3A_181 : i32
        %sign3A_183 = arith.extui %sign3A_182 : i1 to i32
        %sign3A_184 = arith.constant 0 : i32
        %sign3A_185 = arith.cmpi slt, %jit3A_172, %sign3A_184 : i32
        %sign3A_186 = arith.extui %sign3A_185 : i1 to i32
        %sign3A_187 = arith.subi %sign3A_183, %sign3A_186 : i32
        %ne3A_188 = arith.cmpi ne, %sign3A_180, %sign3A_187 : i32
        %rem3A_189 = arith.remsi %add3A_167, %jit3A_172 : i32
        %ne3A_190 = arith.constant 0 : i32
        %ne3A_191 = arith.cmpi ne, %rem3A_189, %ne3A_190 : i32
        %and3A_192 = arith.andi %ne3A_188, %ne3A_191 : i1
        %sub3A_193 = arith.constant 1 : i32
        %sub3A_194 = arith.subi %div3A_173, %sub3A_193 : i32
        %select_n3A_195 = arith.select %and3A_192, %sub3A_194, %div3A_173 : i32
        %jit3A_196 = arith.constant 8 : i32
        %eq3A_197 = arith.constant 0 : i32
        %eq3A_198 = arith.cmpi eq, %jit3A_196, %eq3A_197 : i32
        %jit3A_199 = arith.constant 1 : i32
        %select_n3A_200 = arith.select %eq3A_198, %jit3A_199, %jit3A_196 : i32
        %rem3A_201 = arith.remsi %add3A_167, %select_n3A_200 : i32
        %ne3A_202 = arith.constant 0 : i32
        %ne3A_203 = arith.cmpi ne, %rem3A_201, %ne3A_202 : i32
        %lt3A_204 = arith.constant 0 : i32
        %lt3A_205 = arith.cmpi slt, %rem3A_201, %lt3A_204 : i32
        %lt3A_206 = arith.constant 0 : i32
        %lt3A_207 = arith.cmpi slt, %select_n3A_200, %lt3A_206 : i32
        %ne3A_208 = arith.xori %lt3A_205, %lt3A_207 : i1
        %and3A_209 = arith.andi %ne3A_208, %ne3A_203 : i1
        %add3A_210 = arith.addi %rem3A_201, %select_n3A_200 : i32
        %select_n3A_211 = arith.select %and3A_209, %add3A_210, %rem3A_201 : i32
        %mul3A_212 = arith.constant 16 : i32
        %mul3A_213 = arith.muli %select_n3A_211, %mul3A_212 : i32
        %swap3A_214 = arith.index_cast %select_n3A_195 : i32 to index
        %swap3A_215 = arith.index_cast %mul3A_213 : i32 to index
        %swap3A_216 = tpu.vector_load %arg6[%swap3A_214, %swap3A_215] {strides = array<i32>} : memref<40x128xi32, #tpu.memory_space<vmem>>, vector<16xi32>,
        tpu.vector_store %arg6[%swap3A_214, %swap3A_215], %get3A_171 {strides = array<i32>} : memref<40x128xi32, #tpu.memory_space<vmem>>, vector<16xi32>,
        %mul3A_217 = arith.constant 4 : i32
        %mul3A_218 = arith.muli %while3A_112, %mul3A_217 : i32
        %add3A_219 = arith.constant 2 : i32
        %add3A_220 = arith.addi %mul3A_218, %add3A_219 : i32
        %mul3A_221 = arith.constant 16 : i32
        %mul3A_222 = arith.muli %add3A_220, %mul3A_221 : i32
        %get3A_223 = arith.index_cast %mul3A_222 : i32 to index
        %get3A_224 = tpu.vector_load %arg5[%get3A_223] {strides = array<i32>} : memref<5120xi32, #tpu.memory_space<vmem>>, vector<16xi32>,
        tpu.vector_store_idx %arg7[%get3A_224], %broadcast_in_dim3A_3 {add = true} : memref<10240xf32, #tpu.memory_space<vmem>>[vector<16xi32>], vector<16xf32>,
        %jit3A_225 = arith.constant 8 : i32
        %div3A_226 = arith.divsi %add3A_220, %jit3A_225 : i32
        %sign3A_227 = arith.constant 0 : i32
        %sign3A_228 = arith.cmpi sgt, %add3A_220, %sign3A_227 : i32
        %sign3A_229 = arith.extui %sign3A_228 : i1 to i32
        %sign3A_230 = arith.constant 0 : i32
        %sign3A_231 = arith.cmpi slt, %add3A_220, %sign3A_230 : i32
        %sign3A_232 = arith.extui %sign3A_231 : i1 to i32
        %sign3A_233 = arith.subi %sign3A_229, %sign3A_232 : i32
        %sign3A_234 = arith.constant 0 : i32
        %sign3A_235 = arith.cmpi sgt, %jit3A_225, %sign3A_234 : i32
        %sign3A_236 = arith.extui %sign3A_235 : i1 to i32
        %sign3A_237 = arith.constant 0 : i32
        %sign3A_238 = arith.cmpi slt, %jit3A_225, %sign3A_237 : i32
        %sign3A_239 = arith.extui %sign3A_238 : i1 to i32
        %sign3A_240 = arith.subi %sign3A_236, %sign3A_239 : i32
        %ne3A_241 = arith.cmpi ne, %sign3A_233, %sign3A_240 : i32
        %rem3A_242 = arith.remsi %add3A_220, %jit3A_225 : i32
        %ne3A_243 = arith.constant 0 : i32
        %ne3A_244 = arith.cmpi ne, %rem3A_242, %ne3A_243 : i32
        %and3A_245 = arith.andi %ne3A_241, %ne3A_244 : i1
        %sub3A_246 = arith.constant 1 : i32
        %sub3A_247 = arith.subi %div3A_226, %sub3A_246 : i32
        %select_n3A_248 = arith.select %and3A_245, %sub3A_247, %div3A_226 : i32
        %jit3A_249 = arith.constant 8 : i32
        %eq3A_250 = arith.constant 0 : i32
        %eq3A_251 = arith.cmpi eq, %jit3A_249, %eq3A_250 : i32
        %jit3A_252 = arith.constant 1 : i32
        %select_n3A_253 = arith.select %eq3A_251, %jit3A_252, %jit3A_249 : i32
        %rem3A_254 = arith.remsi %add3A_220, %select_n3A_253 : i32
        %ne3A_255 = arith.constant 0 : i32
        %ne3A_256 = arith.cmpi ne, %rem3A_254, %ne3A_255 : i32
        %lt3A_257 = arith.constant 0 : i32
        %lt3A_258 = arith.cmpi slt, %rem3A_254, %lt3A_257 : i32
        %lt3A_259 = arith.constant 0 : i32
        %lt3A_260 = arith.cmpi slt, %select_n3A_253, %lt3A_259 : i32
        %ne3A_261 = arith.xori %lt3A_258, %lt3A_260 : i1
        %and3A_262 = arith.andi %ne3A_261, %ne3A_256 : i1
        %add3A_263 = arith.addi %rem3A_254, %select_n3A_253 : i32
        %select_n3A_264 = arith.select %and3A_262, %add3A_263, %rem3A_254 : i32
        %mul3A_265 = arith.constant 16 : i32
        %mul3A_266 = arith.muli %select_n3A_264, %mul3A_265 : i32
        %swap3A_267 = arith.index_cast %select_n3A_248 : i32 to index
        %swap3A_268 = arith.index_cast %mul3A_266 : i32 to index
        %swap3A_269 = tpu.vector_load %arg6[%swap3A_267, %swap3A_268] {strides = array<i32>} : memref<40x128xi32, #tpu.memory_space<vmem>>, vector<16xi32>,
        tpu.vector_store %arg6[%swap3A_267, %swap3A_268], %get3A_224 {strides = array<i32>} : memref<40x128xi32, #tpu.memory_space<vmem>>, vector<16xi32>,
        %mul3A_270 = arith.constant 4 : i32
        %mul3A_271 = arith.muli %while3A_112, %mul3A_270 : i32
        %add3A_272 = arith.constant 3 : i32
        %add3A_273 = arith.addi %mul3A_271, %add3A_272 : i32
        %mul3A_274 = arith.constant 16 : i32
        %mul3A_275 = arith.muli %add3A_273, %mul3A_274 : i32
        %get3A_276 = arith.index_cast %mul3A_275 : i32 to index
        %get3A_277 = tpu.vector_load %arg5[%get3A_276] {strides = array<i32>} : memref<5120xi32, #tpu.memory_space<vmem>>, vector<16xi32>,
        tpu.vector_store_idx %arg7[%get3A_277], %broadcast_in_dim3A_3 {add = true} : memref<10240xf32, #tpu.memory_space<vmem>>[vector<16xi32>], vector<16xf32>,
        %jit3A_278 = arith.constant 8 : i32
        %div3A_279 = arith.divsi %add3A_273, %jit3A_278 : i32
        %sign3A_280 = arith.constant 0 : i32
        %sign3A_281 = arith.cmpi sgt, %add3A_273, %sign3A_280 : i32
        %sign3A_282 = arith.extui %sign3A_281 : i1 to i32
        %sign3A_283 = arith.constant 0 : i32
        %sign3A_284 = arith.cmpi slt, %add3A_273, %sign3A_283 : i32
        %sign3A_285 = arith.extui %sign3A_284 : i1 to i32
        %sign3A_286 = arith.subi %sign3A_282, %sign3A_285 : i32
        %sign3A_287 = arith.constant 0 : i32
        %sign3A_288 = arith.cmpi sgt, %jit3A_278, %sign3A_287 : i32
        %sign3A_289 = arith.extui %sign3A_288 : i1 to i32
        %sign3A_290 = arith.constant 0 : i32
        %sign3A_291 = arith.cmpi slt, %jit3A_278, %sign3A_290 : i32
        %sign3A_292 = arith.extui %sign3A_291 : i1 to i32
        %sign3A_293 = arith.subi %sign3A_289, %sign3A_292 : i32
        %ne3A_294 = arith.cmpi ne, %sign3A_286, %sign3A_293 : i32
        %rem3A_295 = arith.remsi %add3A_273, %jit3A_278 : i32
        %ne3A_296 = arith.constant 0 : i32
        %ne3A_297 = arith.cmpi ne, %rem3A_295, %ne3A_296 : i32
        %and3A_298 = arith.andi %ne3A_294, %ne3A_297 : i1
        %sub3A_299 = arith.constant 1 : i32
        %sub3A_300 = arith.subi %div3A_279, %sub3A_299 : i32
        %select_n3A_301 = arith.select %and3A_298, %sub3A_300, %div3A_279 : i32
        %jit3A_302 = arith.constant 8 : i32
        %eq3A_303 = arith.constant 0 : i32
        %eq3A_304 = arith.cmpi eq, %jit3A_302, %eq3A_303 : i32
        %jit3A_305 = arith.constant 1 : i32
        %select_n3A_306 = arith.select %eq3A_304, %jit3A_305, %jit3A_302 : i32
        %rem3A_307 = arith.remsi %add3A_273, %select_n3A_306 : i32
        %ne3A_308 = arith.constant 0 : i32
        %ne3A_309 = arith.cmpi ne, %rem3A_307, %ne3A_308 : i32
        %lt3A_310 = arith.constant 0 : i32
        %lt3A_311 = arith.cmpi slt, %rem3A_307, %lt3A_310 : i32
        %lt3A_312 = arith.constant 0 : i32
        %lt3A_313 = arith.cmpi slt, %select_n3A_306, %lt3A_312 : i32
        %ne3A_314 = arith.xori %lt3A_311, %lt3A_313 : i1
        %and3A_315 = arith.andi %ne3A_314, %ne3A_309 : i1
        %add3A_316 = arith.addi %rem3A_307, %select_n3A_306 : i32
        %select_n3A_317 = arith.select %and3A_315, %add3A_316, %rem3A_307 : i32
        %mul3A_318 = arith.constant 16 : i32
        %mul3A_319 = arith.muli %select_n3A_317, %mul3A_318 : i32
        %swap3A_320 = arith.index_cast %select_n3A_301 : i32 to index
        %swap3A_321 = arith.index_cast %mul3A_319 : i32 to index
        %swap3A_322 = tpu.vector_load %arg6[%swap3A_320, %swap3A_321] {strides = array<i32>} : memref<40x128xi32, #tpu.memory_space<vmem>>, vector<16xi32>,
        tpu.vector_store %arg6[%swap3A_320, %swap3A_321], %get3A_277 {strides = array<i32>} : memref<40x128xi32, #tpu.memory_space<vmem>>, vector<16xi32>,
        %while3A_323 = arith.constant 0 : i32
        scf.yield %while3A_323 : i32
      }
      %while3A_106 = arith.constant 1 : i32
      %while3A_107 = scf.for %while3A_112 = %while3A_103 to %while3A_99 step %while3A_106 iter_args(%while3A_113 = %while3A_105) -> (i32)  : i32 {
        %mul3A_114 = arith.constant 4 : i32
        %mul3A_115 = arith.muli %while3A_112, %mul3A_114 : i32
        %add3A_116 = arith.constant 0 : i32
        %add3A_117 = arith.addi %mul3A_115, %add3A_116 : i32
        %mul3A_118 = arith.constant 16 : i32
        %mul3A_119 = arith.muli %add3A_117, %mul3A_118 : i32
        %get3A = arith.index_cast %mul3A_119 : i32 to index
        %get3A_120 = tpu.vector_load %arg5[%get3A] {strides = array<i32>} : memref<5120xi32, #tpu.memory_space<vmem>>, vector<16xi32>,
        tpu.vector_store_idx %arg7[%get3A_120], %broadcast_in_dim3A_3 {add = true} : memref<10240xf32, #tpu.memory_space<vmem>>[vector<16xi32>], vector<16xf32>,
        %jit3A_121 = arith.constant 8 : i32
        %div3A_122 = arith.divsi %add3A_117, %jit3A_121 : i32
        %sign3A_123 = arith.constant 0 : i32
        %sign3A_124 = arith.cmpi sgt, %add3A_117, %sign3A_123 : i32
        %sign3A_125 = arith.extui %sign3A_124 : i1 to i32
        %sign3A_126 = arith.constant 0 : i32
        %sign3A_127 = arith.cmpi slt, %add3A_117, %sign3A_126 : i32
        %sign3A_128 = arith.extui %sign3A_127 : i1 to i32
        %sign3A_129 = arith.subi %sign3A_125, %sign3A_128 : i32
        %sign3A_130 = arith.constant 0 : i32
        %sign3A_131 = arith.cmpi sgt, %jit3A_121, %sign3A_130 : i32
        %sign3A_132 = arith.extui %sign3A_131 : i1 to i32
        %sign3A_133 = arith.constant 0 : i32
        %sign3A_134 = arith.cmpi slt, %jit3A_121, %sign3A_133 : i32
        %sign3A_135 = arith.extui %sign3A_134 : i1 to i32
        %sign3A_136 = arith.subi %sign3A_132, %sign3A_135 : i32
        %ne3A_137 = arith.cmpi ne, %sign3A_129, %sign3A_136 : i32
        %rem3A_138 = arith.remsi %add3A_117, %jit3A_121 : i32
        %ne3A_139 = arith.constant 0 : i32
        %ne3A_140 = arith.cmpi ne, %rem3A_138, %ne3A_139 : i32
        %and3A_141 = arith.andi %ne3A_137, %ne3A_140 : i1
        %sub3A_142 = arith.constant 1 : i32
        %sub3A_143 = arith.subi %div3A_122, %sub3A_142 : i32
        %select_n3A_144 = arith.select %and3A_141, %sub3A_143, %div3A_122 : i32
        %jit3A_145 = arith.constant 8 : i32
        %eq3A = arith.constant 0 : i32
        %eq3A_146 = arith.cmpi eq, %jit3A_145, %eq3A : i32
        %jit3A_147 = arith.constant 1 : i32
        %select_n3A_148 = arith.select %eq3A_146, %jit3A_147, %jit3A_145 : i32
        %rem3A_149 = arith.remsi %add3A_117, %select_n3A_148 : i32
        %ne3A_150 = arith.constant 0 : i32
        %ne3A_151 = arith.cmpi ne, %rem3A_149, %ne3A_150 : i32
        %lt3A_152 = arith.constant 0 : i32
        %lt3A_153 = arith.cmpi slt, %rem3A_149, %lt3A_152 : i32
        %lt3A_154 = arith.constant 0 : i32
        %lt3A_155 = arith.cmpi slt, %select_n3A_148, %lt3A_154 : i32
        %ne3A_156 = arith.xori %lt3A_153, %lt3A_155 : i1
        %and3A_157 = arith.andi %ne3A_156, %ne3A_151 : i1
        %add3A_158 = arith.addi %rem3A_149, %select_n3A_148 : i32
        %select_n3A_159 = arith.select %and3A_157, %add3A_158, %rem3A_149 : i32
        %mul3A_160 = arith.constant 16 : i32
        %mul3A_161 = arith.muli %select_n3A_159, %mul3A_160 : i32
        %swap3A = arith.index_cast %select_n3A_144 : i32 to index
        %swap3A_162 = arith.index_cast %mul3A_161 : i32 to index
        %swap3A_163 = tpu.vector_load %arg6[%swap3A, %swap3A_162] {strides = array<i32>} : memref<40x128xi32, #tpu.memory_space<vmem>>, vector<16xi32>,
        tpu.vector_store %arg6[%swap3A, %swap3A_162], %get3A_120 {strides = array<i32>} : memref<40x128xi32, #tpu.memory_space<vmem>>, vector<16xi32>,
        %mul3A_164 = arith.constant 4 : i32
        %mul3A_165 = arith.muli %while3A_112, %mul3A_164 : i32
        %add3A_166 = arith.constant 1 : i32
        %add3A_167 = arith.addi %mul3A_165, %add3A_166 : i32
        %mul3A_168 = arith.constant 16 : i32
        %mul3A_169 = arith.muli %add3A_167, %mul3A_168 : i32
        %get3A_170 = arith.index_cast %mul3A_169 : i32 to index
        %get3A_171 = tpu.vector_load %arg5[%get3A_170] {strides = array<i32>} : memref<5120xi32, #tpu.memory_space<vmem>>, vector<16xi32>,
        tpu.vector_store_idx %arg7[%get3A_171], %broadcast_in_dim3A_3 {add = true} : memref<10240xf32, #tpu.memory_space<vmem>>[vector<16xi32>], vector<16xf32>,
        %jit3A_172 = arith.constant 8 : i32
        %div3A_173 = arith.divsi %add3A_167, %jit3A_172 : i32
        %sign3A_174 = arith.constant 0 : i32
        %sign3A_175 = arith.cmpi sgt, %add3A_167, %sign3A_174 : i32
        %sign3A_176 = arith.extui %sign3A_175 : i1 to i32
        %sign3A_177 = arith.constant 0 : i32
        %sign3A_178 = arith.cmpi slt, %add3A_167, %sign3A_177 : i32
        %sign3A_179 = arith.extui %sign3A_178 : i1 to i32
        %sign3A_180 = arith.subi %sign3A_176, %sign3A_179 : i32
        %sign3A_181 = arith.constant 0 : i32
        %sign3A_182 = arith.cmpi sgt, %jit3A_172, %sign3A_181 : i32
        %sign3A_183 = arith.extui %sign3A_182 : i1 to i32
        %sign3A_184 = arith.constant 0 : i32
        %sign3A_185 = arith.cmpi slt, %jit3A_172, %sign3A_184 : i32
        %sign3A_186 = arith.extui %sign3A_185 : i1 to i32
        %sign3A_187 = arith.subi %sign3A_183, %sign3A_186 : i32
        %ne3A_188 = arith.cmpi ne, %sign3A_180, %sign3A_187 : i32
        %rem3A_189 = arith.remsi %add3A_167, %jit3A_172 : i32
        %ne3A_190 = arith.constant 0 : i32
        %ne3A_191 = arith.cmpi ne, %rem3A_189, %ne3A_190 : i32
        %and3A_192 = arith.andi %ne3A_188, %ne3A_191 : i1
        %sub3A_193 = arith.constant 1 : i32
        %sub3A_194 = arith.subi %div3A_173, %sub3A_193 : i32
        %select_n3A_195 = arith.select %and3A_192, %sub3A_194, %div3A_173 : i32
        %jit3A_196 = arith.constant 8 : i32
        %eq3A_197 = arith.constant 0 : i32
        %eq3A_198 = arith.cmpi eq, %jit3A_196, %eq3A_197 : i32
        %jit3A_199 = arith.constant 1 : i32
        %select_n3A_200 = arith.select %eq3A_198, %jit3A_199, %jit3A_196 : i32
        %rem3A_201 = arith.remsi %add3A_167, %select_n3A_200 : i32
        %ne3A_202 = arith.constant 0 : i32
        %ne3A_203 = arith.cmpi ne, %rem3A_201, %ne3A_202 : i32
        %lt3A_204 = arith.constant 0 : i32
        %lt3A_205 = arith.cmpi slt, %rem3A_201, %lt3A_204 : i32
        %lt3A_206 = arith.constant 0 : i32
        %lt3A_207 = arith.cmpi slt, %select_n3A_200, %lt3A_206 : i32
        %ne3A_208 = arith.xori %lt3A_205, %lt3A_207 : i1
        %and3A_209 = arith.andi %ne3A_208, %ne3A_203 : i1
        %add3A_210 = arith.addi %rem3A_201, %select_n3A_200 : i32
        %select_n3A_211 = arith.select %and3A_209, %add3A_210, %rem3A_201 : i32
        %mul3A_212 = arith.constant 16 : i32
        %mul3A_213 = arith.muli %select_n3A_211, %mul3A_212 : i32
        %swap3A_214 = arith.index_cast %select_n3A_195 : i32 to index
        %swap3A_215 = arith.index_cast %mul3A_213 : i32 to index
        %swap3A_216 = tpu.vector_load %arg6[%swap3A_214, %swap3A_215] {strides = array<i32>} : memref<40x128xi32, #tpu.memory_space<vmem>>, vector<16xi32>,
        tpu.vector_store %arg6[%swap3A_214, %swap3A_215], %get3A_171 {strides = array<i32>} : memref<40x128xi32, #tpu.memory_space<vmem>>, vector<16xi32>,
        %mul3A_217 = arith.constant 4 : i32
        %mul3A_218 = arith.muli %while3A_112, %mul3A_217 : i32
        %add3A_219 = arith.constant 2 : i32
        %add3A_220 = arith.addi %mul3A_218, %add3A_219 : i32
        %mul3A_221 = arith.constant 16 : i32
        %mul3A_222 = arith.muli %add3A_220, %mul3A_221 : i32
        %get3A_223 = arith.index_cast %mul3A_222 : i32 to index
        %get3A_224 = tpu.vector_load %arg5[%get3A_223] {strides = array<i32>} : memref<5120xi32, #tpu.memory_space<vmem>>, vector<16xi32>,
        tpu.vector_store_idx %arg7[%get3A_224], %broadcast_in_dim3A_3 {add = true} : memref<10240xf32, #tpu.memory_space<vmem>>[vector<16xi32>], vector<16xf32>,
        %jit3A_225 = arith.constant 8 : i32
        %div3A_226 = arith.divsi %add3A_220, %jit3A_225 : i32
        %sign3A_227 = arith.constant 0 : i32
        %sign3A_228 = arith.cmpi sgt, %add3A_220, %sign3A_227 : i32
        %sign3A_229 = arith.extui %sign3A_228 : i1 to i32
        %sign3A_230 = arith.constant 0 : i32
        %sign3A_231 = arith.cmpi slt, %add3A_220, %sign3A_230 : i32
        %sign3A_232 = arith.extui %sign3A_231 : i1 to i32
        %sign3A_233 = arith.subi %sign3A_229, %sign3A_232 : i32
        %sign3A_234 = arith.constant 0 : i32
        %sign3A_235 = arith.cmpi sgt, %jit3A_225, %sign3A_234 : i32
        %sign3A_236 = arith.extui %sign3A_235 : i1 to i32
        %sign3A_237 = arith.constant 0 : i32
        %sign3A_238 = arith.cmpi slt, %jit3A_225, %sign3A_237 : i32
        %sign3A_239 = arith.extui %sign3A_238 : i1 to i32
        %sign3A_240 = arith.subi %sign3A_236, %sign3A_239 : i32
        %ne3A_241 = arith.cmpi ne, %sign3A_233, %sign3A_240 : i32
        %rem3A_242 = arith.remsi %add3A_220, %jit3A_225 : i32
        %ne3A_243 = arith.constant 0 : i32
        %ne3A_244 = arith.cmpi ne, %rem3A_242, %ne3A_243 : i32
        %and3A_245 = arith.andi %ne3A_241, %ne3A_244 : i1
        %sub3A_246 = arith.constant 1 : i32
        %sub3A_247 = arith.subi %div3A_226, %sub3A_246 : i32
        %select_n3A_248 = arith.select %and3A_245, %sub3A_247, %div3A_226 : i32
        %jit3A_249 = arith.constant 8 : i32
        %eq3A_250 = arith.constant 0 : i32
        %eq3A_251 = arith.cmpi eq, %jit3A_249, %eq3A_250 : i32
        %jit3A_252 = arith.constant 1 : i32
        %select_n3A_253 = arith.select %eq3A_251, %jit3A_252, %jit3A_249 : i32
        %rem3A_254 = arith.remsi %add3A_220, %select_n3A_253 : i32
        %ne3A_255 = arith.constant 0 : i32
        %ne3A_256 = arith.cmpi ne, %rem3A_254, %ne3A_255 : i32
        %lt3A_257 = arith.constant 0 : i32
        %lt3A_258 = arith.cmpi slt, %rem3A_254, %lt3A_257 : i32
        %lt3A_259 = arith.constant 0 : i32
        %lt3A_260 = arith.cmpi slt, %select_n3A_253, %lt3A_259 : i32
        %ne3A_261 = arith.xori %lt3A_258, %lt3A_260 : i1
        %and3A_262 = arith.andi %ne3A_261, %ne3A_256 : i1
        %add3A_263 = arith.addi %rem3A_254, %select_n3A_253 : i32
        %select_n3A_264 = arith.select %and3A_262, %add3A_263, %rem3A_254 : i32
        %mul3A_265 = arith.constant 16 : i32
        %mul3A_266 = arith.muli %select_n3A_264, %mul3A_265 : i32
        %swap3A_267 = arith.index_cast %select_n3A_248 : i32 to index
        %swap3A_268 = arith.index_cast %mul3A_266 : i32 to index
        %swap3A_269 = tpu.vector_load %arg6[%swap3A_267, %swap3A_268] {strides = array<i32>} : memref<40x128xi32, #tpu.memory_space<vmem>>, vector<16xi32>,
        tpu.vector_store %arg6[%swap3A_267, %swap3A_268], %get3A_224 {strides = array<i32>} : memref<40x128xi32, #tpu.memory_space<vmem>>, vector<16xi32>,
        %mul3A_270 = arith.constant 4 : i32
        %mul3A_271 = arith.muli %while3A_112, %mul3A_270 : i32
        %add3A_272 = arith.constant 3 : i32
        %add3A_273 = arith.addi %mul3A_271, %add3A_272 : i32
        %mul3A_274 = arith.constant 16 : i32
        %mul3A_275 = arith.muli %add3A_273, %mul3A_274 : i32
        %get3A_276 = arith.index_cast %mul3A_275 : i32 to index
        %get3A_277 = tpu.vector_load %arg5[%get3A_276] {strides = array<i32>} : memref<5120xi32, #tpu.memory_space<vmem>>, vector<16xi32>,
        tpu.vector_store_idx %arg7[%get3A_277], %broadcast_in_dim3A_3 {add = true} : memref<10240xf32, #tpu.memory_space<vmem>>[vector<16xi32>], vector<16xf32>,
        %jit3A_278 = arith.constant 8 : i32
        %div3A_279 = arith.divsi %add3A_273, %jit3A_278 : i32
        %sign3A_280 = arith.constant 0 : i32
        %sign3A_281 = arith.cmpi sgt, %add3A_273, %sign3A_280 : i32
        %sign3A_282 = arith.extui %sign3A_281 : i1 to i32
        %sign3A_283 = arith.constant 0 : i32
        %sign3A_284 = arith.cmpi slt, %add3A_273, %sign3A_283 : i32
        %sign3A_285 = arith.extui %sign3A_284 : i1 to i32
        %sign3A_286 = arith.subi %sign3A_282, %sign3A_285 : i32
        %sign3A_287 = arith.constant 0 : i32
        %sign3A_288 = arith.cmpi sgt, %jit3A_278, %sign3A_287 : i32
        %sign3A_289 = arith.extui %sign3A_288 : i1 to i32
        %sign3A_290 = arith.constant 0 : i32
        %sign3A_291 = arith.cmpi slt, %jit3A_278, %sign3A_290 : i32
        %sign3A_292 = arith.extui %sign3A_291 : i1 to i32
        %sign3A_293 = arith.subi %sign3A_289, %sign3A_292 : i32
        %ne3A_294 = arith.cmpi ne, %sign3A_286, %sign3A_293 : i32
        %rem3A_295 = arith.remsi %add3A_273, %jit3A_278 : i32
        %ne3A_296 = arith.constant 0 : i32
        %ne3A_297 = arith.cmpi ne, %rem3A_295, %ne3A_296 : i32
        %and3A_298 = arith.andi %ne3A_294, %ne3A_297 : i1
        %sub3A_299 = arith.constant 1 : i32
        %sub3A_300 = arith.subi %div3A_279, %sub3A_299 : i32
        %select_n3A_301 = arith.select %and3A_298, %sub3A_300, %div3A_279 : i32
        %jit3A_302 = arith.constant 8 : i32
        %eq3A_303 = arith.constant 0 : i32
        %eq3A_304 = arith.cmpi eq, %jit3A_302, %eq3A_303 : i32
        %jit3A_305 = arith.constant 1 : i32
        %select_n3A_306 = arith.select %eq3A_304, %jit3A_305, %jit3A_302 : i32
        %rem3A_307 = arith.remsi %add3A_273, %select_n3A_306 : i32
        %ne3A_308 = arith.constant 0 : i32
        %ne3A_309 = arith.cmpi ne, %rem3A_307, %ne3A_308 : i32
        %lt3A_310 = arith.constant 0 : i32
        %lt3A_311 = arith.cmpi slt, %rem3A_307, %lt3A_310 : i32
        %lt3A_312 = arith.constant 0 : i32
        %lt3A_313 = arith.cmpi slt, %select_n3A_306, %lt3A_312 : i32
        %ne3A_314 = arith.xori %lt3A_311, %lt3A_313 : i1
        %and3A_315 = arith.andi %ne3A_314, %ne3A_309 : i1
        %add3A_316 = arith.addi %rem3A_307, %select_n3A_306 : i32
        %select_n3A_317 = arith.select %and3A_315, %add3A_316, %rem3A_307 : i32
        %mul3A_318 = arith.constant 16 : i32
        %mul3A_319 = arith.muli %select_n3A_317, %mul3A_318 : i32
        %swap3A_320 = arith.index_cast %select_n3A_301 : i32 to index
        %swap3A_321 = arith.index_cast %mul3A_319 : i32 to index
        %swap3A_322 = tpu.vector_load %arg6[%swap3A_320, %swap3A_321] {strides = array<i32>} : memref<40x128xi32, #tpu.memory_space<vmem>>, vector<16xi32>,
        tpu.vector_store %arg6[%swap3A_320, %swap3A_321], %get3A_277 {strides = array<i32>} : memref<40x128xi32, #tpu.memory_space<vmem>>, vector<16xi32>,
        %while3A_323 = arith.constant 0 : i32
        scf.yield %while3A_323 : i32
      }
      %mul3A_108 = arith.constant 80 : i32
      %mul3A_109 = arith.muli %add3A, %mul3A_108 : i32
      %add3A_110 = arith.constant 0 : i32
      %add3A_111 = arith.addi %mul3A_109, %add3A_110 : i32
      "tpu.region"() ({
        %run_scoped3A = tpu.sem_alloc : memref<!tpu.dma_semaphore, #tpu.memory_space<semaphore_mem>>
        %dma_start3A = arith.constant 0 : i32
        %dma_start3A_112 = tpu.memref_slice %arg4[%add3A_111, %dma_start3A] : memref<2560x128xi32, #tpu.memory_space<hbm>> -> memref<40x128xi32, #tpu.memory_space<hbm>>
        %dma_start3A_113 = arith.constant 0 : i32
        %dma_start3A_114 = tpu.memref_slice %arg4[%add3A_111, %dma_start3A_113] : memref<2560x128xi32, #tpu.memory_space<hbm>> -> memref<40x128xi32, #tpu.memory_space<hbm>>
        tpu.enqueue_dma source(%arg6 : memref<40x128xi32, #tpu.memory_space<vmem>>) target(%dma_start3A_114 : memref<40x128xi32, #tpu.memory_space<hbm>>) target_semaphore(%run_scoped3A : memref<!tpu.dma_semaphore, #tpu.memory_space<semaphore_mem>>)
        %dma_wait3A = arith.constant 0 : i32
        %dma_wait3A_115 = tpu.memref_slice %arg4[%add3A_111, %dma_wait3A] : memref<2560x128xi32, #tpu.memory_space<hbm>> -> memref<40x128xi32, #tpu.memory_space<hbm>>
        %dma_wait3A_116 = arith.constant 0 : i32
        %dma_wait3A_117 = tpu.memref_slice %arg4[%add3A_111, %dma_wait3A_116] : memref<2560x128xi32, #tpu.memory_space<hbm>> -> memref<40x128xi32, #tpu.memory_space<hbm>>
        tpu.wait_dma2 semaphore(%run_scoped3A : memref<!tpu.dma_semaphore, #tpu.memory_space<semaphore_mem>>) src(%arg6 : memref<40x128xi32, #tpu.memory_space<vmem>>) dst(%dma_wait3A_117 : memref<40x128xi32, #tpu.memory_space<hbm>>)
        tpu.yield
      }) : () -> ()
    } else {
    }
    %mul3A_38 = arith.constant 80 : i32
    %mul3A_39 = arith.muli %add3A, %mul3A_38 : i32
    %sub3A_40 = arith.constant 2500 : i32
    %sub3A_41 = arith.subi %sub3A_40, %mul3A_39 : i32
    %jit3A_42 = arith.constant 0 : i32
    %jit3A_43 = arith.constant 80 : i32
    %max3A_44 = arith.maxsi %jit3A_42, %sub3A_41 : i32
    %min3A_45 = arith.minsi %jit3A_43, %max3A_44 : i32
    %sub3A_46 = arith.constant 40 : i32
    %sub3A_47 = arith.subi %min3A_45, %sub3A_46 : i32
    %jit3A_48 = arith.constant 0 : i32
    %jit3A_49 = arith.constant 40 : i32
    %max3A_50 = arith.maxsi %jit3A_48, %sub3A_47 : i32
    %min3A_51 = arith.minsi %jit3A_49, %max3A_50 : i32
    %mul3A_52 = arith.constant 80 : i32
    %mul3A_53 = arith.muli %add3A, %mul3A_52 : i32
    %mul3A_54 = arith.constant 128 : i32
    %mul3A_55 = arith.muli %mul3A_53, %mul3A_54 : i32
    %add3A_56 = arith.constant 5120 : i32
    %add3A_57 = arith.addi %mul3A_55, %add3A_56 : i32
    %ge3A_58 = arith.constant 40 : i32
    %ge3A_59 = arith.cmpi sge, %min3A_51, %ge3A_58 : i32
    %convert_element_type3A_60 = arith.extui %ge3A_59 : i1 to i32
    %cond3A_61 = arith.constant 0 : i32
    %cond3A_62 = arith.cmpi ne, %convert_element_type3A_60, %cond3A_61 : i32
    scf.if %cond3A_62 {
      %run_scoped3A = arith.constant 1 : i32
      "tpu.region"() ({
        %run_scoped3A_76 = tpu.sem_alloc : memref<!tpu.dma_semaphore, #tpu.memory_space<semaphore_mem>>
        %dma_start3A = tpu.memref_slice %arg2[%run_scoped3A, %add3A_57] : memref<2x320000xi32, #tpu.memory_space<hbm>> -> memref<1x5120xi32, #tpu.memory_space<hbm>>
        %dma_start3A_77 = tpu.memref_squeeze %dma_start3A : memref<1x5120xi32, #tpu.memory_space<hbm>> -> memref<5120xi32, #tpu.memory_space<hbm>>
        %dma_start3A_78 = tpu.memref_slice %arg2[%run_scoped3A, %add3A_57] : memref<2x320000xi32, #tpu.memory_space<hbm>> -> memref<1x5120xi32, #tpu.memory_space<hbm>>
        %dma_start3A_79 = tpu.memref_squeeze %dma_start3A_78 : memref<1x5120xi32, #tpu.memory_space<hbm>> -> memref<5120xi32, #tpu.memory_space<hbm>>
        tpu.enqueue_dma source(%dma_start3A_79 : memref<5120xi32, #tpu.memory_space<hbm>>) target(%arg5 : memref<5120xi32, #tpu.memory_space<vmem>>) target_semaphore(%run_scoped3A_76 : memref<!tpu.dma_semaphore, #tpu.memory_space<semaphore_mem>>)
        %dma_wait3A = tpu.memref_slice %arg2[%run_scoped3A, %add3A_57] : memref<2x320000xi32, #tpu.memory_space<hbm>> -> memref<1x5120xi32, #tpu.memory_space<hbm>>
        %dma_wait3A_80 = tpu.memref_squeeze %dma_wait3A : memref<1x5120xi32, #tpu.memory_space<hbm>> -> memref<5120xi32, #tpu.memory_space<hbm>>
        %dma_wait3A_81 = tpu.memref_slice %arg2[%run_scoped3A, %add3A_57] : memref<2x320000xi32, #tpu.memory_space<hbm>> -> memref<1x5120xi32, #tpu.memory_space<hbm>>
        %dma_wait3A_82 = tpu.memref_squeeze %dma_wait3A_81 : memref<1x5120xi32, #tpu.memory_space<hbm>> -> memref<5120xi32, #tpu.memory_space<hbm>>
        tpu.wait_dma2 semaphore(%run_scoped3A_76 : memref<!tpu.dma_semaphore, #tpu.memory_space<semaphore_mem>>) src(%dma_wait3A_82 : memref<5120xi32, #tpu.memory_space<hbm>>) dst(%arg5 : memref<5120xi32, #tpu.memory_space<vmem>>)
        tpu.yield
      }) : () -> ()
    } else {
    }
    %gt3A_63 = arith.constant 0 : i32
    %gt3A_64 = arith.cmpi sgt, %min3A_51, %gt3A_63 : i32
    %lt3A_65 = arith.constant 40 : i32
    %lt3A_66 = arith.cmpi slt, %min3A_51, %lt3A_65 : i32
    %and3A_67 = arith.andi %gt3A_64, %lt3A_66 : i1
    %convert_element_type3A_68 = arith.extui %and3A_67 : i1 to i32
    %cond3A_69 = arith.constant 0 : i32
    %cond3A_70 = arith.cmpi ne, %convert_element_type3A_68, %cond3A_69 : i32
    scf.if %cond3A_70 {
      %run_scoped3A = arith.constant 1 : i32
      "tpu.region"() ({
        %run_scoped3A_76 = tpu.sem_alloc : memref<!tpu.dma_semaphore, #tpu.memory_space<semaphore_mem>>
        %dma_start3A = arith.constant 0 : i32
        %dma_start3A_77 = tpu.memref_slice %arg5[%dma_start3A] : memref<5120xi32, #tpu.memory_space<vmem>> -> memref<2560xi32, #tpu.memory_space<vmem>>
        %dma_start3A_78 = tpu.memref_slice %arg2[%run_scoped3A, %add3A_57] : memref<2x320000xi32, #tpu.memory_space<hbm>> -> memref<1x2560xi32, #tpu.memory_space<hbm>>
        %dma_start3A_79 = tpu.memref_squeeze %dma_start3A_78 : memref<1x2560xi32, #tpu.memory_space<hbm>> -> memref<2560xi32, #tpu.memory_space<hbm>>
        %dma_start3A_80 = arith.constant 0 : i32
        %dma_start3A_81 = tpu.memref_slice %arg5[%dma_start3A_80] : memref<5120xi32, #tpu.memory_space<vmem>> -> memref<2560xi32, #tpu.memory_space<vmem>>
        %dma_start3A_82 = tpu.memref_slice %arg2[%run_scoped3A, %add3A_57] : memref<2x320000xi32, #tpu.memory_space<hbm>> -> memref<1x2560xi32, #tpu.memory_space<hbm>>
        %dma_start3A_83 = tpu.memref_squeeze %dma_start3A_82 : memref<1x2560xi32, #tpu.memory_space<hbm>> -> memref<2560xi32, #tpu.memory_space<hbm>>
        tpu.enqueue_dma source(%dma_start3A_83 : memref<2560xi32, #tpu.memory_space<hbm>>) target(%dma_start3A_81 : memref<2560xi32, #tpu.memory_space<vmem>>) target_semaphore(%run_scoped3A_76 : memref<!tpu.dma_semaphore, #tpu.memory_space<semaphore_mem>>)
        %dma_wait3A = arith.constant 0 : i32
        %dma_wait3A_84 = tpu.memref_slice %arg5[%dma_wait3A] : memref<5120xi32, #tpu.memory_space<vmem>> -> memref<2560xi32, #tpu.memory_space<vmem>>
        %dma_wait3A_85 = tpu.memref_slice %arg2[%run_scoped3A, %add3A_57] : memref<2x320000xi32, #tpu.memory_space<hbm>> -> memref<1x2560xi32, #tpu.memory_space<hbm>>
        %dma_wait3A_86 = tpu.memref_squeeze %dma_wait3A_85 : memref<1x2560xi32, #tpu.memory_space<hbm>> -> memref<2560xi32, #tpu.memory_space<hbm>>
        %dma_wait3A_87 = arith.constant 0 : i32
        %dma_wait3A_88 = tpu.memref_slice %arg5[%dma_wait3A_87] : memref<5120xi32, #tpu.memory_space<vmem>> -> memref<2560xi32, #tpu.memory_space<vmem>>
        %dma_wait3A_89 = tpu.memref_slice %arg2[%run_scoped3A, %add3A_57] : memref<2x320000xi32, #tpu.memory_space<hbm>> -> memref<1x2560xi32, #tpu.memory_space<hbm>>
        %dma_wait3A_90 = tpu.memref_squeeze %dma_wait3A_89 : memref<1x2560xi32, #tpu.memory_space<hbm>> -> memref<2560xi32, #tpu.memory_space<hbm>>
        tpu.wait_dma2 semaphore(%run_scoped3A_76 : memref<!tpu.dma_semaphore, #tpu.memory_space<semaphore_mem>>) src(%dma_wait3A_90 : memref<2560xi32, #tpu.memory_space<hbm>>) dst(%dma_wait3A_88 : memref<2560xi32, #tpu.memory_space<vmem>>)
        tpu.yield
      }) : () -> ()
    } else {
    }
    %gt3A_71 = arith.constant 0 : i32
    %gt3A_72 = arith.cmpi sgt, %min3A_51, %gt3A_71 : i32
    %convert_element_type3A_73 = arith.extui %gt3A_72 : i1 to i32
    %cond3A_74 = arith.constant 0 : i32
    %cond3A_75 = arith.cmpi ne, %convert_element_type3A_73, %cond3A_74 : i32
    scf.if %cond3A_75 {
      %mul3A_76 = arith.constant 8 : i32
      %mul3A_77 = arith.muli %min3A_51, %mul3A_76 : i32
      %jit3A_78 = arith.constant 4 : i32
      %div3A = arith.divsi %mul3A_77, %jit3A_78 : i32
      %sign3A = arith.constant 0 : i32
      %sign3A_79 = arith.cmpi sgt, %mul3A_77, %sign3A : i32
      %sign3A_80 = arith.extui %sign3A_79 : i1 to i32
      %sign3A_81 = arith.constant 0 : i32
      %sign3A_82 = arith.cmpi slt, %mul3A_77, %sign3A_81 : i32
      %sign3A_83 = arith.extui %sign3A_82 : i1 to i32
      %sign3A_84 = arith.subi %sign3A_80, %sign3A_83 : i32
      %sign3A_85 = arith.constant 0 : i32
      %sign3A_86 = arith.cmpi sgt, %jit3A_78, %sign3A_85 : i32
      %sign3A_87 = arith.extui %sign3A_86 : i1 to i32
      %sign3A_88 = arith.constant 0 : i32
      %sign3A_89 = arith.cmpi slt, %jit3A_78, %sign3A_88 : i32
      %sign3A_90 = arith.extui %sign3A_89 : i1 to i32
      %sign3A_91 = arith.subi %sign3A_87, %sign3A_90 : i32
      %ne3A = arith.cmpi ne, %sign3A_84, %sign3A_91 : i32
      %rem3A = arith.remsi %mul3A_77, %jit3A_78 : i32
      %ne3A_92 = arith.constant 0 : i32
      %ne3A_93 = arith.cmpi ne, %rem3A, %ne3A_92 : i32
      %and3A_94 = arith.andi %ne3A, %ne3A_93 : i1
      %sub3A_95 = arith.constant 1 : i32
      %sub3A_96 = arith.subi %div3A, %sub3A_95 : i32
      %select_n3A = arith.select %and3A_94, %sub3A_96, %div3A : i32
      %while3A = arith.constant 0 : i32
      %while3A_97 = arith.constant 0 : i32
      %while3A_98 = arith.subi %select_n3A, %while3A : i32
      %while3A_99 = arith.addi %while3A, %while3A_98 : i32
      %while3A_100 = arith.constant 1 : i32
      %while3A_101 = arith.divsi %while3A_98, %while3A_100 : i32
      %while3A_102 = arith.muli %while3A_101, %while3A_100 : i32
      %while3A_103 = arith.addi %while3A, %while3A_102 : i32
      %while3A_104 = arith.constant 1 : i32
      %while3A_105 = scf.for %while3A_112 = %while3A to %while3A_103 step %while3A_104 iter_args(%while3A_113 = %while3A_97) -> (i32)  : i32 {
        %mul3A_114 = arith.constant 4 : i32
        %mul3A_115 = arith.muli %while3A_112, %mul3A_114 : i32
        %add3A_116 = arith.constant 0 : i32
        %add3A_117 = arith.addi %mul3A_115, %add3A_116 : i32
        %mul3A_118 = arith.constant 16 : i32
        %mul3A_119 = arith.muli %add3A_117, %mul3A_118 : i32
        %get3A = arith.index_cast %mul3A_119 : i32 to index
        %get3A_120 = tpu.vector_load %arg5[%get3A] {strides = array<i32>} : memref<5120xi32, #tpu.memory_space<vmem>>, vector<16xi32>,
        tpu.vector_store_idx %arg7[%get3A_120], %broadcast_in_dim3A_3 {add = true} : memref<10240xf32, #tpu.memory_space<vmem>>[vector<16xi32>], vector<16xf32>,
        %jit3A_121 = arith.constant 8 : i32
        %div3A_122 = arith.divsi %add3A_117, %jit3A_121 : i32
        %sign3A_123 = arith.constant 0 : i32
        %sign3A_124 = arith.cmpi sgt, %add3A_117, %sign3A_123 : i32
        %sign3A_125 = arith.extui %sign3A_124 : i1 to i32
        %sign3A_126 = arith.constant 0 : i32
        %sign3A_127 = arith.cmpi slt, %add3A_117, %sign3A_126 : i32
        %sign3A_128 = arith.extui %sign3A_127 : i1 to i32
        %sign3A_129 = arith.subi %sign3A_125, %sign3A_128 : i32
        %sign3A_130 = arith.constant 0 : i32
        %sign3A_131 = arith.cmpi sgt, %jit3A_121, %sign3A_130 : i32
        %sign3A_132 = arith.extui %sign3A_131 : i1 to i32
        %sign3A_133 = arith.constant 0 : i32
        %sign3A_134 = arith.cmpi slt, %jit3A_121, %sign3A_133 : i32
        %sign3A_135 = arith.extui %sign3A_134 : i1 to i32
        %sign3A_136 = arith.subi %sign3A_132, %sign3A_135 : i32
        %ne3A_137 = arith.cmpi ne, %sign3A_129, %sign3A_136 : i32
        %rem3A_138 = arith.remsi %add3A_117, %jit3A_121 : i32
        %ne3A_139 = arith.constant 0 : i32
        %ne3A_140 = arith.cmpi ne, %rem3A_138, %ne3A_139 : i32
        %and3A_141 = arith.andi %ne3A_137, %ne3A_140 : i1
        %sub3A_142 = arith.constant 1 : i32
        %sub3A_143 = arith.subi %div3A_122, %sub3A_142 : i32
        %select_n3A_144 = arith.select %and3A_141, %sub3A_143, %div3A_122 : i32
        %jit3A_145 = arith.constant 8 : i32
        %eq3A = arith.constant 0 : i32
        %eq3A_146 = arith.cmpi eq, %jit3A_145, %eq3A : i32
        %jit3A_147 = arith.constant 1 : i32
        %select_n3A_148 = arith.select %eq3A_146, %jit3A_147, %jit3A_145 : i32
        %rem3A_149 = arith.remsi %add3A_117, %select_n3A_148 : i32
        %ne3A_150 = arith.constant 0 : i32
        %ne3A_151 = arith.cmpi ne, %rem3A_149, %ne3A_150 : i32
        %lt3A_152 = arith.constant 0 : i32
        %lt3A_153 = arith.cmpi slt, %rem3A_149, %lt3A_152 : i32
        %lt3A_154 = arith.constant 0 : i32
        %lt3A_155 = arith.cmpi slt, %select_n3A_148, %lt3A_154 : i32
        %ne3A_156 = arith.xori %lt3A_153, %lt3A_155 : i1
        %and3A_157 = arith.andi %ne3A_156, %ne3A_151 : i1
        %add3A_158 = arith.addi %rem3A_149, %select_n3A_148 : i32
        %select_n3A_159 = arith.select %and3A_157, %add3A_158, %rem3A_149 : i32
        %mul3A_160 = arith.constant 16 : i32
        %mul3A_161 = arith.muli %select_n3A_159, %mul3A_160 : i32
        %swap3A = arith.index_cast %select_n3A_144 : i32 to index
        %swap3A_162 = arith.index_cast %mul3A_161 : i32 to index
        %swap3A_163 = tpu.vector_load %arg6[%swap3A, %swap3A_162] {strides = array<i32>} : memref<40x128xi32, #tpu.memory_space<vmem>>, vector<16xi32>,
        tpu.vector_store %arg6[%swap3A, %swap3A_162], %get3A_120 {strides = array<i32>} : memref<40x128xi32, #tpu.memory_space<vmem>>, vector<16xi32>,
        %mul3A_164 = arith.constant 4 : i32
        %mul3A_165 = arith.muli %while3A_112, %mul3A_164 : i32
        %add3A_166 = arith.constant 1 : i32
        %add3A_167 = arith.addi %mul3A_165, %add3A_166 : i32
        %mul3A_168 = arith.constant 16 : i32
        %mul3A_169 = arith.muli %add3A_167, %mul3A_168 : i32
        %get3A_170 = arith.index_cast %mul3A_169 : i32 to index
        %get3A_171 = tpu.vector_load %arg5[%get3A_170] {strides = array<i32>} : memref<5120xi32, #tpu.memory_space<vmem>>, vector<16xi32>,
        tpu.vector_store_idx %arg7[%get3A_171], %broadcast_in_dim3A_3 {add = true} : memref<10240xf32, #tpu.memory_space<vmem>>[vector<16xi32>], vector<16xf32>,
        %jit3A_172 = arith.constant 8 : i32
        %div3A_173 = arith.divsi %add3A_167, %jit3A_172 : i32
        %sign3A_174 = arith.constant 0 : i32
        %sign3A_175 = arith.cmpi sgt, %add3A_167, %sign3A_174 : i32
        %sign3A_176 = arith.extui %sign3A_175 : i1 to i32
        %sign3A_177 = arith.constant 0 : i32
        %sign3A_178 = arith.cmpi slt, %add3A_167, %sign3A_177 : i32
        %sign3A_179 = arith.extui %sign3A_178 : i1 to i32
        %sign3A_180 = arith.subi %sign3A_176, %sign3A_179 : i32
        %sign3A_181 = arith.constant 0 : i32
        %sign3A_182 = arith.cmpi sgt, %jit3A_172, %sign3A_181 : i32
        %sign3A_183 = arith.extui %sign3A_182 : i1 to i32
        %sign3A_184 = arith.constant 0 : i32
        %sign3A_185 = arith.cmpi slt, %jit3A_172, %sign3A_184 : i32
        %sign3A_186 = arith.extui %sign3A_185 : i1 to i32
        %sign3A_187 = arith.subi %sign3A_183, %sign3A_186 : i32
        %ne3A_188 = arith.cmpi ne, %sign3A_180, %sign3A_187 : i32
        %rem3A_189 = arith.remsi %add3A_167, %jit3A_172 : i32
        %ne3A_190 = arith.constant 0 : i32
        %ne3A_191 = arith.cmpi ne, %rem3A_189, %ne3A_190 : i32
        %and3A_192 = arith.andi %ne3A_188, %ne3A_191 : i1
        %sub3A_193 = arith.constant 1 : i32
        %sub3A_194 = arith.subi %div3A_173, %sub3A_193 : i32
        %select_n3A_195 = arith.select %and3A_192, %sub3A_194, %div3A_173 : i32
        %jit3A_196 = arith.constant 8 : i32
        %eq3A_197 = arith.constant 0 : i32
        %eq3A_198 = arith.cmpi eq, %jit3A_196, %eq3A_197 : i32
        %jit3A_199 = arith.constant 1 : i32
        %select_n3A_200 = arith.select %eq3A_198, %jit3A_199, %jit3A_196 : i32
        %rem3A_201 = arith.remsi %add3A_167, %select_n3A_200 : i32
        %ne3A_202 = arith.constant 0 : i32
        %ne3A_203 = arith.cmpi ne, %rem3A_201, %ne3A_202 : i32
        %lt3A_204 = arith.constant 0 : i32
        %lt3A_205 = arith.cmpi slt, %rem3A_201, %lt3A_204 : i32
        %lt3A_206 = arith.constant 0 : i32
        %lt3A_207 = arith.cmpi slt, %select_n3A_200, %lt3A_206 : i32
        %ne3A_208 = arith.xori %lt3A_205, %lt3A_207 : i1
        %and3A_209 = arith.andi %ne3A_208, %ne3A_203 : i1
        %add3A_210 = arith.addi %rem3A_201, %select_n3A_200 : i32
        %select_n3A_211 = arith.select %and3A_209, %add3A_210, %rem3A_201 : i32
        %mul3A_212 = arith.constant 16 : i32
        %mul3A_213 = arith.muli %select_n3A_211, %mul3A_212 : i32
        %swap3A_214 = arith.index_cast %select_n3A_195 : i32 to index
        %swap3A_215 = arith.index_cast %mul3A_213 : i32 to index
        %swap3A_216 = tpu.vector_load %arg6[%swap3A_214, %swap3A_215] {strides = array<i32>} : memref<40x128xi32, #tpu.memory_space<vmem>>, vector<16xi32>,
        tpu.vector_store %arg6[%swap3A_214, %swap3A_215], %get3A_171 {strides = array<i32>} : memref<40x128xi32, #tpu.memory_space<vmem>>, vector<16xi32>,
        %mul3A_217 = arith.constant 4 : i32
        %mul3A_218 = arith.muli %while3A_112, %mul3A_217 : i32
        %add3A_219 = arith.constant 2 : i32
        %add3A_220 = arith.addi %mul3A_218, %add3A_219 : i32
        %mul3A_221 = arith.constant 16 : i32
        %mul3A_222 = arith.muli %add3A_220, %mul3A_221 : i32
        %get3A_223 = arith.index_cast %mul3A_222 : i32 to index
        %get3A_224 = tpu.vector_load %arg5[%get3A_223] {strides = array<i32>} : memref<5120xi32, #tpu.memory_space<vmem>>, vector<16xi32>,
        tpu.vector_store_idx %arg7[%get3A_224], %broadcast_in_dim3A_3 {add = true} : memref<10240xf32, #tpu.memory_space<vmem>>[vector<16xi32>], vector<16xf32>,
        %jit3A_225 = arith.constant 8 : i32
        %div3A_226 = arith.divsi %add3A_220, %jit3A_225 : i32
        %sign3A_227 = arith.constant 0 : i32
        %sign3A_228 = arith.cmpi sgt, %add3A_220, %sign3A_227 : i32
        %sign3A_229 = arith.extui %sign3A_228 : i1 to i32
        %sign3A_230 = arith.constant 0 : i32
        %sign3A_231 = arith.cmpi slt, %add3A_220, %sign3A_230 : i32
        %sign3A_232 = arith.extui %sign3A_231 : i1 to i32
        %sign3A_233 = arith.subi %sign3A_229, %sign3A_232 : i32
        %sign3A_234 = arith.constant 0 : i32
        %sign3A_235 = arith.cmpi sgt, %jit3A_225, %sign3A_234 : i32
        %sign3A_236 = arith.extui %sign3A_235 : i1 to i32
        %sign3A_237 = arith.constant 0 : i32
        %sign3A_238 = arith.cmpi slt, %jit3A_225, %sign3A_237 : i32
        %sign3A_239 = arith.extui %sign3A_238 : i1 to i32
        %sign3A_240 = arith.subi %sign3A_236, %sign3A_239 : i32
        %ne3A_241 = arith.cmpi ne, %sign3A_233, %sign3A_240 : i32
        %rem3A_242 = arith.remsi %add3A_220, %jit3A_225 : i32
        %ne3A_243 = arith.constant 0 : i32
        %ne3A_244 = arith.cmpi ne, %rem3A_242, %ne3A_243 : i32
        %and3A_245 = arith.andi %ne3A_241, %ne3A_244 : i1
        %sub3A_246 = arith.constant 1 : i32
        %sub3A_247 = arith.subi %div3A_226, %sub3A_246 : i32
        %select_n3A_248 = arith.select %and3A_245, %sub3A_247, %div3A_226 : i32
        %jit3A_249 = arith.constant 8 : i32
        %eq3A_250 = arith.constant 0 : i32
        %eq3A_251 = arith.cmpi eq, %jit3A_249, %eq3A_250 : i32
        %jit3A_252 = arith.constant 1 : i32
        %select_n3A_253 = arith.select %eq3A_251, %jit3A_252, %jit3A_249 : i32
        %rem3A_254 = arith.remsi %add3A_220, %select_n3A_253 : i32
        %ne3A_255 = arith.constant 0 : i32
        %ne3A_256 = arith.cmpi ne, %rem3A_254, %ne3A_255 : i32
        %lt3A_257 = arith.constant 0 : i32
        %lt3A_258 = arith.cmpi slt, %rem3A_254, %lt3A_257 : i32
        %lt3A_259 = arith.constant 0 : i32
        %lt3A_260 = arith.cmpi slt, %select_n3A_253, %lt3A_259 : i32
        %ne3A_261 = arith.xori %lt3A_258, %lt3A_260 : i1
        %and3A_262 = arith.andi %ne3A_261, %ne3A_256 : i1
        %add3A_263 = arith.addi %rem3A_254, %select_n3A_253 : i32
        %select_n3A_264 = arith.select %and3A_262, %add3A_263, %rem3A_254 : i32
        %mul3A_265 = arith.constant 16 : i32
        %mul3A_266 = arith.muli %select_n3A_264, %mul3A_265 : i32
        %swap3A_267 = arith.index_cast %select_n3A_248 : i32 to index
        %swap3A_268 = arith.index_cast %mul3A_266 : i32 to index
        %swap3A_269 = tpu.vector_load %arg6[%swap3A_267, %swap3A_268] {strides = array<i32>} : memref<40x128xi32, #tpu.memory_space<vmem>>, vector<16xi32>,
        tpu.vector_store %arg6[%swap3A_267, %swap3A_268], %get3A_224 {strides = array<i32>} : memref<40x128xi32, #tpu.memory_space<vmem>>, vector<16xi32>,
        %mul3A_270 = arith.constant 4 : i32
        %mul3A_271 = arith.muli %while3A_112, %mul3A_270 : i32
        %add3A_272 = arith.constant 3 : i32
        %add3A_273 = arith.addi %mul3A_271, %add3A_272 : i32
        %mul3A_274 = arith.constant 16 : i32
        %mul3A_275 = arith.muli %add3A_273, %mul3A_274 : i32
        %get3A_276 = arith.index_cast %mul3A_275 : i32 to index
        %get3A_277 = tpu.vector_load %arg5[%get3A_276] {strides = array<i32>} : memref<5120xi32, #tpu.memory_space<vmem>>, vector<16xi32>,
        tpu.vector_store_idx %arg7[%get3A_277], %broadcast_in_dim3A_3 {add = true} : memref<10240xf32, #tpu.memory_space<vmem>>[vector<16xi32>], vector<16xf32>,
        %jit3A_278 = arith.constant 8 : i32
        %div3A_279 = arith.divsi %add3A_273, %jit3A_278 : i32
        %sign3A_280 = arith.constant 0 : i32
        %sign3A_281 = arith.cmpi sgt, %add3A_273, %sign3A_280 : i32
        %sign3A_282 = arith.extui %sign3A_281 : i1 to i32
        %sign3A_283 = arith.constant 0 : i32
        %sign3A_284 = arith.cmpi slt, %add3A_273, %sign3A_283 : i32
        %sign3A_285 = arith.extui %sign3A_284 : i1 to i32
        %sign3A_286 = arith.subi %sign3A_282, %sign3A_285 : i32
        %sign3A_287 = arith.constant 0 : i32
        %sign3A_288 = arith.cmpi sgt, %jit3A_278, %sign3A_287 : i32
        %sign3A_289 = arith.extui %sign3A_288 : i1 to i32
        %sign3A_290 = arith.constant 0 : i32
        %sign3A_291 = arith.cmpi slt, %jit3A_278, %sign3A_290 : i32
        %sign3A_292 = arith.extui %sign3A_291 : i1 to i32
        %sign3A_293 = arith.subi %sign3A_289, %sign3A_292 : i32
        %ne3A_294 = arith.cmpi ne, %sign3A_286, %sign3A_293 : i32
        %rem3A_295 = arith.remsi %add3A_273, %jit3A_278 : i32
        %ne3A_296 = arith.constant 0 : i32
        %ne3A_297 = arith.cmpi ne, %rem3A_295, %ne3A_296 : i32
        %and3A_298 = arith.andi %ne3A_294, %ne3A_297 : i1
        %sub3A_299 = arith.constant 1 : i32
        %sub3A_300 = arith.subi %div3A_279, %sub3A_299 : i32
        %select_n3A_301 = arith.select %and3A_298, %sub3A_300, %div3A_279 : i32
        %jit3A_302 = arith.constant 8 : i32
        %eq3A_303 = arith.constant 0 : i32
        %eq3A_304 = arith.cmpi eq, %jit3A_302, %eq3A_303 : i32
        %jit3A_305 = arith.constant 1 : i32
        %select_n3A_306 = arith.select %eq3A_304, %jit3A_305, %jit3A_302 : i32
        %rem3A_307 = arith.remsi %add3A_273, %select_n3A_306 : i32
        %ne3A_308 = arith.constant 0 : i32
        %ne3A_309 = arith.cmpi ne, %rem3A_307, %ne3A_308 : i32
        %lt3A_310 = arith.constant 0 : i32
        %lt3A_311 = arith.cmpi slt, %rem3A_307, %lt3A_310 : i32
        %lt3A_312 = arith.constant 0 : i32
        %lt3A_313 = arith.cmpi slt, %select_n3A_306, %lt3A_312 : i32
        %ne3A_314 = arith.xori %lt3A_311, %lt3A_313 : i1
        %and3A_315 = arith.andi %ne3A_314, %ne3A_309 : i1
        %add3A_316 = arith.addi %rem3A_307, %select_n3A_306 : i32
        %select_n3A_317 = arith.select %and3A_315, %add3A_316, %rem3A_307 : i32
        %mul3A_318 = arith.constant 16 : i32
        %mul3A_319 = arith.muli %select_n3A_317, %mul3A_318 : i32
        %swap3A_320 = arith.index_cast %select_n3A_301 : i32 to index
        %swap3A_321 = arith.index_cast %mul3A_319 : i32 to index
        %swap3A_322 = tpu.vector_load %arg6[%swap3A_320, %swap3A_321] {strides = array<i32>} : memref<40x128xi32, #tpu.memory_space<vmem>>, vector<16xi32>,
        tpu.vector_store %arg6[%swap3A_320, %swap3A_321], %get3A_277 {strides = array<i32>} : memref<40x128xi32, #tpu.memory_space<vmem>>, vector<16xi32>,
        %while3A_323 = arith.constant 0 : i32
        scf.yield %while3A_323 : i32
      }
      %while3A_106 = arith.constant 1 : i32
      %while3A_107 = scf.for %while3A_112 = %while3A_103 to %while3A_99 step %while3A_106 iter_args(%while3A_113 = %while3A_105) -> (i32)  : i32 {
        %mul3A_114 = arith.constant 4 : i32
        %mul3A_115 = arith.muli %while3A_112, %mul3A_114 : i32
        %add3A_116 = arith.constant 0 : i32
        %add3A_117 = arith.addi %mul3A_115, %add3A_116 : i32
        %mul3A_118 = arith.constant 16 : i32
        %mul3A_119 = arith.muli %add3A_117, %mul3A_118 : i32
        %get3A = arith.index_cast %mul3A_119 : i32 to index
        %get3A_120 = tpu.vector_load %arg5[%get3A] {strides = array<i32>} : memref<5120xi32, #tpu.memory_space<vmem>>, vector<16xi32>,
        tpu.vector_store_idx %arg7[%get3A_120], %broadcast_in_dim3A_3 {add = true} : memref<10240xf32, #tpu.memory_space<vmem>>[vector<16xi32>], vector<16xf32>,
        %jit3A_121 = arith.constant 8 : i32
        %div3A_122 = arith.divsi %add3A_117, %jit3A_121 : i32
        %sign3A_123 = arith.constant 0 : i32
        %sign3A_124 = arith.cmpi sgt, %add3A_117, %sign3A_123 : i32
        %sign3A_125 = arith.extui %sign3A_124 : i1 to i32
        %sign3A_126 = arith.constant 0 : i32
        %sign3A_127 = arith.cmpi slt, %add3A_117, %sign3A_126 : i32
        %sign3A_128 = arith.extui %sign3A_127 : i1 to i32
        %sign3A_129 = arith.subi %sign3A_125, %sign3A_128 : i32
        %sign3A_130 = arith.constant 0 : i32
        %sign3A_131 = arith.cmpi sgt, %jit3A_121, %sign3A_130 : i32
        %sign3A_132 = arith.extui %sign3A_131 : i1 to i32
        %sign3A_133 = arith.constant 0 : i32
        %sign3A_134 = arith.cmpi slt, %jit3A_121, %sign3A_133 : i32
        %sign3A_135 = arith.extui %sign3A_134 : i1 to i32
        %sign3A_136 = arith.subi %sign3A_132, %sign3A_135 : i32
        %ne3A_137 = arith.cmpi ne, %sign3A_129, %sign3A_136 : i32
        %rem3A_138 = arith.remsi %add3A_117, %jit3A_121 : i32
        %ne3A_139 = arith.constant 0 : i32
        %ne3A_140 = arith.cmpi ne, %rem3A_138, %ne3A_139 : i32
        %and3A_141 = arith.andi %ne3A_137, %ne3A_140 : i1
        %sub3A_142 = arith.constant 1 : i32
        %sub3A_143 = arith.subi %div3A_122, %sub3A_142 : i32
        %select_n3A_144 = arith.select %and3A_141, %sub3A_143, %div3A_122 : i32
        %jit3A_145 = arith.constant 8 : i32
        %eq3A = arith.constant 0 : i32
        %eq3A_146 = arith.cmpi eq, %jit3A_145, %eq3A : i32
        %jit3A_147 = arith.constant 1 : i32
        %select_n3A_148 = arith.select %eq3A_146, %jit3A_147, %jit3A_145 : i32
        %rem3A_149 = arith.remsi %add3A_117, %select_n3A_148 : i32
        %ne3A_150 = arith.constant 0 : i32
        %ne3A_151 = arith.cmpi ne, %rem3A_149, %ne3A_150 : i32
        %lt3A_152 = arith.constant 0 : i32
        %lt3A_153 = arith.cmpi slt, %rem3A_149, %lt3A_152 : i32
        %lt3A_154 = arith.constant 0 : i32
        %lt3A_155 = arith.cmpi slt, %select_n3A_148, %lt3A_154 : i32
        %ne3A_156 = arith.xori %lt3A_153, %lt3A_155 : i1
        %and3A_157 = arith.andi %ne3A_156, %ne3A_151 : i1
        %add3A_158 = arith.addi %rem3A_149, %select_n3A_148 : i32
        %select_n3A_159 = arith.select %and3A_157, %add3A_158, %rem3A_149 : i32
        %mul3A_160 = arith.constant 16 : i32
        %mul3A_161 = arith.muli %select_n3A_159, %mul3A_160 : i32
        %swap3A = arith.index_cast %select_n3A_144 : i32 to index
        %swap3A_162 = arith.index_cast %mul3A_161 : i32 to index
        %swap3A_163 = tpu.vector_load %arg6[%swap3A, %swap3A_162] {strides = array<i32>} : memref<40x128xi32, #tpu.memory_space<vmem>>, vector<16xi32>,
        tpu.vector_store %arg6[%swap3A, %swap3A_162], %get3A_120 {strides = array<i32>} : memref<40x128xi32, #tpu.memory_space<vmem>>, vector<16xi32>,
        %mul3A_164 = arith.constant 4 : i32
        %mul3A_165 = arith.muli %while3A_112, %mul3A_164 : i32
        %add3A_166 = arith.constant 1 : i32
        %add3A_167 = arith.addi %mul3A_165, %add3A_166 : i32
        %mul3A_168 = arith.constant 16 : i32
        %mul3A_169 = arith.muli %add3A_167, %mul3A_168 : i32
        %get3A_170 = arith.index_cast %mul3A_169 : i32 to index
        %get3A_171 = tpu.vector_load %arg5[%get3A_170] {strides = array<i32>} : memref<5120xi32, #tpu.memory_space<vmem>>, vector<16xi32>,
        tpu.vector_store_idx %arg7[%get3A_171], %broadcast_in_dim3A_3 {add = true} : memref<10240xf32, #tpu.memory_space<vmem>>[vector<16xi32>], vector<16xf32>,
        %jit3A_172 = arith.constant 8 : i32
        %div3A_173 = arith.divsi %add3A_167, %jit3A_172 : i32
        %sign3A_174 = arith.constant 0 : i32
        %sign3A_175 = arith.cmpi sgt, %add3A_167, %sign3A_174 : i32
        %sign3A_176 = arith.extui %sign3A_175 : i1 to i32
        %sign3A_177 = arith.constant 0 : i32
        %sign3A_178 = arith.cmpi slt, %add3A_167, %sign3A_177 : i32
        %sign3A_179 = arith.extui %sign3A_178 : i1 to i32
        %sign3A_180 = arith.subi %sign3A_176, %sign3A_179 : i32
        %sign3A_181 = arith.constant 0 : i32
        %sign3A_182 = arith.cmpi sgt, %jit3A_172, %sign3A_181 : i32
        %sign3A_183 = arith.extui %sign3A_182 : i1 to i32
        %sign3A_184 = arith.constant 0 : i32
        %sign3A_185 = arith.cmpi slt, %jit3A_172, %sign3A_184 : i32
        %sign3A_186 = arith.extui %sign3A_185 : i1 to i32
        %sign3A_187 = arith.subi %sign3A_183, %sign3A_186 : i32
        %ne3A_188 = arith.cmpi ne, %sign3A_180, %sign3A_187 : i32
        %rem3A_189 = arith.remsi %add3A_167, %jit3A_172 : i32
        %ne3A_190 = arith.constant 0 : i32
        %ne3A_191 = arith.cmpi ne, %rem3A_189, %ne3A_190 : i32
        %and3A_192 = arith.andi %ne3A_188, %ne3A_191 : i1
        %sub3A_193 = arith.constant 1 : i32
        %sub3A_194 = arith.subi %div3A_173, %sub3A_193 : i32
        %select_n3A_195 = arith.select %and3A_192, %sub3A_194, %div3A_173 : i32
        %jit3A_196 = arith.constant 8 : i32
        %eq3A_197 = arith.constant 0 : i32
        %eq3A_198 = arith.cmpi eq, %jit3A_196, %eq3A_197 : i32
        %jit3A_199 = arith.constant 1 : i32
        %select_n3A_200 = arith.select %eq3A_198, %jit3A_199, %jit3A_196 : i32
        %rem3A_201 = arith.remsi %add3A_167, %select_n3A_200 : i32
        %ne3A_202 = arith.constant 0 : i32
        %ne3A_203 = arith.cmpi ne, %rem3A_201, %ne3A_202 : i32
        %lt3A_204 = arith.constant 0 : i32
        %lt3A_205 = arith.cmpi slt, %rem3A_201, %lt3A_204 : i32
        %lt3A_206 = arith.constant 0 : i32
        %lt3A_207 = arith.cmpi slt, %select_n3A_200, %lt3A_206 : i32
        %ne3A_208 = arith.xori %lt3A_205, %lt3A_207 : i1
        %and3A_209 = arith.andi %ne3A_208, %ne3A_203 : i1
        %add3A_210 = arith.addi %rem3A_201, %select_n3A_200 : i32
        %select_n3A_211 = arith.select %and3A_209, %add3A_210, %rem3A_201 : i32
        %mul3A_212 = arith.constant 16 : i32
        %mul3A_213 = arith.muli %select_n3A_211, %mul3A_212 : i32
        %swap3A_214 = arith.index_cast %select_n3A_195 : i32 to index
        %swap3A_215 = arith.index_cast %mul3A_213 : i32 to index
        %swap3A_216 = tpu.vector_load %arg6[%swap3A_214, %swap3A_215] {strides = array<i32>} : memref<40x128xi32, #tpu.memory_space<vmem>>, vector<16xi32>,
        tpu.vector_store %arg6[%swap3A_214, %swap3A_215], %get3A_171 {strides = array<i32>} : memref<40x128xi32, #tpu.memory_space<vmem>>, vector<16xi32>,
        %mul3A_217 = arith.constant 4 : i32
        %mul3A_218 = arith.muli %while3A_112, %mul3A_217 : i32
        %add3A_219 = arith.constant 2 : i32
        %add3A_220 = arith.addi %mul3A_218, %add3A_219 : i32
        %mul3A_221 = arith.constant 16 : i32
        %mul3A_222 = arith.muli %add3A_220, %mul3A_221 : i32
        %get3A_223 = arith.index_cast %mul3A_222 : i32 to index
        %get3A_224 = tpu.vector_load %arg5[%get3A_223] {strides = array<i32>} : memref<5120xi32, #tpu.memory_space<vmem>>, vector<16xi32>,
        tpu.vector_store_idx %arg7[%get3A_224], %broadcast_in_dim3A_3 {add = true} : memref<10240xf32, #tpu.memory_space<vmem>>[vector<16xi32>], vector<16xf32>,
        %jit3A_225 = arith.constant 8 : i32
        %div3A_226 = arith.divsi %add3A_220, %jit3A_225 : i32
        %sign3A_227 = arith.constant 0 : i32
        %sign3A_228 = arith.cmpi sgt, %add3A_220, %sign3A_227 : i32
        %sign3A_229 = arith.extui %sign3A_228 : i1 to i32
        %sign3A_230 = arith.constant 0 : i32
        %sign3A_231 = arith.cmpi slt, %add3A_220, %sign3A_230 : i32
        %sign3A_232 = arith.extui %sign3A_231 : i1 to i32
        %sign3A_233 = arith.subi %sign3A_229, %sign3A_232 : i32
        %sign3A_234 = arith.constant 0 : i32
        %sign3A_235 = arith.cmpi sgt, %jit3A_225, %sign3A_234 : i32
        %sign3A_236 = arith.extui %sign3A_235 : i1 to i32
        %sign3A_237 = arith.constant 0 : i32
        %sign3A_238 = arith.cmpi slt, %jit3A_225, %sign3A_237 : i32
        %sign3A_239 = arith.extui %sign3A_238 : i1 to i32
        %sign3A_240 = arith.subi %sign3A_236, %sign3A_239 : i32
        %ne3A_241 = arith.cmpi ne, %sign3A_233, %sign3A_240 : i32
        %rem3A_242 = arith.remsi %add3A_220, %jit3A_225 : i32
        %ne3A_243 = arith.constant 0 : i32
        %ne3A_244 = arith.cmpi ne, %rem3A_242, %ne3A_243 : i32
        %and3A_245 = arith.andi %ne3A_241, %ne3A_244 : i1
        %sub3A_246 = arith.constant 1 : i32
        %sub3A_247 = arith.subi %div3A_226, %sub3A_246 : i32
        %select_n3A_248 = arith.select %and3A_245, %sub3A_247, %div3A_226 : i32
        %jit3A_249 = arith.constant 8 : i32
        %eq3A_250 = arith.constant 0 : i32
        %eq3A_251 = arith.cmpi eq, %jit3A_249, %eq3A_250 : i32
        %jit3A_252 = arith.constant 1 : i32
        %select_n3A_253 = arith.select %eq3A_251, %jit3A_252, %jit3A_249 : i32
        %rem3A_254 = arith.remsi %add3A_220, %select_n3A_253 : i32
        %ne3A_255 = arith.constant 0 : i32
        %ne3A_256 = arith.cmpi ne, %rem3A_254, %ne3A_255 : i32
        %lt3A_257 = arith.constant 0 : i32
        %lt3A_258 = arith.cmpi slt, %rem3A_254, %lt3A_257 : i32
        %lt3A_259 = arith.constant 0 : i32
        %lt3A_260 = arith.cmpi slt, %select_n3A_253, %lt3A_259 : i32
        %ne3A_261 = arith.xori %lt3A_258, %lt3A_260 : i1
        %and3A_262 = arith.andi %ne3A_261, %ne3A_256 : i1
        %add3A_263 = arith.addi %rem3A_254, %select_n3A_253 : i32
        %select_n3A_264 = arith.select %and3A_262, %add3A_263, %rem3A_254 : i32
        %mul3A_265 = arith.constant 16 : i32
        %mul3A_266 = arith.muli %select_n3A_264, %mul3A_265 : i32
        %swap3A_267 = arith.index_cast %select_n3A_248 : i32 to index
        %swap3A_268 = arith.index_cast %mul3A_266 : i32 to index
        %swap3A_269 = tpu.vector_load %arg6[%swap3A_267, %swap3A_268] {strides = array<i32>} : memref<40x128xi32, #tpu.memory_space<vmem>>, vector<16xi32>,
        tpu.vector_store %arg6[%swap3A_267, %swap3A_268], %get3A_224 {strides = array<i32>} : memref<40x128xi32, #tpu.memory_space<vmem>>, vector<16xi32>,
        %mul3A_270 = arith.constant 4 : i32
        %mul3A_271 = arith.muli %while3A_112, %mul3A_270 : i32
        %add3A_272 = arith.constant 3 : i32
        %add3A_273 = arith.addi %mul3A_271, %add3A_272 : i32
        %mul3A_274 = arith.constant 16 : i32
        %mul3A_275 = arith.muli %add3A_273, %mul3A_274 : i32
        %get3A_276 = arith.index_cast %mul3A_275 : i32 to index
        %get3A_277 = tpu.vector_load %arg5[%get3A_276] {strides = array<i32>} : memref<5120xi32, #tpu.memory_space<vmem>>, vector<16xi32>,
        tpu.vector_store_idx %arg7[%get3A_277], %broadcast_in_dim3A_3 {add = true} : memref<10240xf32, #tpu.memory_space<vmem>>[vector<16xi32>], vector<16xf32>,
        %jit3A_278 = arith.constant 8 : i32
        %div3A_279 = arith.divsi %add3A_273, %jit3A_278 : i32
        %sign3A_280 = arith.constant 0 : i32
        %sign3A_281 = arith.cmpi sgt, %add3A_273, %sign3A_280 : i32
        %sign3A_282 = arith.extui %sign3A_281 : i1 to i32
        %sign3A_283 = arith.constant 0 : i32
        %sign3A_284 = arith.cmpi slt, %add3A_273, %sign3A_283 : i32
        %sign3A_285 = arith.extui %sign3A_284 : i1 to i32
        %sign3A_286 = arith.subi %sign3A_282, %sign3A_285 : i32
        %sign3A_287 = arith.constant 0 : i32
        %sign3A_288 = arith.cmpi sgt, %jit3A_278, %sign3A_287 : i32
        %sign3A_289 = arith.extui %sign3A_288 : i1 to i32
        %sign3A_290 = arith.constant 0 : i32
        %sign3A_291 = arith.cmpi slt, %jit3A_278, %sign3A_290 : i32
        %sign3A_292 = arith.extui %sign3A_291 : i1 to i32
        %sign3A_293 = arith.subi %sign3A_289, %sign3A_292 : i32
        %ne3A_294 = arith.cmpi ne, %sign3A_286, %sign3A_293 : i32
        %rem3A_295 = arith.remsi %add3A_273, %jit3A_278 : i32
        %ne3A_296 = arith.constant 0 : i32
        %ne3A_297 = arith.cmpi ne, %rem3A_295, %ne3A_296 : i32
        %and3A_298 = arith.andi %ne3A_294, %ne3A_297 : i1
        %sub3A_299 = arith.constant 1 : i32
        %sub3A_300 = arith.subi %div3A_279, %sub3A_299 : i32
        %select_n3A_301 = arith.select %and3A_298, %sub3A_300, %div3A_279 : i32
        %jit3A_302 = arith.constant 8 : i32
        %eq3A_303 = arith.constant 0 : i32
        %eq3A_304 = arith.cmpi eq, %jit3A_302, %eq3A_303 : i32
        %jit3A_305 = arith.constant 1 : i32
        %select_n3A_306 = arith.select %eq3A_304, %jit3A_305, %jit3A_302 : i32
        %rem3A_307 = arith.remsi %add3A_273, %select_n3A_306 : i32
        %ne3A_308 = arith.constant 0 : i32
        %ne3A_309 = arith.cmpi ne, %rem3A_307, %ne3A_308 : i32
        %lt3A_310 = arith.constant 0 : i32
        %lt3A_311 = arith.cmpi slt, %rem3A_307, %lt3A_310 : i32
        %lt3A_312 = arith.constant 0 : i32
        %lt3A_313 = arith.cmpi slt, %select_n3A_306, %lt3A_312 : i32
        %ne3A_314 = arith.xori %lt3A_311, %lt3A_313 : i1
        %and3A_315 = arith.andi %ne3A_314, %ne3A_309 : i1
        %add3A_316 = arith.addi %rem3A_307, %select_n3A_306 : i32
        %select_n3A_317 = arith.select %and3A_315, %add3A_316, %rem3A_307 : i32
        %mul3A_318 = arith.constant 16 : i32
        %mul3A_319 = arith.muli %select_n3A_317, %mul3A_318 : i32
        %swap3A_320 = arith.index_cast %select_n3A_301 : i32 to index
        %swap3A_321 = arith.index_cast %mul3A_319 : i32 to index
        %swap3A_322 = tpu.vector_load %arg6[%swap3A_320, %swap3A_321] {strides = array<i32>} : memref<40x128xi32, #tpu.memory_space<vmem>>, vector<16xi32>,
        tpu.vector_store %arg6[%swap3A_320, %swap3A_321], %get3A_277 {strides = array<i32>} : memref<40x128xi32, #tpu.memory_space<vmem>>, vector<16xi32>,
        %while3A_323 = arith.constant 0 : i32
        scf.yield %while3A_323 : i32
      }
      %mul3A_108 = arith.constant 80 : i32
      %mul3A_109 = arith.muli %add3A, %mul3A_108 : i32
      %add3A_110 = arith.constant 40 : i32
      %add3A_111 = arith.addi %mul3A_109, %add3A_110 : i32
      "tpu.region"() ({
        %run_scoped3A = tpu.sem_alloc : memref<!tpu.dma_semaphore, #tpu.memory_space<semaphore_mem>>
        %dma_start3A = arith.constant 0 : i32
        %dma_start3A_112 = tpu.memref_slice %arg4[%add3A_111, %dma_start3A] : memref<2560x128xi32, #tpu.memory_space<hbm>> -> memref<40x128xi32, #tpu.memory_space<hbm>>
        %dma_start3A_113 = arith.constant 0 : i32
        %dma_start3A_114 = tpu.memref_slice %arg4[%add3A_111, %dma_start3A_113] : memref<2560x128xi32, #tpu.memory_space<hbm>> -> memref<40x128xi32, #tpu.memory_space<hbm>>
        tpu.enqueue_dma source(%arg6 : memref<40x128xi32, #tpu.memory_space<vmem>>) target(%dma_start3A_114 : memref<40x128xi32, #tpu.memory_space<hbm>>) target_semaphore(%run_scoped3A : memref<!tpu.dma_semaphore, #tpu.memory_space<semaphore_mem>>)
        %dma_wait3A = arith.constant 0 : i32
        %dma_wait3A_115 = tpu.memref_slice %arg4[%add3A_111, %dma_wait3A] : memref<2560x128xi32, #tpu.memory_space<hbm>> -> memref<40x128xi32, #tpu.memory_space<hbm>>
        %dma_wait3A_116 = arith.constant 0 : i32
        %dma_wait3A_117 = tpu.memref_slice %arg4[%add3A_111, %dma_wait3A_116] : memref<2560x128xi32, #tpu.memory_space<hbm>> -> memref<40x128xi32, #tpu.memory_space<hbm>>
        tpu.wait_dma2 semaphore(%run_scoped3A : memref<!tpu.dma_semaphore, #tpu.memory_space<semaphore_mem>>) src(%arg6 : memref<40x128xi32, #tpu.memory_space<vmem>>) dst(%dma_wait3A_117 : memref<40x128xi32, #tpu.memory_space<hbm>>)
        tpu.yield
      }) : () -> ()
    } else {
    }
    "tpu.region"() ({
      %run_scoped3A = tpu.sem_alloc : memref<!tpu.dma_semaphore, #tpu.memory_space<semaphore_mem>>
      %dma_start3A = arith.constant 0 : i32
      %dma_start3A_76 = tpu.memref_slice %arg3[%add3A, %dma_start3A] : memref<32x10240xf32, #tpu.memory_space<hbm>> -> memref<1x10240xf32, #tpu.memory_space<hbm>>
      %dma_start3A_77 = tpu.memref_squeeze %dma_start3A_76 : memref<1x10240xf32, #tpu.memory_space<hbm>> -> memref<10240xf32, #tpu.memory_space<hbm>>
      %dma_start3A_78 = arith.constant 0 : i32
      %dma_start3A_79 = tpu.memref_slice %arg3[%add3A, %dma_start3A_78] : memref<32x10240xf32, #tpu.memory_space<hbm>> -> memref<1x10240xf32, #tpu.memory_space<hbm>>
      %dma_start3A_80 = tpu.memref_squeeze %dma_start3A_79 : memref<1x10240xf32, #tpu.memory_space<hbm>> -> memref<10240xf32, #tpu.memory_space<hbm>>
      tpu.enqueue_dma source(%arg7 : memref<10240xf32, #tpu.memory_space<vmem>>) target(%dma_start3A_80 : memref<10240xf32, #tpu.memory_space<hbm>>) target_semaphore(%run_scoped3A : memref<!tpu.dma_semaphore, #tpu.memory_space<semaphore_mem>>)
      %dma_wait3A = arith.constant 0 : i32
      %dma_wait3A_81 = tpu.memref_slice %arg3[%add3A, %dma_wait3A] : memref<32x10240xf32, #tpu.memory_space<hbm>> -> memref<1x10240xf32, #tpu.memory_space<hbm>>
      %dma_wait3A_82 = tpu.memref_squeeze %dma_wait3A_81 : memref<1x10240xf32, #tpu.memory_space<hbm>> -> memref<10240xf32, #tpu.memory_space<hbm>>
      %dma_wait3A_83 = arith.constant 0 : i32
      %dma_wait3A_84 = tpu.memref_slice %arg3[%add3A, %dma_wait3A_83] : memref<32x10240xf32, #tpu.memory_space<hbm>> -> memref<1x10240xf32, #tpu.memory_space<hbm>>
      %dma_wait3A_85 = tpu.memref_squeeze %dma_wait3A_84 : memref<1x10240xf32, #tpu.memory_space<hbm>> -> memref<10240xf32, #tpu.memory_space<hbm>>
      tpu.wait_dma2 semaphore(%run_scoped3A : memref<!tpu.dma_semaphore, #tpu.memory_space<semaphore_mem>>) src(%arg7 : memref<10240xf32, #tpu.memory_space<vmem>>) dst(%dma_wait3A_85 : memref<10240xf32, #tpu.memory_space<hbm>>)
      tpu.yield
    }) : () -> ()
    return
  }
}

#map = affine_map<(d0, d1) -> (0, 0)>
#map1 = affine_map<(d0, d1) -> (0, 0, 0)>
module attributes {stable_mosaic.version = 14 : i64} {
  func.func @_edge_kernel(%arg0: i32, %arg1: i32, %arg2: memref<2x320000xi32, #tpu.memory_space<hbm>>, %arg3: memref<2560x128xi32, #tpu.memory_space<hbm>>, %arg4: memref<10000x128xf32, #tpu.memory_space<hbm>>, %arg5: memref<128x128xf32, #tpu.memory_space<hbm>>, %arg6: memref<2x10240x128xf32, #tpu.memory_space<hbm>>, %arg7: memref<5120xi32, #tpu.memory_space<vmem>>, %arg8: memref<40x128xi32, #tpu.memory_space<vmem>>, %arg9: memref<2x128x128xf32, #tpu.memory_space<vmem>>, %arg10: memref<10240x128xf32, #tpu.memory_space<vmem_shared>>, %arg11: memref<!tpu.dma_semaphore, #tpu.memory_space<semaphore_mem>>, %arg12: memref<!tpu.dma_semaphore, #tpu.memory_space<semaphore_mem>>) attributes {dimension_semantics = [#tpu.dimension_semantics<core_parallel>, #tpu.dimension_semantics<subcore_parallel>], iteration_bounds = array<i64: 2, 16>, scalar_prefetch = 0 : i64, scratch_operands = 6 : i64, tpu.core_type = #tpu.core_type<sc_vector_subcore>, window_params = [{transform_indices = #map}, {transform_indices = #map}, {transform_indices = #map}, {transform_indices = #map}, {transform_indices = #map1}]} {
    %mul3A = arith.constant 16 : i32
    %mul3A_0 = arith.muli %arg0, %mul3A : i32
    %add3A = arith.addi %mul3A_0, %arg1 : i32
    %run_scoped3A = arith.constant 0 : i32
    "tpu.region"() ({
      %run_scoped3A_246 = tpu.sem_alloc : memref<!tpu.dma_semaphore, #tpu.memory_space<semaphore_mem>>
      %dma_start3A_247 = arith.constant 0 : i32
      %dma_start3A_248 = arith.constant 0 : i32
      %dma_start3A_249 = tpu.memref_slice %arg9[%run_scoped3A, %dma_start3A_247, %dma_start3A_248] : memref<2x128x128xf32, #tpu.memory_space<vmem>> -> memref<1x128x128xf32, #tpu.memory_space<vmem>>
      %dma_start3A_250 = tpu.memref_squeeze %dma_start3A_249 : memref<1x128x128xf32, #tpu.memory_space<vmem>> -> memref<128x128xf32, #tpu.memory_space<vmem>>
      %dma_start3A_251 = arith.constant 0 : i32
      %dma_start3A_252 = arith.constant 0 : i32
      %dma_start3A_253 = tpu.memref_slice %arg9[%run_scoped3A, %dma_start3A_251, %dma_start3A_252] : memref<2x128x128xf32, #tpu.memory_space<vmem>> -> memref<1x128x128xf32, #tpu.memory_space<vmem>>
      %dma_start3A_254 = tpu.memref_squeeze %dma_start3A_253 : memref<1x128x128xf32, #tpu.memory_space<vmem>> -> memref<128x128xf32, #tpu.memory_space<vmem>>
      tpu.enqueue_dma source(%arg5 : memref<128x128xf32, #tpu.memory_space<hbm>>) target(%dma_start3A_254 : memref<128x128xf32, #tpu.memory_space<vmem>>) target_semaphore(%run_scoped3A_246 : memref<!tpu.dma_semaphore, #tpu.memory_space<semaphore_mem>>)
      %dma_wait3A_255 = arith.constant 0 : i32
      %dma_wait3A_256 = arith.constant 0 : i32
      %dma_wait3A_257 = tpu.memref_slice %arg9[%run_scoped3A, %dma_wait3A_255, %dma_wait3A_256] : memref<2x128x128xf32, #tpu.memory_space<vmem>> -> memref<1x128x128xf32, #tpu.memory_space<vmem>>
      %dma_wait3A_258 = tpu.memref_squeeze %dma_wait3A_257 : memref<1x128x128xf32, #tpu.memory_space<vmem>> -> memref<128x128xf32, #tpu.memory_space<vmem>>
      %dma_wait3A_259 = arith.constant 0 : i32
      %dma_wait3A_260 = arith.constant 0 : i32
      %dma_wait3A_261 = tpu.memref_slice %arg9[%run_scoped3A, %dma_wait3A_259, %dma_wait3A_260] : memref<2x128x128xf32, #tpu.memory_space<vmem>> -> memref<1x128x128xf32, #tpu.memory_space<vmem>>
      %dma_wait3A_262 = tpu.memref_squeeze %dma_wait3A_261 : memref<1x128x128xf32, #tpu.memory_space<vmem>> -> memref<128x128xf32, #tpu.memory_space<vmem>>
      tpu.wait_dma2 semaphore(%run_scoped3A_246 : memref<!tpu.dma_semaphore, #tpu.memory_space<semaphore_mem>>) src(%arg5 : memref<128x128xf32, #tpu.memory_space<hbm>>) dst(%dma_wait3A_262 : memref<128x128xf32, #tpu.memory_space<vmem>>)
      tpu.yield
    }) : () -> ()
    %mul3A_1 = arith.constant 640 : i32
    %mul3A_2 = arith.muli %arg1, %mul3A_1 : i32
    %add3A_3 = arith.constant 0 : i32
    %add3A_4 = arith.addi %mul3A_2, %add3A_3 : i32
    %dma_start3A = arith.constant 0 : i32
    %dma_start3A_5 = arith.constant 0 : i32
    %dma_start3A_6 = arith.constant 0 : i32
    %dma_start3A_7 = tpu.memref_slice %arg9[%dma_start3A, %dma_start3A_5, %dma_start3A_6] : memref<2x128x128xf32, #tpu.memory_space<vmem>> -> memref<1x128x128xf32, #tpu.memory_space<vmem>>
    %dma_start3A_8 = tpu.memref_squeeze %dma_start3A_7 : memref<1x128x128xf32, #tpu.memory_space<vmem>> -> memref<128x128xf32, #tpu.memory_space<vmem>>
    %dma_start3A_9 = arith.constant 0 : i32
    %dma_start3A_10 = tpu.memref_slice %arg10[%add3A_4, %dma_start3A_9] : memref<10240x128xf32, #tpu.memory_space<vmem_shared>> -> memref<128x128xf32, #tpu.memory_space<vmem_shared>>
    %dma_start3A_11 = arith.constant 0 : i32
    %dma_start3A_12 = tpu.memref_slice %arg10[%add3A_4, %dma_start3A_11] : memref<10240x128xf32, #tpu.memory_space<vmem_shared>> -> memref<128x128xf32, #tpu.memory_space<vmem_shared>>
    %dma_start3A_13 = arith.constant 0 : i32
    %dma_start3A_14 = arith.constant 0 : i32
    %dma_start3A_15 = tpu.memref_slice %arg9[%dma_start3A, %dma_start3A_13, %dma_start3A_14] : memref<2x128x128xf32, #tpu.memory_space<vmem>> -> memref<1x128x128xf32, #tpu.memory_space<vmem>>
    %dma_start3A_16 = tpu.memref_squeeze %dma_start3A_15 : memref<1x128x128xf32, #tpu.memory_space<vmem>> -> memref<128x128xf32, #tpu.memory_space<vmem>>
    tpu.enqueue_dma source(%dma_start3A_16 : memref<128x128xf32, #tpu.memory_space<vmem>>) target(%dma_start3A_12 : memref<128x128xf32, #tpu.memory_space<vmem_shared>>) target_semaphore(%arg12 : memref<!tpu.dma_semaphore, #tpu.memory_space<semaphore_mem>>)
    %add3A_17 = arith.constant 128 : i32
    %add3A_18 = arith.addi %mul3A_2, %add3A_17 : i32
    %dma_start3A_19 = arith.constant 0 : i32
    %dma_start3A_20 = arith.constant 0 : i32
    %dma_start3A_21 = arith.constant 0 : i32
    %dma_start3A_22 = tpu.memref_slice %arg9[%dma_start3A_19, %dma_start3A_20, %dma_start3A_21] : memref<2x128x128xf32, #tpu.memory_space<vmem>> -> memref<1x128x128xf32, #tpu.memory_space<vmem>>
    %dma_start3A_23 = tpu.memref_squeeze %dma_start3A_22 : memref<1x128x128xf32, #tpu.memory_space<vmem>> -> memref<128x128xf32, #tpu.memory_space<vmem>>
    %dma_start3A_24 = arith.constant 0 : i32
    %dma_start3A_25 = tpu.memref_slice %arg10[%add3A_18, %dma_start3A_24] : memref<10240x128xf32, #tpu.memory_space<vmem_shared>> -> memref<128x128xf32, #tpu.memory_space<vmem_shared>>
    %dma_start3A_26 = arith.constant 0 : i32
    %dma_start3A_27 = tpu.memref_slice %arg10[%add3A_18, %dma_start3A_26] : memref<10240x128xf32, #tpu.memory_space<vmem_shared>> -> memref<128x128xf32, #tpu.memory_space<vmem_shared>>
    %dma_start3A_28 = arith.constant 0 : i32
    %dma_start3A_29 = arith.constant 0 : i32
    %dma_start3A_30 = tpu.memref_slice %arg9[%dma_start3A_19, %dma_start3A_28, %dma_start3A_29] : memref<2x128x128xf32, #tpu.memory_space<vmem>> -> memref<1x128x128xf32, #tpu.memory_space<vmem>>
    %dma_start3A_31 = tpu.memref_squeeze %dma_start3A_30 : memref<1x128x128xf32, #tpu.memory_space<vmem>> -> memref<128x128xf32, #tpu.memory_space<vmem>>
    tpu.enqueue_dma source(%dma_start3A_31 : memref<128x128xf32, #tpu.memory_space<vmem>>) target(%dma_start3A_27 : memref<128x128xf32, #tpu.memory_space<vmem_shared>>) target_semaphore(%arg12 : memref<!tpu.dma_semaphore, #tpu.memory_space<semaphore_mem>>)
    %add3A_32 = arith.constant 256 : i32
    %add3A_33 = arith.addi %mul3A_2, %add3A_32 : i32
    %dma_start3A_34 = arith.constant 0 : i32
    %dma_start3A_35 = arith.constant 0 : i32
    %dma_start3A_36 = arith.constant 0 : i32
    %dma_start3A_37 = tpu.memref_slice %arg9[%dma_start3A_34, %dma_start3A_35, %dma_start3A_36] : memref<2x128x128xf32, #tpu.memory_space<vmem>> -> memref<1x128x128xf32, #tpu.memory_space<vmem>>
    %dma_start3A_38 = tpu.memref_squeeze %dma_start3A_37 : memref<1x128x128xf32, #tpu.memory_space<vmem>> -> memref<128x128xf32, #tpu.memory_space<vmem>>
    %dma_start3A_39 = arith.constant 0 : i32
    %dma_start3A_40 = tpu.memref_slice %arg10[%add3A_33, %dma_start3A_39] : memref<10240x128xf32, #tpu.memory_space<vmem_shared>> -> memref<128x128xf32, #tpu.memory_space<vmem_shared>>
    %dma_start3A_41 = arith.constant 0 : i32
    %dma_start3A_42 = tpu.memref_slice %arg10[%add3A_33, %dma_start3A_41] : memref<10240x128xf32, #tpu.memory_space<vmem_shared>> -> memref<128x128xf32, #tpu.memory_space<vmem_shared>>
    %dma_start3A_43 = arith.constant 0 : i32
    %dma_start3A_44 = arith.constant 0 : i32
    %dma_start3A_45 = tpu.memref_slice %arg9[%dma_start3A_34, %dma_start3A_43, %dma_start3A_44] : memref<2x128x128xf32, #tpu.memory_space<vmem>> -> memref<1x128x128xf32, #tpu.memory_space<vmem>>
    %dma_start3A_46 = tpu.memref_squeeze %dma_start3A_45 : memref<1x128x128xf32, #tpu.memory_space<vmem>> -> memref<128x128xf32, #tpu.memory_space<vmem>>
    tpu.enqueue_dma source(%dma_start3A_46 : memref<128x128xf32, #tpu.memory_space<vmem>>) target(%dma_start3A_42 : memref<128x128xf32, #tpu.memory_space<vmem_shared>>) target_semaphore(%arg12 : memref<!tpu.dma_semaphore, #tpu.memory_space<semaphore_mem>>)
    %add3A_47 = arith.constant 384 : i32
    %add3A_48 = arith.addi %mul3A_2, %add3A_47 : i32
    %dma_start3A_49 = arith.constant 0 : i32
    %dma_start3A_50 = arith.constant 0 : i32
    %dma_start3A_51 = arith.constant 0 : i32
    %dma_start3A_52 = tpu.memref_slice %arg9[%dma_start3A_49, %dma_start3A_50, %dma_start3A_51] : memref<2x128x128xf32, #tpu.memory_space<vmem>> -> memref<1x128x128xf32, #tpu.memory_space<vmem>>
    %dma_start3A_53 = tpu.memref_squeeze %dma_start3A_52 : memref<1x128x128xf32, #tpu.memory_space<vmem>> -> memref<128x128xf32, #tpu.memory_space<vmem>>
    %dma_start3A_54 = arith.constant 0 : i32
    %dma_start3A_55 = tpu.memref_slice %arg10[%add3A_48, %dma_start3A_54] : memref<10240x128xf32, #tpu.memory_space<vmem_shared>> -> memref<128x128xf32, #tpu.memory_space<vmem_shared>>
    %dma_start3A_56 = arith.constant 0 : i32
    %dma_start3A_57 = tpu.memref_slice %arg10[%add3A_48, %dma_start3A_56] : memref<10240x128xf32, #tpu.memory_space<vmem_shared>> -> memref<128x128xf32, #tpu.memory_space<vmem_shared>>
    %dma_start3A_58 = arith.constant 0 : i32
    %dma_start3A_59 = arith.constant 0 : i32
    %dma_start3A_60 = tpu.memref_slice %arg9[%dma_start3A_49, %dma_start3A_58, %dma_start3A_59] : memref<2x128x128xf32, #tpu.memory_space<vmem>> -> memref<1x128x128xf32, #tpu.memory_space<vmem>>
    %dma_start3A_61 = tpu.memref_squeeze %dma_start3A_60 : memref<1x128x128xf32, #tpu.memory_space<vmem>> -> memref<128x128xf32, #tpu.memory_space<vmem>>
    tpu.enqueue_dma source(%dma_start3A_61 : memref<128x128xf32, #tpu.memory_space<vmem>>) target(%dma_start3A_57 : memref<128x128xf32, #tpu.memory_space<vmem_shared>>) target_semaphore(%arg12 : memref<!tpu.dma_semaphore, #tpu.memory_space<semaphore_mem>>)
    %add3A_62 = arith.constant 512 : i32
    %add3A_63 = arith.addi %mul3A_2, %add3A_62 : i32
    %dma_start3A_64 = arith.constant 0 : i32
    %dma_start3A_65 = arith.constant 0 : i32
    %dma_start3A_66 = arith.constant 0 : i32
    %dma_start3A_67 = tpu.memref_slice %arg9[%dma_start3A_64, %dma_start3A_65, %dma_start3A_66] : memref<2x128x128xf32, #tpu.memory_space<vmem>> -> memref<1x128x128xf32, #tpu.memory_space<vmem>>
    %dma_start3A_68 = tpu.memref_squeeze %dma_start3A_67 : memref<1x128x128xf32, #tpu.memory_space<vmem>> -> memref<128x128xf32, #tpu.memory_space<vmem>>
    %dma_start3A_69 = arith.constant 0 : i32
    %dma_start3A_70 = tpu.memref_slice %arg10[%add3A_63, %dma_start3A_69] : memref<10240x128xf32, #tpu.memory_space<vmem_shared>> -> memref<128x128xf32, #tpu.memory_space<vmem_shared>>
    %dma_start3A_71 = arith.constant 0 : i32
    %dma_start3A_72 = tpu.memref_slice %arg10[%add3A_63, %dma_start3A_71] : memref<10240x128xf32, #tpu.memory_space<vmem_shared>> -> memref<128x128xf32, #tpu.memory_space<vmem_shared>>
    %dma_start3A_73 = arith.constant 0 : i32
    %dma_start3A_74 = arith.constant 0 : i32
    %dma_start3A_75 = tpu.memref_slice %arg9[%dma_start3A_64, %dma_start3A_73, %dma_start3A_74] : memref<2x128x128xf32, #tpu.memory_space<vmem>> -> memref<1x128x128xf32, #tpu.memory_space<vmem>>
    %dma_start3A_76 = tpu.memref_squeeze %dma_start3A_75 : memref<1x128x128xf32, #tpu.memory_space<vmem>> -> memref<128x128xf32, #tpu.memory_space<vmem>>
    tpu.enqueue_dma source(%dma_start3A_76 : memref<128x128xf32, #tpu.memory_space<vmem>>) target(%dma_start3A_72 : memref<128x128xf32, #tpu.memory_space<vmem_shared>>) target_semaphore(%arg12 : memref<!tpu.dma_semaphore, #tpu.memory_space<semaphore_mem>>)
    %mul3A_77 = arith.constant 80 : i32
    %mul3A_78 = arith.muli %add3A, %mul3A_77 : i32
    %sub3A = arith.constant 2500 : i32
    %sub3A_79 = arith.subi %sub3A, %mul3A_78 : i32
    %jit3A = arith.constant 0 : i32
    %jit3A_80 = arith.constant 80 : i32
    %max3A = arith.maxsi %jit3A, %sub3A_79 : i32
    %min3A = arith.minsi %jit3A_80, %max3A : i32
    %sub3A_81 = arith.constant 0 : i32
    %sub3A_82 = arith.subi %min3A, %sub3A_81 : i32
    %jit3A_83 = arith.constant 0 : i32
    %jit3A_84 = arith.constant 40 : i32
    %max3A_85 = arith.maxsi %jit3A_83, %sub3A_82 : i32
    %min3A_86 = arith.minsi %jit3A_84, %max3A_85 : i32
    %mul3A_87 = arith.constant 80 : i32
    %mul3A_88 = arith.muli %add3A, %mul3A_87 : i32
    %mul3A_89 = arith.constant 128 : i32
    %mul3A_90 = arith.muli %mul3A_88, %mul3A_89 : i32
    %ge3A = arith.constant 40 : i32
    %ge3A_91 = arith.cmpi sge, %min3A_86, %ge3A : i32
    %convert_element_type3A = arith.extui %ge3A_91 : i1 to i32
    %cond3A = arith.constant 0 : i32
    %cond3A_92 = arith.cmpi ne, %convert_element_type3A, %cond3A : i32
    scf.if %cond3A_92 {
      %run_scoped3A_246 = arith.constant 0 : i32
      "tpu.region"() ({
        %run_scoped3A_247 = tpu.sem_alloc : memref<!tpu.dma_semaphore, #tpu.memory_space<semaphore_mem>>
        %dma_start3A_248 = tpu.memref_slice %arg2[%run_scoped3A_246, %mul3A_90] : memref<2x320000xi32, #tpu.memory_space<hbm>> -> memref<1x5120xi32, #tpu.memory_space<hbm>>
        %dma_start3A_249 = tpu.memref_squeeze %dma_start3A_248 : memref<1x5120xi32, #tpu.memory_space<hbm>> -> memref<5120xi32, #tpu.memory_space<hbm>>
        %dma_start3A_250 = tpu.memref_slice %arg2[%run_scoped3A_246, %mul3A_90] : memref<2x320000xi32, #tpu.memory_space<hbm>> -> memref<1x5120xi32, #tpu.memory_space<hbm>>
        %dma_start3A_251 = tpu.memref_squeeze %dma_start3A_250 : memref<1x5120xi32, #tpu.memory_space<hbm>> -> memref<5120xi32, #tpu.memory_space<hbm>>
        tpu.enqueue_dma source(%dma_start3A_251 : memref<5120xi32, #tpu.memory_space<hbm>>) target(%arg7 : memref<5120xi32, #tpu.memory_space<vmem>>) target_semaphore(%run_scoped3A_247 : memref<!tpu.dma_semaphore, #tpu.memory_space<semaphore_mem>>)
        %dma_wait3A_252 = tpu.memref_slice %arg2[%run_scoped3A_246, %mul3A_90] : memref<2x320000xi32, #tpu.memory_space<hbm>> -> memref<1x5120xi32, #tpu.memory_space<hbm>>
        %dma_wait3A_253 = tpu.memref_squeeze %dma_wait3A_252 : memref<1x5120xi32, #tpu.memory_space<hbm>> -> memref<5120xi32, #tpu.memory_space<hbm>>
        %dma_wait3A_254 = tpu.memref_slice %arg2[%run_scoped3A_246, %mul3A_90] : memref<2x320000xi32, #tpu.memory_space<hbm>> -> memref<1x5120xi32, #tpu.memory_space<hbm>>
        %dma_wait3A_255 = tpu.memref_squeeze %dma_wait3A_254 : memref<1x5120xi32, #tpu.memory_space<hbm>> -> memref<5120xi32, #tpu.memory_space<hbm>>
        tpu.wait_dma2 semaphore(%run_scoped3A_247 : memref<!tpu.dma_semaphore, #tpu.memory_space<semaphore_mem>>) src(%dma_wait3A_255 : memref<5120xi32, #tpu.memory_space<hbm>>) dst(%arg7 : memref<5120xi32, #tpu.memory_space<vmem>>)
        tpu.yield
      }) : () -> ()
    } else {
    }
    %gt3A = arith.constant 0 : i32
    %gt3A_93 = arith.cmpi sgt, %min3A_86, %gt3A : i32
    %lt3A = arith.constant 40 : i32
    %lt3A_94 = arith.cmpi slt, %min3A_86, %lt3A : i32
    %and3A = arith.andi %gt3A_93, %lt3A_94 : i1
    %convert_element_type3A_95 = arith.extui %and3A : i1 to i32
    %cond3A_96 = arith.constant 0 : i32
    %cond3A_97 = arith.cmpi ne, %convert_element_type3A_95, %cond3A_96 : i32
    scf.if %cond3A_97 {
      %run_scoped3A_246 = arith.constant 0 : i32
      "tpu.region"() ({
        %run_scoped3A_247 = tpu.sem_alloc : memref<!tpu.dma_semaphore, #tpu.memory_space<semaphore_mem>>
        %dma_start3A_248 = arith.constant 0 : i32
        %dma_start3A_249 = tpu.memref_slice %arg7[%dma_start3A_248] : memref<5120xi32, #tpu.memory_space<vmem>> -> memref<2560xi32, #tpu.memory_space<vmem>>
        %dma_start3A_250 = tpu.memref_slice %arg2[%run_scoped3A_246, %mul3A_90] : memref<2x320000xi32, #tpu.memory_space<hbm>> -> memref<1x2560xi32, #tpu.memory_space<hbm>>
        %dma_start3A_251 = tpu.memref_squeeze %dma_start3A_250 : memref<1x2560xi32, #tpu.memory_space<hbm>> -> memref<2560xi32, #tpu.memory_space<hbm>>
        %dma_start3A_252 = arith.constant 0 : i32
        %dma_start3A_253 = tpu.memref_slice %arg7[%dma_start3A_252] : memref<5120xi32, #tpu.memory_space<vmem>> -> memref<2560xi32, #tpu.memory_space<vmem>>
        %dma_start3A_254 = tpu.memref_slice %arg2[%run_scoped3A_246, %mul3A_90] : memref<2x320000xi32, #tpu.memory_space<hbm>> -> memref<1x2560xi32, #tpu.memory_space<hbm>>
        %dma_start3A_255 = tpu.memref_squeeze %dma_start3A_254 : memref<1x2560xi32, #tpu.memory_space<hbm>> -> memref<2560xi32, #tpu.memory_space<hbm>>
        tpu.enqueue_dma source(%dma_start3A_255 : memref<2560xi32, #tpu.memory_space<hbm>>) target(%dma_start3A_253 : memref<2560xi32, #tpu.memory_space<vmem>>) target_semaphore(%run_scoped3A_247 : memref<!tpu.dma_semaphore, #tpu.memory_space<semaphore_mem>>)
        %dma_wait3A_256 = arith.constant 0 : i32
        %dma_wait3A_257 = tpu.memref_slice %arg7[%dma_wait3A_256] : memref<5120xi32, #tpu.memory_space<vmem>> -> memref<2560xi32, #tpu.memory_space<vmem>>
        %dma_wait3A_258 = tpu.memref_slice %arg2[%run_scoped3A_246, %mul3A_90] : memref<2x320000xi32, #tpu.memory_space<hbm>> -> memref<1x2560xi32, #tpu.memory_space<hbm>>
        %dma_wait3A_259 = tpu.memref_squeeze %dma_wait3A_258 : memref<1x2560xi32, #tpu.memory_space<hbm>> -> memref<2560xi32, #tpu.memory_space<hbm>>
        %dma_wait3A_260 = arith.constant 0 : i32
        %dma_wait3A_261 = tpu.memref_slice %arg7[%dma_wait3A_260] : memref<5120xi32, #tpu.memory_space<vmem>> -> memref<2560xi32, #tpu.memory_space<vmem>>
        %dma_wait3A_262 = tpu.memref_slice %arg2[%run_scoped3A_246, %mul3A_90] : memref<2x320000xi32, #tpu.memory_space<hbm>> -> memref<1x2560xi32, #tpu.memory_space<hbm>>
        %dma_wait3A_263 = tpu.memref_squeeze %dma_wait3A_262 : memref<1x2560xi32, #tpu.memory_space<hbm>> -> memref<2560xi32, #tpu.memory_space<hbm>>
        tpu.wait_dma2 semaphore(%run_scoped3A_247 : memref<!tpu.dma_semaphore, #tpu.memory_space<semaphore_mem>>) src(%dma_wait3A_263 : memref<2560xi32, #tpu.memory_space<hbm>>) dst(%dma_wait3A_261 : memref<2560xi32, #tpu.memory_space<vmem>>)
        tpu.yield
      }) : () -> ()
    } else {
    }
    %gt3A_98 = arith.constant 0 : i32
    %gt3A_99 = arith.cmpi sgt, %min3A_86, %gt3A_98 : i32
    %convert_element_type3A_100 = arith.extui %gt3A_99 : i1 to i32
    %cond3A_101 = arith.constant 0 : i32
    %cond3A_102 = arith.cmpi ne, %convert_element_type3A_100, %cond3A_101 : i32
    scf.if %cond3A_102 {
      %mul3A_246 = arith.constant 80 : i32
      %mul3A_247 = arith.muli %add3A, %mul3A_246 : i32
      "tpu.region"() ({
        %run_scoped3A_248 = tpu.sem_alloc : memref<!tpu.dma_semaphore, #tpu.memory_space<semaphore_mem>>
        %dma_start3A_249 = arith.constant 0 : i32
        %dma_start3A_250 = tpu.memref_slice %arg3[%mul3A_247, %dma_start3A_249] : memref<2560x128xi32, #tpu.memory_space<hbm>> -> memref<40x128xi32, #tpu.memory_space<hbm>>
        %dma_start3A_251 = arith.constant 0 : i32
        %dma_start3A_252 = tpu.memref_slice %arg3[%mul3A_247, %dma_start3A_251] : memref<2560x128xi32, #tpu.memory_space<hbm>> -> memref<40x128xi32, #tpu.memory_space<hbm>>
        tpu.enqueue_dma source(%dma_start3A_252 : memref<40x128xi32, #tpu.memory_space<hbm>>) target(%arg8 : memref<40x128xi32, #tpu.memory_space<vmem>>) target_semaphore(%run_scoped3A_248 : memref<!tpu.dma_semaphore, #tpu.memory_space<semaphore_mem>>)
        %dma_wait3A_253 = arith.constant 0 : i32
        %dma_wait3A_254 = tpu.memref_slice %arg3[%mul3A_247, %dma_wait3A_253] : memref<2560x128xi32, #tpu.memory_space<hbm>> -> memref<40x128xi32, #tpu.memory_space<hbm>>
        %dma_wait3A_255 = arith.constant 0 : i32
        %dma_wait3A_256 = tpu.memref_slice %arg3[%mul3A_247, %dma_wait3A_255] : memref<2560x128xi32, #tpu.memory_space<hbm>> -> memref<40x128xi32, #tpu.memory_space<hbm>>
        tpu.wait_dma2 semaphore(%run_scoped3A_248 : memref<!tpu.dma_semaphore, #tpu.memory_space<semaphore_mem>>) src(%dma_wait3A_256 : memref<40x128xi32, #tpu.memory_space<hbm>>) dst(%arg8 : memref<40x128xi32, #tpu.memory_space<vmem>>)
        tpu.yield
      }) : () -> ()
    } else {
    }
    %add3A_103 = arith.constant 0 : i32
    %add3A_104 = arith.addi %mul3A_2, %add3A_103 : i32
    %dma_wait3A = arith.constant 0 : i32
    %dma_wait3A_105 = arith.constant 0 : i32
    %dma_wait3A_106 = arith.constant 0 : i32
    %dma_wait3A_107 = tpu.memref_slice %arg9[%dma_wait3A, %dma_wait3A_105, %dma_wait3A_106] : memref<2x128x128xf32, #tpu.memory_space<vmem>> -> memref<1x128x128xf32, #tpu.memory_space<vmem>>
    %dma_wait3A_108 = tpu.memref_squeeze %dma_wait3A_107 : memref<1x128x128xf32, #tpu.memory_space<vmem>> -> memref<128x128xf32, #tpu.memory_space<vmem>>
    %dma_wait3A_109 = arith.constant 0 : i32
    %dma_wait3A_110 = tpu.memref_slice %arg10[%add3A_104, %dma_wait3A_109] : memref<10240x128xf32, #tpu.memory_space<vmem_shared>> -> memref<128x128xf32, #tpu.memory_space<vmem_shared>>
    %dma_wait3A_111 = arith.constant 0 : i32
    %dma_wait3A_112 = tpu.memref_slice %arg10[%add3A_104, %dma_wait3A_111] : memref<10240x128xf32, #tpu.memory_space<vmem_shared>> -> memref<128x128xf32, #tpu.memory_space<vmem_shared>>
    %dma_wait3A_113 = arith.constant 0 : i32
    %dma_wait3A_114 = arith.constant 0 : i32
    %dma_wait3A_115 = tpu.memref_slice %arg9[%dma_wait3A, %dma_wait3A_113, %dma_wait3A_114] : memref<2x128x128xf32, #tpu.memory_space<vmem>> -> memref<1x128x128xf32, #tpu.memory_space<vmem>>
    %dma_wait3A_116 = tpu.memref_squeeze %dma_wait3A_115 : memref<1x128x128xf32, #tpu.memory_space<vmem>> -> memref<128x128xf32, #tpu.memory_space<vmem>>
    tpu.wait_dma2 semaphore(%arg12 : memref<!tpu.dma_semaphore, #tpu.memory_space<semaphore_mem>>) src(%dma_wait3A_116 : memref<128x128xf32, #tpu.memory_space<vmem>>) dst(%dma_wait3A_112 : memref<128x128xf32, #tpu.memory_space<vmem_shared>>)
    %add3A_117 = arith.constant 128 : i32
    %add3A_118 = arith.addi %mul3A_2, %add3A_117 : i32
    %dma_wait3A_119 = arith.constant 0 : i32
    %dma_wait3A_120 = arith.constant 0 : i32
    %dma_wait3A_121 = arith.constant 0 : i32
    %dma_wait3A_122 = tpu.memref_slice %arg9[%dma_wait3A_119, %dma_wait3A_120, %dma_wait3A_121] : memref<2x128x128xf32, #tpu.memory_space<vmem>> -> memref<1x128x128xf32, #tpu.memory_space<vmem>>
    %dma_wait3A_123 = tpu.memref_squeeze %dma_wait3A_122 : memref<1x128x128xf32, #tpu.memory_space<vmem>> -> memref<128x128xf32, #tpu.memory_space<vmem>>
    %dma_wait3A_124 = arith.constant 0 : i32
    %dma_wait3A_125 = tpu.memref_slice %arg10[%add3A_118, %dma_wait3A_124] : memref<10240x128xf32, #tpu.memory_space<vmem_shared>> -> memref<128x128xf32, #tpu.memory_space<vmem_shared>>
    %dma_wait3A_126 = arith.constant 0 : i32
    %dma_wait3A_127 = tpu.memref_slice %arg10[%add3A_118, %dma_wait3A_126] : memref<10240x128xf32, #tpu.memory_space<vmem_shared>> -> memref<128x128xf32, #tpu.memory_space<vmem_shared>>
    %dma_wait3A_128 = arith.constant 0 : i32
    %dma_wait3A_129 = arith.constant 0 : i32
    %dma_wait3A_130 = tpu.memref_slice %arg9[%dma_wait3A_119, %dma_wait3A_128, %dma_wait3A_129] : memref<2x128x128xf32, #tpu.memory_space<vmem>> -> memref<1x128x128xf32, #tpu.memory_space<vmem>>
    %dma_wait3A_131 = tpu.memref_squeeze %dma_wait3A_130 : memref<1x128x128xf32, #tpu.memory_space<vmem>> -> memref<128x128xf32, #tpu.memory_space<vmem>>
    tpu.wait_dma2 semaphore(%arg12 : memref<!tpu.dma_semaphore, #tpu.memory_space<semaphore_mem>>) src(%dma_wait3A_131 : memref<128x128xf32, #tpu.memory_space<vmem>>) dst(%dma_wait3A_127 : memref<128x128xf32, #tpu.memory_space<vmem_shared>>)
    %add3A_132 = arith.constant 256 : i32
    %add3A_133 = arith.addi %mul3A_2, %add3A_132 : i32
    %dma_wait3A_134 = arith.constant 0 : i32
    %dma_wait3A_135 = arith.constant 0 : i32
    %dma_wait3A_136 = arith.constant 0 : i32
    %dma_wait3A_137 = tpu.memref_slice %arg9[%dma_wait3A_134, %dma_wait3A_135, %dma_wait3A_136] : memref<2x128x128xf32, #tpu.memory_space<vmem>> -> memref<1x128x128xf32, #tpu.memory_space<vmem>>
    %dma_wait3A_138 = tpu.memref_squeeze %dma_wait3A_137 : memref<1x128x128xf32, #tpu.memory_space<vmem>> -> memref<128x128xf32, #tpu.memory_space<vmem>>
    %dma_wait3A_139 = arith.constant 0 : i32
    %dma_wait3A_140 = tpu.memref_slice %arg10[%add3A_133, %dma_wait3A_139] : memref<10240x128xf32, #tpu.memory_space<vmem_shared>> -> memref<128x128xf32, #tpu.memory_space<vmem_shared>>
    %dma_wait3A_141 = arith.constant 0 : i32
    %dma_wait3A_142 = tpu.memref_slice %arg10[%add3A_133, %dma_wait3A_141] : memref<10240x128xf32, #tpu.memory_space<vmem_shared>> -> memref<128x128xf32, #tpu.memory_space<vmem_shared>>
    %dma_wait3A_143 = arith.constant 0 : i32
    %dma_wait3A_144 = arith.constant 0 : i32
    %dma_wait3A_145 = tpu.memref_slice %arg9[%dma_wait3A_134, %dma_wait3A_143, %dma_wait3A_144] : memref<2x128x128xf32, #tpu.memory_space<vmem>> -> memref<1x128x128xf32, #tpu.memory_space<vmem>>
    %dma_wait3A_146 = tpu.memref_squeeze %dma_wait3A_145 : memref<1x128x128xf32, #tpu.memory_space<vmem>> -> memref<128x128xf32, #tpu.memory_space<vmem>>
    tpu.wait_dma2 semaphore(%arg12 : memref<!tpu.dma_semaphore, #tpu.memory_space<semaphore_mem>>) src(%dma_wait3A_146 : memref<128x128xf32, #tpu.memory_space<vmem>>) dst(%dma_wait3A_142 : memref<128x128xf32, #tpu.memory_space<vmem_shared>>)
    %add3A_147 = arith.constant 384 : i32
    %add3A_148 = arith.addi %mul3A_2, %add3A_147 : i32
    %dma_wait3A_149 = arith.constant 0 : i32
    %dma_wait3A_150 = arith.constant 0 : i32
    %dma_wait3A_151 = arith.constant 0 : i32
    %dma_wait3A_152 = tpu.memref_slice %arg9[%dma_wait3A_149, %dma_wait3A_150, %dma_wait3A_151] : memref<2x128x128xf32, #tpu.memory_space<vmem>> -> memref<1x128x128xf32, #tpu.memory_space<vmem>>
    %dma_wait3A_153 = tpu.memref_squeeze %dma_wait3A_152 : memref<1x128x128xf32, #tpu.memory_space<vmem>> -> memref<128x128xf32, #tpu.memory_space<vmem>>
    %dma_wait3A_154 = arith.constant 0 : i32
    %dma_wait3A_155 = tpu.memref_slice %arg10[%add3A_148, %dma_wait3A_154] : memref<10240x128xf32, #tpu.memory_space<vmem_shared>> -> memref<128x128xf32, #tpu.memory_space<vmem_shared>>
    %dma_wait3A_156 = arith.constant 0 : i32
    %dma_wait3A_157 = tpu.memref_slice %arg10[%add3A_148, %dma_wait3A_156] : memref<10240x128xf32, #tpu.memory_space<vmem_shared>> -> memref<128x128xf32, #tpu.memory_space<vmem_shared>>
    %dma_wait3A_158 = arith.constant 0 : i32
    %dma_wait3A_159 = arith.constant 0 : i32
    %dma_wait3A_160 = tpu.memref_slice %arg9[%dma_wait3A_149, %dma_wait3A_158, %dma_wait3A_159] : memref<2x128x128xf32, #tpu.memory_space<vmem>> -> memref<1x128x128xf32, #tpu.memory_space<vmem>>
    %dma_wait3A_161 = tpu.memref_squeeze %dma_wait3A_160 : memref<1x128x128xf32, #tpu.memory_space<vmem>> -> memref<128x128xf32, #tpu.memory_space<vmem>>
    tpu.wait_dma2 semaphore(%arg12 : memref<!tpu.dma_semaphore, #tpu.memory_space<semaphore_mem>>) src(%dma_wait3A_161 : memref<128x128xf32, #tpu.memory_space<vmem>>) dst(%dma_wait3A_157 : memref<128x128xf32, #tpu.memory_space<vmem_shared>>)
    %add3A_162 = arith.constant 512 : i32
    %add3A_163 = arith.addi %mul3A_2, %add3A_162 : i32
    %dma_wait3A_164 = arith.constant 0 : i32
    %dma_wait3A_165 = arith.constant 0 : i32
    %dma_wait3A_166 = arith.constant 0 : i32
    %dma_wait3A_167 = tpu.memref_slice %arg9[%dma_wait3A_164, %dma_wait3A_165, %dma_wait3A_166] : memref<2x128x128xf32, #tpu.memory_space<vmem>> -> memref<1x128x128xf32, #tpu.memory_space<vmem>>
    %dma_wait3A_168 = tpu.memref_squeeze %dma_wait3A_167 : memref<1x128x128xf32, #tpu.memory_space<vmem>> -> memref<128x128xf32, #tpu.memory_space<vmem>>
    %dma_wait3A_169 = arith.constant 0 : i32
    %dma_wait3A_170 = tpu.memref_slice %arg10[%add3A_163, %dma_wait3A_169] : memref<10240x128xf32, #tpu.memory_space<vmem_shared>> -> memref<128x128xf32, #tpu.memory_space<vmem_shared>>
    %dma_wait3A_171 = arith.constant 0 : i32
    %dma_wait3A_172 = tpu.memref_slice %arg10[%add3A_163, %dma_wait3A_171] : memref<10240x128xf32, #tpu.memory_space<vmem_shared>> -> memref<128x128xf32, #tpu.memory_space<vmem_shared>>
    %dma_wait3A_173 = arith.constant 0 : i32
    %dma_wait3A_174 = arith.constant 0 : i32
    %dma_wait3A_175 = tpu.memref_slice %arg9[%dma_wait3A_164, %dma_wait3A_173, %dma_wait3A_174] : memref<2x128x128xf32, #tpu.memory_space<vmem>> -> memref<1x128x128xf32, #tpu.memory_space<vmem>>
    %dma_wait3A_176 = tpu.memref_squeeze %dma_wait3A_175 : memref<1x128x128xf32, #tpu.memory_space<vmem>> -> memref<128x128xf32, #tpu.memory_space<vmem>>
    tpu.wait_dma2 semaphore(%arg12 : memref<!tpu.dma_semaphore, #tpu.memory_space<semaphore_mem>>) src(%dma_wait3A_176 : memref<128x128xf32, #tpu.memory_space<vmem>>) dst(%dma_wait3A_172 : memref<128x128xf32, #tpu.memory_space<vmem_shared>>)
    %barrier3A = arith.constant 0 : index
    tpu.barrier barrier_id(%barrier3A)
    %mul3A_177 = arith.constant 80 : i32
    %mul3A_178 = arith.muli %add3A, %mul3A_177 : i32
    %sub3A_179 = arith.constant 2500 : i32
    %sub3A_180 = arith.subi %sub3A_179, %mul3A_178 : i32
    %jit3A_181 = arith.constant 0 : i32
    %jit3A_182 = arith.constant 80 : i32
    %max3A_183 = arith.maxsi %jit3A_181, %sub3A_180 : i32
    %min3A_184 = arith.minsi %jit3A_182, %max3A_183 : i32
    %sub3A_185 = arith.constant 0 : i32
    %sub3A_186 = arith.subi %min3A_184, %sub3A_185 : i32
    %jit3A_187 = arith.constant 0 : i32
    %jit3A_188 = arith.constant 40 : i32
    %max3A_189 = arith.maxsi %jit3A_187, %sub3A_186 : i32
    %min3A_190 = arith.minsi %jit3A_188, %max3A_189 : i32
    %mul3A_191 = arith.constant 80 : i32
    %mul3A_192 = arith.muli %add3A, %mul3A_191 : i32
    %mul3A_193 = arith.constant 128 : i32
    %mul3A_194 = arith.muli %mul3A_192, %mul3A_193 : i32
    %add3A_195 = arith.constant 0 : i32
    %add3A_196 = arith.addi %mul3A_194, %add3A_195 : i32
    %gt3A_197 = arith.constant 0 : i32
    %gt3A_198 = arith.cmpi sgt, %min3A_190, %gt3A_197 : i32
    %convert_element_type3A_199 = arith.extui %gt3A_198 : i1 to i32
    %cond3A_200 = arith.constant 0 : i32
    %cond3A_201 = arith.cmpi ne, %convert_element_type3A_199, %cond3A_200 : i32
    scf.if %cond3A_201 {
      %dma_start3A_246 = arith.constant 0 : i32
      %dma_start3A_247 = arith.constant 0 : i32
      %dma_start3A_248 = arith.constant 0 : i32
      %dma_start3A_249 = tpu.memref_slice %arg9[%dma_start3A_246, %dma_start3A_247, %dma_start3A_248] : memref<2x128x128xf32, #tpu.memory_space<vmem>> -> memref<1x128x128xf32, #tpu.memory_space<vmem>>
      %dma_start3A_250 = tpu.memref_squeeze %dma_start3A_249 : memref<1x128x128xf32, #tpu.memory_space<vmem>> -> memref<128x128xf32, #tpu.memory_space<vmem>>
      %dma_start3A_251 = arith.constant 0 : i32
      %dma_start3A_252 = tpu.memref_slice %arg7[%dma_start3A_251] : memref<5120xi32, #tpu.memory_space<vmem>> -> memref<128xi32, #tpu.memory_space<vmem>>
      %dma_start3A_253 = arith.constant 0 : i32
      %dma_start3A_254 = arith.constant 0 : i32
      %dma_start3A_255 = tpu.memref_slice %arg4[%dma_start3A_253, %dma_start3A_254] : memref<10000x128xf32, #tpu.memory_space<hbm>> -> memref<10000x128xf32, #tpu.memory_space<hbm>>
      tpu.enqueue_indirect_dma source(%dma_start3A_255 : memref<10000x128xf32, #tpu.memory_space<hbm>>) target(%dma_start3A_250 : memref<128x128xf32, #tpu.memory_space<vmem>>) offsets(%dma_start3A_252 : memref<128xi32, #tpu.memory_space<vmem>>) semaphore(%arg11 : memref<!tpu.dma_semaphore, #tpu.memory_space<semaphore_mem>>)
      %gt3A_256 = arith.constant 1 : i32
      %gt3A_257 = arith.cmpi sgt, %min3A_190, %gt3A_256 : i32
      %convert_element_type3A_258 = arith.extui %gt3A_257 : i1 to i32
      %cond3A_259 = arith.constant 0 : i32
      %cond3A_260 = arith.cmpi ne, %convert_element_type3A_258, %cond3A_259 : i32
      scf.if %cond3A_260 {
        %dma_start3A_292 = arith.constant 1 : i32
        %dma_start3A_293 = arith.constant 0 : i32
        %dma_start3A_294 = arith.constant 0 : i32
        %dma_start3A_295 = tpu.memref_slice %arg9[%dma_start3A_292, %dma_start3A_293, %dma_start3A_294] : memref<2x128x128xf32, #tpu.memory_space<vmem>> -> memref<1x128x128xf32, #tpu.memory_space<vmem>>
        %dma_start3A_296 = tpu.memref_squeeze %dma_start3A_295 : memref<1x128x128xf32, #tpu.memory_space<vmem>> -> memref<128x128xf32, #tpu.memory_space<vmem>>
        %dma_start3A_297 = arith.constant 128 : i32
        %dma_start3A_298 = tpu.memref_slice %arg7[%dma_start3A_297] : memref<5120xi32, #tpu.memory_space<vmem>> -> memref<128xi32, #tpu.memory_space<vmem>>
        %dma_start3A_299 = arith.constant 0 : i32
        %dma_start3A_300 = arith.constant 0 : i32
        %dma_start3A_301 = tpu.memref_slice %arg4[%dma_start3A_299, %dma_start3A_300] : memref<10000x128xf32, #tpu.memory_space<hbm>> -> memref<10000x128xf32, #tpu.memory_space<hbm>>
        tpu.enqueue_indirect_dma source(%dma_start3A_301 : memref<10000x128xf32, #tpu.memory_space<hbm>>) target(%dma_start3A_296 : memref<128x128xf32, #tpu.memory_space<vmem>>) offsets(%dma_start3A_298 : memref<128xi32, #tpu.memory_space<vmem>>) semaphore(%arg11 : memref<!tpu.dma_semaphore, #tpu.memory_space<semaphore_mem>>)
      } else {
      }
      %dma_wait3A_261 = arith.constant 0 : i32
      %dma_wait3A_262 = arith.constant 0 : i32
      %dma_wait3A_263 = arith.constant 0 : i32
      %dma_wait3A_264 = tpu.memref_slice %arg9[%dma_wait3A_261, %dma_wait3A_262, %dma_wait3A_263] : memref<2x128x128xf32, #tpu.memory_space<vmem>> -> memref<1x128x128xf32, #tpu.memory_space<vmem>>
      %dma_wait3A_265 = tpu.memref_squeeze %dma_wait3A_264 : memref<1x128x128xf32, #tpu.memory_space<vmem>> -> memref<128x128xf32, #tpu.memory_space<vmem>>
      %dma_wait3A_266 = arith.constant 0 : i32
      %dma_wait3A_267 = tpu.memref_slice %arg7[%dma_wait3A_266] : memref<5120xi32, #tpu.memory_space<vmem>> -> memref<128xi32, #tpu.memory_space<vmem>>
      %dma_wait3A_268 = arith.constant 0 : i32
      %dma_wait3A_269 = arith.constant 0 : i32
      %dma_wait3A_270 = tpu.memref_slice %arg4[%dma_wait3A_268, %dma_wait3A_269] : memref<10000x128xf32, #tpu.memory_space<hbm>> -> memref<10000x128xf32, #tpu.memory_space<hbm>>
      tpu.wait_indirect_dma semaphore(%arg11 : memref<!tpu.dma_semaphore, #tpu.memory_space<semaphore_mem>>) src(%dma_wait3A_270 : memref<10000x128xf32, #tpu.memory_space<hbm>>) dst(%dma_wait3A_265 : memref<128x128xf32, #tpu.memory_space<vmem>>)
      %dma_start3A_271 = arith.constant 0 : i32
      %dma_start3A_272 = arith.constant 0 : i32
      %dma_start3A_273 = arith.constant 0 : i32
      %dma_start3A_274 = arith.constant 0 : i32
      %dma_start3A_275 = tpu.memref_slice %arg9[%dma_start3A_271, %dma_start3A_273, %dma_start3A_274] : memref<2x128x128xf32, #tpu.memory_space<vmem>> -> memref<1x128x128xf32, #tpu.memory_space<vmem>>
      %dma_start3A_276 = tpu.memref_squeeze %dma_start3A_275 : memref<1x128x128xf32, #tpu.memory_space<vmem>> -> memref<128x128xf32, #tpu.memory_space<vmem>>
      %dma_start3A_277 = arith.constant 0 : i32
      %dma_start3A_278 = tpu.memref_slice %arg8[%dma_start3A_272, %dma_start3A_277] : memref<40x128xi32, #tpu.memory_space<vmem>> -> memref<1x128xi32, #tpu.memory_space<vmem>>
      %dma_start3A_279 = tpu.memref_squeeze %dma_start3A_278 : memref<1x128xi32, #tpu.memory_space<vmem>> -> memref<128xi32, #tpu.memory_space<vmem>>
      %dma_start3A_280 = arith.constant 0 : i32
      %dma_start3A_281 = arith.constant 0 : i32
      %dma_start3A_282 = tpu.memref_slice %arg10[%dma_start3A_280, %dma_start3A_281] : memref<10240x128xf32, #tpu.memory_space<vmem_shared>> -> memref<10240x128xf32, #tpu.memory_space<vmem_shared>>
      tpu.enqueue_indirect_dma source(%dma_start3A_276 : memref<128x128xf32, #tpu.memory_space<vmem>>) target(%dma_start3A_282 : memref<10240x128xf32, #tpu.memory_space<vmem_shared>>) offsets(%dma_start3A_279 : memref<128xi32, #tpu.memory_space<vmem>>) semaphore(%arg12 : memref<!tpu.dma_semaphore, #tpu.memory_space<semaphore_mem>>) {add = true}
      %gt3A_283 = arith.constant 1 : i32
      %gt3A_284 = arith.cmpi sgt, %min3A_190, %gt3A_283 : i32
      %convert_element_type3A_285 = arith.extui %gt3A_284 : i1 to i32
      %cond3A_286 = arith.constant 0 : i32
      %cond3A_287 = arith.cmpi ne, %convert_element_type3A_285, %cond3A_286 : i32
      scf.if %cond3A_287 {
        %sub3A_292 = arith.constant 1 : i32
        %sub3A_293 = arith.subi %min3A_190, %sub3A_292 : i32
        %while3A = arith.constant 1 : i32
        %while3A_294 = arith.constant 0 : i32
        %while3A_295 = arith.subi %sub3A_293, %while3A : i32
        %while3A_296 = arith.addi %while3A, %while3A_295 : i32
        %while3A_297 = arith.constant 1 : i32
        %while3A_298 = arith.divsi %while3A_295, %while3A_297 : i32
        %while3A_299 = arith.muli %while3A_298, %while3A_297 : i32
        %while3A_300 = arith.addi %while3A, %while3A_299 : i32
        %while3A_301 = arith.constant 1 : i32
        %while3A_302 = scf.for %while3A_361 = %while3A to %while3A_300 step %while3A_301 iter_args(%while3A_362 = %while3A_294) -> (i32)  : i32 {
          %sub3A_363 = arith.constant 1 : i32
          %sub3A_364 = arith.subi %while3A_361, %sub3A_363 : i32
          %and3A_365 = arith.constant 1 : i32
          %and3A_366 = arith.andi %sub3A_364, %and3A_365 : i32
          %dma_wait3A_367 = arith.constant 0 : i32
          %dma_wait3A_368 = arith.constant 0 : i32
          %dma_wait3A_369 = tpu.memref_slice %arg9[%and3A_366, %dma_wait3A_367, %dma_wait3A_368] : memref<2x128x128xf32, #tpu.memory_space<vmem>> -> memref<1x128x128xf32, #tpu.memory_space<vmem>>
          %dma_wait3A_370 = tpu.memref_squeeze %dma_wait3A_369 : memref<1x128x128xf32, #tpu.memory_space<vmem>> -> memref<128x128xf32, #tpu.memory_space<vmem>>
          %dma_wait3A_371 = arith.constant 0 : i32
          %dma_wait3A_372 = tpu.memref_slice %arg8[%sub3A_364, %dma_wait3A_371] : memref<40x128xi32, #tpu.memory_space<vmem>> -> memref<1x128xi32, #tpu.memory_space<vmem>>
          %dma_wait3A_373 = tpu.memref_squeeze %dma_wait3A_372 : memref<1x128xi32, #tpu.memory_space<vmem>> -> memref<128xi32, #tpu.memory_space<vmem>>
          %dma_wait3A_374 = arith.constant 0 : i32
          %dma_wait3A_375 = arith.constant 0 : i32
          %dma_wait3A_376 = tpu.memref_slice %arg10[%dma_wait3A_374, %dma_wait3A_375] : memref<10240x128xf32, #tpu.memory_space<vmem_shared>> -> memref<10240x128xf32, #tpu.memory_space<vmem_shared>>
          tpu.wait_indirect_dma semaphore(%arg12 : memref<!tpu.dma_semaphore, #tpu.memory_space<semaphore_mem>>) src(%dma_wait3A_370 : memref<128x128xf32, #tpu.memory_space<vmem>>) dst(%dma_wait3A_376 : memref<10240x128xf32, #tpu.memory_space<vmem_shared>>)
          %add3A_377 = arith.constant 1 : i32
          %add3A_378 = arith.addi %while3A_361, %add3A_377 : i32
          %mul3A_379 = arith.constant 128 : i32
          %mul3A_380 = arith.muli %add3A_378, %mul3A_379 : i32
          %and3A_381 = arith.constant 1 : i32
          %and3A_382 = arith.andi %add3A_378, %and3A_381 : i32
          %dma_start3A_383 = arith.constant 0 : i32
          %dma_start3A_384 = arith.constant 0 : i32
          %dma_start3A_385 = tpu.memref_slice %arg9[%and3A_382, %dma_start3A_383, %dma_start3A_384] : memref<2x128x128xf32, #tpu.memory_space<vmem>> -> memref<1x128x128xf32, #tpu.memory_space<vmem>>
          %dma_start3A_386 = tpu.memref_squeeze %dma_start3A_385 : memref<1x128x128xf32, #tpu.memory_space<vmem>> -> memref<128x128xf32, #tpu.memory_space<vmem>>
          %dma_start3A_387 = tpu.memref_slice %arg7[%mul3A_380] : memref<5120xi32, #tpu.memory_space<vmem>> -> memref<128xi32, #tpu.memory_space<vmem>>
          %dma_start3A_388 = arith.constant 0 : i32
          %dma_start3A_389 = arith.constant 0 : i32
          %dma_start3A_390 = tpu.memref_slice %arg4[%dma_start3A_388, %dma_start3A_389] : memref<10000x128xf32, #tpu.memory_space<hbm>> -> memref<10000x128xf32, #tpu.memory_space<hbm>>
          tpu.enqueue_indirect_dma source(%dma_start3A_390 : memref<10000x128xf32, #tpu.memory_space<hbm>>) target(%dma_start3A_386 : memref<128x128xf32, #tpu.memory_space<vmem>>) offsets(%dma_start3A_387 : memref<128xi32, #tpu.memory_space<vmem>>) semaphore(%arg11 : memref<!tpu.dma_semaphore, #tpu.memory_space<semaphore_mem>>)
          %mul3A_391 = arith.constant 128 : i32
          %mul3A_392 = arith.muli %while3A_361, %mul3A_391 : i32
          %and3A_393 = arith.constant 1 : i32
          %and3A_394 = arith.andi %while3A_361, %and3A_393 : i32
          %dma_wait3A_395 = arith.constant 0 : i32
          %dma_wait3A_396 = arith.constant 0 : i32
          %dma_wait3A_397 = tpu.memref_slice %arg9[%and3A_394, %dma_wait3A_395, %dma_wait3A_396] : memref<2x128x128xf32, #tpu.memory_space<vmem>> -> memref<1x128x128xf32, #tpu.memory_space<vmem>>
          %dma_wait3A_398 = tpu.memref_squeeze %dma_wait3A_397 : memref<1x128x128xf32, #tpu.memory_space<vmem>> -> memref<128x128xf32, #tpu.memory_space<vmem>>
          %dma_wait3A_399 = tpu.memref_slice %arg7[%mul3A_392] : memref<5120xi32, #tpu.memory_space<vmem>> -> memref<128xi32, #tpu.memory_space<vmem>>
          %dma_wait3A_400 = arith.constant 0 : i32
          %dma_wait3A_401 = arith.constant 0 : i32
          %dma_wait3A_402 = tpu.memref_slice %arg4[%dma_wait3A_400, %dma_wait3A_401] : memref<10000x128xf32, #tpu.memory_space<hbm>> -> memref<10000x128xf32, #tpu.memory_space<hbm>>
          tpu.wait_indirect_dma semaphore(%arg11 : memref<!tpu.dma_semaphore, #tpu.memory_space<semaphore_mem>>) src(%dma_wait3A_402 : memref<10000x128xf32, #tpu.memory_space<hbm>>) dst(%dma_wait3A_398 : memref<128x128xf32, #tpu.memory_space<vmem>>)
          %and3A_403 = arith.constant 1 : i32
          %and3A_404 = arith.andi %while3A_361, %and3A_403 : i32
          %dma_start3A_405 = arith.constant 0 : i32
          %dma_start3A_406 = arith.constant 0 : i32
          %dma_start3A_407 = tpu.memref_slice %arg9[%and3A_404, %dma_start3A_405, %dma_start3A_406] : memref<2x128x128xf32, #tpu.memory_space<vmem>> -> memref<1x128x128xf32, #tpu.memory_space<vmem>>
          %dma_start3A_408 = tpu.memref_squeeze %dma_start3A_407 : memref<1x128x128xf32, #tpu.memory_space<vmem>> -> memref<128x128xf32, #tpu.memory_space<vmem>>
          %dma_start3A_409 = arith.constant 0 : i32
          %dma_start3A_410 = tpu.memref_slice %arg8[%while3A_361, %dma_start3A_409] : memref<40x128xi32, #tpu.memory_space<vmem>> -> memref<1x128xi32, #tpu.memory_space<vmem>>
          %dma_start3A_411 = tpu.memref_squeeze %dma_start3A_410 : memref<1x128xi32, #tpu.memory_space<vmem>> -> memref<128xi32, #tpu.memory_space<vmem>>
          %dma_start3A_412 = arith.constant 0 : i32
          %dma_start3A_413 = arith.constant 0 : i32
          %dma_start3A_414 = tpu.memref_slice %arg10[%dma_start3A_412, %dma_start3A_413] : memref<10240x128xf32, #tpu.memory_space<vmem_shared>> -> memref<10240x128xf32, #tpu.memory_space<vmem_shared>>
          tpu.enqueue_indirect_dma source(%dma_start3A_408 : memref<128x128xf32, #tpu.memory_space<vmem>>) target(%dma_start3A_414 : memref<10240x128xf32, #tpu.memory_space<vmem_shared>>) offsets(%dma_start3A_411 : memref<128xi32, #tpu.memory_space<vmem>>) semaphore(%arg12 : memref<!tpu.dma_semaphore, #tpu.memory_space<semaphore_mem>>) {add = true}
          %while3A_415 = arith.constant 0 : i32
          scf.yield %while3A_415 : i32
        }
        %while3A_303 = arith.constant 1 : i32
        %while3A_304 = scf.for %while3A_361 = %while3A_300 to %while3A_296 step %while3A_303 iter_args(%while3A_362 = %while3A_302) -> (i32)  : i32 {
          %sub3A_363 = arith.constant 1 : i32
          %sub3A_364 = arith.subi %while3A_361, %sub3A_363 : i32
          %and3A_365 = arith.constant 1 : i32
          %and3A_366 = arith.andi %sub3A_364, %and3A_365 : i32
          %dma_wait3A_367 = arith.constant 0 : i32
          %dma_wait3A_368 = arith.constant 0 : i32
          %dma_wait3A_369 = tpu.memref_slice %arg9[%and3A_366, %dma_wait3A_367, %dma_wait3A_368] : memref<2x128x128xf32, #tpu.memory_space<vmem>> -> memref<1x128x128xf32, #tpu.memory_space<vmem>>
          %dma_wait3A_370 = tpu.memref_squeeze %dma_wait3A_369 : memref<1x128x128xf32, #tpu.memory_space<vmem>> -> memref<128x128xf32, #tpu.memory_space<vmem>>
          %dma_wait3A_371 = arith.constant 0 : i32
          %dma_wait3A_372 = tpu.memref_slice %arg8[%sub3A_364, %dma_wait3A_371] : memref<40x128xi32, #tpu.memory_space<vmem>> -> memref<1x128xi32, #tpu.memory_space<vmem>>
          %dma_wait3A_373 = tpu.memref_squeeze %dma_wait3A_372 : memref<1x128xi32, #tpu.memory_space<vmem>> -> memref<128xi32, #tpu.memory_space<vmem>>
          %dma_wait3A_374 = arith.constant 0 : i32
          %dma_wait3A_375 = arith.constant 0 : i32
          %dma_wait3A_376 = tpu.memref_slice %arg10[%dma_wait3A_374, %dma_wait3A_375] : memref<10240x128xf32, #tpu.memory_space<vmem_shared>> -> memref<10240x128xf32, #tpu.memory_space<vmem_shared>>
          tpu.wait_indirect_dma semaphore(%arg12 : memref<!tpu.dma_semaphore, #tpu.memory_space<semaphore_mem>>) src(%dma_wait3A_370 : memref<128x128xf32, #tpu.memory_space<vmem>>) dst(%dma_wait3A_376 : memref<10240x128xf32, #tpu.memory_space<vmem_shared>>)
          %add3A_377 = arith.constant 1 : i32
          %add3A_378 = arith.addi %while3A_361, %add3A_377 : i32
          %mul3A_379 = arith.constant 128 : i32
          %mul3A_380 = arith.muli %add3A_378, %mul3A_379 : i32
          %and3A_381 = arith.constant 1 : i32
          %and3A_382 = arith.andi %add3A_378, %and3A_381 : i32
          %dma_start3A_383 = arith.constant 0 : i32
          %dma_start3A_384 = arith.constant 0 : i32
          %dma_start3A_385 = tpu.memref_slice %arg9[%and3A_382, %dma_start3A_383, %dma_start3A_384] : memref<2x128x128xf32, #tpu.memory_space<vmem>> -> memref<1x128x128xf32, #tpu.memory_space<vmem>>
          %dma_start3A_386 = tpu.memref_squeeze %dma_start3A_385 : memref<1x128x128xf32, #tpu.memory_space<vmem>> -> memref<128x128xf32, #tpu.memory_space<vmem>>
          %dma_start3A_387 = tpu.memref_slice %arg7[%mul3A_380] : memref<5120xi32, #tpu.memory_space<vmem>> -> memref<128xi32, #tpu.memory_space<vmem>>
          %dma_start3A_388 = arith.constant 0 : i32
          %dma_start3A_389 = arith.constant 0 : i32
          %dma_start3A_390 = tpu.memref_slice %arg4[%dma_start3A_388, %dma_start3A_389] : memref<10000x128xf32, #tpu.memory_space<hbm>> -> memref<10000x128xf32, #tpu.memory_space<hbm>>
          tpu.enqueue_indirect_dma source(%dma_start3A_390 : memref<10000x128xf32, #tpu.memory_space<hbm>>) target(%dma_start3A_386 : memref<128x128xf32, #tpu.memory_space<vmem>>) offsets(%dma_start3A_387 : memref<128xi32, #tpu.memory_space<vmem>>) semaphore(%arg11 : memref<!tpu.dma_semaphore, #tpu.memory_space<semaphore_mem>>)
          %mul3A_391 = arith.constant 128 : i32
          %mul3A_392 = arith.muli %while3A_361, %mul3A_391 : i32
          %and3A_393 = arith.constant 1 : i32
          %and3A_394 = arith.andi %while3A_361, %and3A_393 : i32
          %dma_wait3A_395 = arith.constant 0 : i32
          %dma_wait3A_396 = arith.constant 0 : i32
          %dma_wait3A_397 = tpu.memref_slice %arg9[%and3A_394, %dma_wait3A_395, %dma_wait3A_396] : memref<2x128x128xf32, #tpu.memory_space<vmem>> -> memref<1x128x128xf32, #tpu.memory_space<vmem>>
          %dma_wait3A_398 = tpu.memref_squeeze %dma_wait3A_397 : memref<1x128x128xf32, #tpu.memory_space<vmem>> -> memref<128x128xf32, #tpu.memory_space<vmem>>
          %dma_wait3A_399 = tpu.memref_slice %arg7[%mul3A_392] : memref<5120xi32, #tpu.memory_space<vmem>> -> memref<128xi32, #tpu.memory_space<vmem>>
          %dma_wait3A_400 = arith.constant 0 : i32
          %dma_wait3A_401 = arith.constant 0 : i32
          %dma_wait3A_402 = tpu.memref_slice %arg4[%dma_wait3A_400, %dma_wait3A_401] : memref<10000x128xf32, #tpu.memory_space<hbm>> -> memref<10000x128xf32, #tpu.memory_space<hbm>>
          tpu.wait_indirect_dma semaphore(%arg11 : memref<!tpu.dma_semaphore, #tpu.memory_space<semaphore_mem>>) src(%dma_wait3A_402 : memref<10000x128xf32, #tpu.memory_space<hbm>>) dst(%dma_wait3A_398 : memref<128x128xf32, #tpu.memory_space<vmem>>)
          %and3A_403 = arith.constant 1 : i32
          %and3A_404 = arith.andi %while3A_361, %and3A_403 : i32
          %dma_start3A_405 = arith.constant 0 : i32
          %dma_start3A_406 = arith.constant 0 : i32
          %dma_start3A_407 = tpu.memref_slice %arg9[%and3A_404, %dma_start3A_405, %dma_start3A_406] : memref<2x128x128xf32, #tpu.memory_space<vmem>> -> memref<1x128x128xf32, #tpu.memory_space<vmem>>
          %dma_start3A_408 = tpu.memref_squeeze %dma_start3A_407 : memref<1x128x128xf32, #tpu.memory_space<vmem>> -> memref<128x128xf32, #tpu.memory_space<vmem>>
          %dma_start3A_409 = arith.constant 0 : i32
          %dma_start3A_410 = tpu.memref_slice %arg8[%while3A_361, %dma_start3A_409] : memref<40x128xi32, #tpu.memory_space<vmem>> -> memref<1x128xi32, #tpu.memory_space<vmem>>
          %dma_start3A_411 = tpu.memref_squeeze %dma_start3A_410 : memref<1x128xi32, #tpu.memory_space<vmem>> -> memref<128xi32, #tpu.memory_space<vmem>>
          %dma_start3A_412 = arith.constant 0 : i32
          %dma_start3A_413 = arith.constant 0 : i32
          %dma_start3A_414 = tpu.memref_slice %arg10[%dma_start3A_412, %dma_start3A_413] : memref<10240x128xf32, #tpu.memory_space<vmem_shared>> -> memref<10240x128xf32, #tpu.memory_space<vmem_shared>>
          tpu.enqueue_indirect_dma source(%dma_start3A_408 : memref<128x128xf32, #tpu.memory_space<vmem>>) target(%dma_start3A_414 : memref<10240x128xf32, #tpu.memory_space<vmem_shared>>) offsets(%dma_start3A_411 : memref<128xi32, #tpu.memory_space<vmem>>) semaphore(%arg12 : memref<!tpu.dma_semaphore, #tpu.memory_space<semaphore_mem>>) {add = true}
          %while3A_415 = arith.constant 0 : i32
          scf.yield %while3A_415 : i32
        }
        %sub3A_305 = arith.constant 2 : i32
        %sub3A_306 = arith.subi %min3A_190, %sub3A_305 : i32
        %and3A_307 = arith.constant 1 : i32
        %and3A_308 = arith.andi %sub3A_306, %and3A_307 : i32
        %dma_wait3A_309 = arith.constant 0 : i32
        %dma_wait3A_310 = arith.constant 0 : i32
        %dma_wait3A_311 = tpu.memref_slice %arg9[%and3A_308, %dma_wait3A_309, %dma_wait3A_310] : memref<2x128x128xf32, #tpu.memory_space<vmem>> -> memref<1x128x128xf32, #tpu.memory_space<vmem>>
        %dma_wait3A_312 = tpu.memref_squeeze %dma_wait3A_311 : memref<1x128x128xf32, #tpu.memory_space<vmem>> -> memref<128x128xf32, #tpu.memory_space<vmem>>
        %dma_wait3A_313 = arith.constant 0 : i32
        %dma_wait3A_314 = tpu.memref_slice %arg8[%sub3A_306, %dma_wait3A_313] : memref<40x128xi32, #tpu.memory_space<vmem>> -> memref<1x128xi32, #tpu.memory_space<vmem>>
        %dma_wait3A_315 = tpu.memref_squeeze %dma_wait3A_314 : memref<1x128xi32, #tpu.memory_space<vmem>> -> memref<128xi32, #tpu.memory_space<vmem>>
        %dma_wait3A_316 = arith.constant 0 : i32
        %dma_wait3A_317 = arith.constant 0 : i32
        %dma_wait3A_318 = tpu.memref_slice %arg10[%dma_wait3A_316, %dma_wait3A_317] : memref<10240x128xf32, #tpu.memory_space<vmem_shared>> -> memref<10240x128xf32, #tpu.memory_space<vmem_shared>>
        tpu.wait_indirect_dma semaphore(%arg12 : memref<!tpu.dma_semaphore, #tpu.memory_space<semaphore_mem>>) src(%dma_wait3A_312 : memref<128x128xf32, #tpu.memory_space<vmem>>) dst(%dma_wait3A_318 : memref<10240x128xf32, #tpu.memory_space<vmem_shared>>)
        %sub3A_319 = arith.constant 1 : i32
        %sub3A_320 = arith.subi %min3A_190, %sub3A_319 : i32
        %mul3A_321 = arith.constant 128 : i32
        %mul3A_322 = arith.muli %sub3A_320, %mul3A_321 : i32
        %and3A_323 = arith.constant 1 : i32
        %and3A_324 = arith.andi %sub3A_320, %and3A_323 : i32
        %dma_wait3A_325 = arith.constant 0 : i32
        %dma_wait3A_326 = arith.constant 0 : i32
        %dma_wait3A_327 = tpu.memref_slice %arg9[%and3A_324, %dma_wait3A_325, %dma_wait3A_326] : memref<2x128x128xf32, #tpu.memory_space<vmem>> -> memref<1x128x128xf32, #tpu.memory_space<vmem>>
        %dma_wait3A_328 = tpu.memref_squeeze %dma_wait3A_327 : memref<1x128x128xf32, #tpu.memory_space<vmem>> -> memref<128x128xf32, #tpu.memory_space<vmem>>
        %dma_wait3A_329 = tpu.memref_slice %arg7[%mul3A_322] : memref<5120xi32, #tpu.memory_space<vmem>> -> memref<128xi32, #tpu.memory_space<vmem>>
        %dma_wait3A_330 = arith.constant 0 : i32
        %dma_wait3A_331 = arith.constant 0 : i32
        %dma_wait3A_332 = tpu.memref_slice %arg4[%dma_wait3A_330, %dma_wait3A_331] : memref<10000x128xf32, #tpu.memory_space<hbm>> -> memref<10000x128xf32, #tpu.memory_space<hbm>>
        tpu.wait_indirect_dma semaphore(%arg11 : memref<!tpu.dma_semaphore, #tpu.memory_space<semaphore_mem>>) src(%dma_wait3A_332 : memref<10000x128xf32, #tpu.memory_space<hbm>>) dst(%dma_wait3A_328 : memref<128x128xf32, #tpu.memory_space<vmem>>)
        %sub3A_333 = arith.constant 1 : i32
        %sub3A_334 = arith.subi %min3A_190, %sub3A_333 : i32
        %and3A_335 = arith.constant 1 : i32
        %and3A_336 = arith.andi %sub3A_334, %and3A_335 : i32
        %dma_start3A_337 = arith.constant 0 : i32
        %dma_start3A_338 = arith.constant 0 : i32
        %dma_start3A_339 = tpu.memref_slice %arg9[%and3A_336, %dma_start3A_337, %dma_start3A_338] : memref<2x128x128xf32, #tpu.memory_space<vmem>> -> memref<1x128x128xf32, #tpu.memory_space<vmem>>
        %dma_start3A_340 = tpu.memref_squeeze %dma_start3A_339 : memref<1x128x128xf32, #tpu.memory_space<vmem>> -> memref<128x128xf32, #tpu.memory_space<vmem>>
        %dma_start3A_341 = arith.constant 0 : i32
        %dma_start3A_342 = tpu.memref_slice %arg8[%sub3A_334, %dma_start3A_341] : memref<40x128xi32, #tpu.memory_space<vmem>> -> memref<1x128xi32, #tpu.memory_space<vmem>>
        %dma_start3A_343 = tpu.memref_squeeze %dma_start3A_342 : memref<1x128xi32, #tpu.memory_space<vmem>> -> memref<128xi32, #tpu.memory_space<vmem>>
        %dma_start3A_344 = arith.constant 0 : i32
        %dma_start3A_345 = arith.constant 0 : i32
        %dma_start3A_346 = tpu.memref_slice %arg10[%dma_start3A_344, %dma_start3A_345] : memref<10240x128xf32, #tpu.memory_space<vmem_shared>> -> memref<10240x128xf32, #tpu.memory_space<vmem_shared>>
        tpu.enqueue_indirect_dma source(%dma_start3A_340 : memref<128x128xf32, #tpu.memory_space<vmem>>) target(%dma_start3A_346 : memref<10240x128xf32, #tpu.memory_space<vmem_shared>>) offsets(%dma_start3A_343 : memref<128xi32, #tpu.memory_space<vmem>>) semaphore(%arg12 : memref<!tpu.dma_semaphore, #tpu.memory_space<semaphore_mem>>) {add = true}
        %sub3A_347 = arith.constant 1 : i32
        %sub3A_348 = arith.subi %min3A_190, %sub3A_347 : i32
        %and3A_349 = arith.constant 1 : i32
        %and3A_350 = arith.andi %sub3A_348, %and3A_349 : i32
        %dma_wait3A_351 = arith.constant 0 : i32
        %dma_wait3A_352 = arith.constant 0 : i32
        %dma_wait3A_353 = tpu.memref_slice %arg9[%and3A_350, %dma_wait3A_351, %dma_wait3A_352] : memref<2x128x128xf32, #tpu.memory_space<vmem>> -> memref<1x128x128xf32, #tpu.memory_space<vmem>>
        %dma_wait3A_354 = tpu.memref_squeeze %dma_wait3A_353 : memref<1x128x128xf32, #tpu.memory_space<vmem>> -> memref<128x128xf32, #tpu.memory_space<vmem>>
        %dma_wait3A_355 = arith.constant 0 : i32
        %dma_wait3A_356 = tpu.memref_slice %arg8[%sub3A_348, %dma_wait3A_355] : memref<40x128xi32, #tpu.memory_space<vmem>> -> memref<1x128xi32, #tpu.memory_space<vmem>>
        %dma_wait3A_357 = tpu.memref_squeeze %dma_wait3A_356 : memref<1x128xi32, #tpu.memory_space<vmem>> -> memref<128xi32, #tpu.memory_space<vmem>>
        %dma_wait3A_358 = arith.constant 0 : i32
        %dma_wait3A_359 = arith.constant 0 : i32
        %dma_wait3A_360 = tpu.memref_slice %arg10[%dma_wait3A_358, %dma_wait3A_359] : memref<10240x128xf32, #tpu.memory_space<vmem_shared>> -> memref<10240x128xf32, #tpu.memory_space<vmem_shared>>
        tpu.wait_indirect_dma semaphore(%arg12 : memref<!tpu.dma_semaphore, #tpu.memory_space<semaphore_mem>>) src(%dma_wait3A_354 : memref<128x128xf32, #tpu.memory_space<vmem>>) dst(%dma_wait3A_360 : memref<10240x128xf32, #tpu.memory_space<vmem_shared>>)
      } else {
      }
      %eq3A = arith.constant 1 : i32
      %eq3A_288 = arith.cmpi eq, %min3A_190, %eq3A : i32
      %convert_element_type3A_289 = arith.extui %eq3A_288 : i1 to i32
      %cond3A_290 = arith.constant 0 : i32
      %cond3A_291 = arith.cmpi ne, %convert_element_type3A_289, %cond3A_290 : i32
      scf.if %cond3A_291 {
        %dma_wait3A_292 = arith.constant 0 : i32
        %dma_wait3A_293 = arith.constant 0 : i32
        %dma_wait3A_294 = arith.constant 0 : i32
        %dma_wait3A_295 = arith.constant 0 : i32
        %dma_wait3A_296 = tpu.memref_slice %arg9[%dma_wait3A_292, %dma_wait3A_294, %dma_wait3A_295] : memref<2x128x128xf32, #tpu.memory_space<vmem>> -> memref<1x128x128xf32, #tpu.memory_space<vmem>>
        %dma_wait3A_297 = tpu.memref_squeeze %dma_wait3A_296 : memref<1x128x128xf32, #tpu.memory_space<vmem>> -> memref<128x128xf32, #tpu.memory_space<vmem>>
        %dma_wait3A_298 = arith.constant 0 : i32
        %dma_wait3A_299 = tpu.memref_slice %arg8[%dma_wait3A_293, %dma_wait3A_298] : memref<40x128xi32, #tpu.memory_space<vmem>> -> memref<1x128xi32, #tpu.memory_space<vmem>>
        %dma_wait3A_300 = tpu.memref_squeeze %dma_wait3A_299 : memref<1x128xi32, #tpu.memory_space<vmem>> -> memref<128xi32, #tpu.memory_space<vmem>>
        %dma_wait3A_301 = arith.constant 0 : i32
        %dma_wait3A_302 = arith.constant 0 : i32
        %dma_wait3A_303 = tpu.memref_slice %arg10[%dma_wait3A_301, %dma_wait3A_302] : memref<10240x128xf32, #tpu.memory_space<vmem_shared>> -> memref<10240x128xf32, #tpu.memory_space<vmem_shared>>
        tpu.wait_indirect_dma semaphore(%arg12 : memref<!tpu.dma_semaphore, #tpu.memory_space<semaphore_mem>>) src(%dma_wait3A_297 : memref<128x128xf32, #tpu.memory_space<vmem>>) dst(%dma_wait3A_303 : memref<10240x128xf32, #tpu.memory_space<vmem_shared>>)
      } else {
      }
    } else {
    }
    %mul3A_202 = arith.constant 80 : i32
    %mul3A_203 = arith.muli %add3A, %mul3A_202 : i32
    %sub3A_204 = arith.constant 2500 : i32
    %sub3A_205 = arith.subi %sub3A_204, %mul3A_203 : i32
    %jit3A_206 = arith.constant 0 : i32
    %jit3A_207 = arith.constant 80 : i32
    %max3A_208 = arith.maxsi %jit3A_206, %sub3A_205 : i32
    %min3A_209 = arith.minsi %jit3A_207, %max3A_208 : i32
    %sub3A_210 = arith.constant 40 : i32
    %sub3A_211 = arith.subi %min3A_209, %sub3A_210 : i32
    %jit3A_212 = arith.constant 0 : i32
    %jit3A_213 = arith.constant 40 : i32
    %max3A_214 = arith.maxsi %jit3A_212, %sub3A_211 : i32
    %min3A_215 = arith.minsi %jit3A_213, %max3A_214 : i32
    %mul3A_216 = arith.constant 80 : i32
    %mul3A_217 = arith.muli %add3A, %mul3A_216 : i32
    %mul3A_218 = arith.constant 128 : i32
    %mul3A_219 = arith.muli %mul3A_217, %mul3A_218 : i32
    %add3A_220 = arith.constant 5120 : i32
    %add3A_221 = arith.addi %mul3A_219, %add3A_220 : i32
    %ge3A_222 = arith.constant 40 : i32
    %ge3A_223 = arith.cmpi sge, %min3A_215, %ge3A_222 : i32
    %convert_element_type3A_224 = arith.extui %ge3A_223 : i1 to i32
    %cond3A_225 = arith.constant 0 : i32
    %cond3A_226 = arith.cmpi ne, %convert_element_type3A_224, %cond3A_225 : i32
    scf.if %cond3A_226 {
      %run_scoped3A_246 = arith.constant 0 : i32
      "tpu.region"() ({
        %run_scoped3A_247 = tpu.sem_alloc : memref<!tpu.dma_semaphore, #tpu.memory_space<semaphore_mem>>
        %dma_start3A_248 = tpu.memref_slice %arg2[%run_scoped3A_246, %add3A_221] : memref<2x320000xi32, #tpu.memory_space<hbm>> -> memref<1x5120xi32, #tpu.memory_space<hbm>>
        %dma_start3A_249 = tpu.memref_squeeze %dma_start3A_248 : memref<1x5120xi32, #tpu.memory_space<hbm>> -> memref<5120xi32, #tpu.memory_space<hbm>>
        %dma_start3A_250 = tpu.memref_slice %arg2[%run_scoped3A_246, %add3A_221] : memref<2x320000xi32, #tpu.memory_space<hbm>> -> memref<1x5120xi32, #tpu.memory_space<hbm>>
        %dma_start3A_251 = tpu.memref_squeeze %dma_start3A_250 : memref<1x5120xi32, #tpu.memory_space<hbm>> -> memref<5120xi32, #tpu.memory_space<hbm>>
        tpu.enqueue_dma source(%dma_start3A_251 : memref<5120xi32, #tpu.memory_space<hbm>>) target(%arg7 : memref<5120xi32, #tpu.memory_space<vmem>>) target_semaphore(%run_scoped3A_247 : memref<!tpu.dma_semaphore, #tpu.memory_space<semaphore_mem>>)
        %dma_wait3A_252 = tpu.memref_slice %arg2[%run_scoped3A_246, %add3A_221] : memref<2x320000xi32, #tpu.memory_space<hbm>> -> memref<1x5120xi32, #tpu.memory_space<hbm>>
        %dma_wait3A_253 = tpu.memref_squeeze %dma_wait3A_252 : memref<1x5120xi32, #tpu.memory_space<hbm>> -> memref<5120xi32, #tpu.memory_space<hbm>>
        %dma_wait3A_254 = tpu.memref_slice %arg2[%run_scoped3A_246, %add3A_221] : memref<2x320000xi32, #tpu.memory_space<hbm>> -> memref<1x5120xi32, #tpu.memory_space<hbm>>
        %dma_wait3A_255 = tpu.memref_squeeze %dma_wait3A_254 : memref<1x5120xi32, #tpu.memory_space<hbm>> -> memref<5120xi32, #tpu.memory_space<hbm>>
        tpu.wait_dma2 semaphore(%run_scoped3A_247 : memref<!tpu.dma_semaphore, #tpu.memory_space<semaphore_mem>>) src(%dma_wait3A_255 : memref<5120xi32, #tpu.memory_space<hbm>>) dst(%arg7 : memref<5120xi32, #tpu.memory_space<vmem>>)
        tpu.yield
      }) : () -> ()
    } else {
    }
    %gt3A_227 = arith.constant 0 : i32
    %gt3A_228 = arith.cmpi sgt, %min3A_215, %gt3A_227 : i32
    %lt3A_229 = arith.constant 40 : i32
    %lt3A_230 = arith.cmpi slt, %min3A_215, %lt3A_229 : i32
    %and3A_231 = arith.andi %gt3A_228, %lt3A_230 : i1
    %convert_element_type3A_232 = arith.extui %and3A_231 : i1 to i32
    %cond3A_233 = arith.constant 0 : i32
    %cond3A_234 = arith.cmpi ne, %convert_element_type3A_232, %cond3A_233 : i32
    scf.if %cond3A_234 {
      %run_scoped3A_246 = arith.constant 0 : i32
      "tpu.region"() ({
        %run_scoped3A_247 = tpu.sem_alloc : memref<!tpu.dma_semaphore, #tpu.memory_space<semaphore_mem>>
        %dma_start3A_248 = arith.constant 0 : i32
        %dma_start3A_249 = tpu.memref_slice %arg7[%dma_start3A_248] : memref<5120xi32, #tpu.memory_space<vmem>> -> memref<2560xi32, #tpu.memory_space<vmem>>
        %dma_start3A_250 = tpu.memref_slice %arg2[%run_scoped3A_246, %add3A_221] : memref<2x320000xi32, #tpu.memory_space<hbm>> -> memref<1x2560xi32, #tpu.memory_space<hbm>>
        %dma_start3A_251 = tpu.memref_squeeze %dma_start3A_250 : memref<1x2560xi32, #tpu.memory_space<hbm>> -> memref<2560xi32, #tpu.memory_space<hbm>>
        %dma_start3A_252 = arith.constant 0 : i32
        %dma_start3A_253 = tpu.memref_slice %arg7[%dma_start3A_252] : memref<5120xi32, #tpu.memory_space<vmem>> -> memref<2560xi32, #tpu.memory_space<vmem>>
        %dma_start3A_254 = tpu.memref_slice %arg2[%run_scoped3A_246, %add3A_221] : memref<2x320000xi32, #tpu.memory_space<hbm>> -> memref<1x2560xi32, #tpu.memory_space<hbm>>
        %dma_start3A_255 = tpu.memref_squeeze %dma_start3A_254 : memref<1x2560xi32, #tpu.memory_space<hbm>> -> memref<2560xi32, #tpu.memory_space<hbm>>
        tpu.enqueue_dma source(%dma_start3A_255 : memref<2560xi32, #tpu.memory_space<hbm>>) target(%dma_start3A_253 : memref<2560xi32, #tpu.memory_space<vmem>>) target_semaphore(%run_scoped3A_247 : memref<!tpu.dma_semaphore, #tpu.memory_space<semaphore_mem>>)
        %dma_wait3A_256 = arith.constant 0 : i32
        %dma_wait3A_257 = tpu.memref_slice %arg7[%dma_wait3A_256] : memref<5120xi32, #tpu.memory_space<vmem>> -> memref<2560xi32, #tpu.memory_space<vmem>>
        %dma_wait3A_258 = tpu.memref_slice %arg2[%run_scoped3A_246, %add3A_221] : memref<2x320000xi32, #tpu.memory_space<hbm>> -> memref<1x2560xi32, #tpu.memory_space<hbm>>
        %dma_wait3A_259 = tpu.memref_squeeze %dma_wait3A_258 : memref<1x2560xi32, #tpu.memory_space<hbm>> -> memref<2560xi32, #tpu.memory_space<hbm>>
        %dma_wait3A_260 = arith.constant 0 : i32
        %dma_wait3A_261 = tpu.memref_slice %arg7[%dma_wait3A_260] : memref<5120xi32, #tpu.memory_space<vmem>> -> memref<2560xi32, #tpu.memory_space<vmem>>
        %dma_wait3A_262 = tpu.memref_slice %arg2[%run_scoped3A_246, %add3A_221] : memref<2x320000xi32, #tpu.memory_space<hbm>> -> memref<1x2560xi32, #tpu.memory_space<hbm>>
        %dma_wait3A_263 = tpu.memref_squeeze %dma_wait3A_262 : memref<1x2560xi32, #tpu.memory_space<hbm>> -> memref<2560xi32, #tpu.memory_space<hbm>>
        tpu.wait_dma2 semaphore(%run_scoped3A_247 : memref<!tpu.dma_semaphore, #tpu.memory_space<semaphore_mem>>) src(%dma_wait3A_263 : memref<2560xi32, #tpu.memory_space<hbm>>) dst(%dma_wait3A_261 : memref<2560xi32, #tpu.memory_space<vmem>>)
        tpu.yield
      }) : () -> ()
    } else {
    }
    %gt3A_235 = arith.constant 0 : i32
    %gt3A_236 = arith.cmpi sgt, %min3A_215, %gt3A_235 : i32
    %convert_element_type3A_237 = arith.extui %gt3A_236 : i1 to i32
    %cond3A_238 = arith.constant 0 : i32
    %cond3A_239 = arith.cmpi ne, %convert_element_type3A_237, %cond3A_238 : i32
    scf.if %cond3A_239 {
      %mul3A_246 = arith.constant 80 : i32
      %mul3A_247 = arith.muli %add3A, %mul3A_246 : i32
      %add3A_248 = arith.constant 40 : i32
      %add3A_249 = arith.addi %mul3A_247, %add3A_248 : i32
      "tpu.region"() ({
        %run_scoped3A_250 = tpu.sem_alloc : memref<!tpu.dma_semaphore, #tpu.memory_space<semaphore_mem>>
        %dma_start3A_251 = arith.constant 0 : i32
        %dma_start3A_252 = tpu.memref_slice %arg3[%add3A_249, %dma_start3A_251] : memref<2560x128xi32, #tpu.memory_space<hbm>> -> memref<40x128xi32, #tpu.memory_space<hbm>>
        %dma_start3A_253 = arith.constant 0 : i32
        %dma_start3A_254 = tpu.memref_slice %arg3[%add3A_249, %dma_start3A_253] : memref<2560x128xi32, #tpu.memory_space<hbm>> -> memref<40x128xi32, #tpu.memory_space<hbm>>
        tpu.enqueue_dma source(%dma_start3A_254 : memref<40x128xi32, #tpu.memory_space<hbm>>) target(%arg8 : memref<40x128xi32, #tpu.memory_space<vmem>>) target_semaphore(%run_scoped3A_250 : memref<!tpu.dma_semaphore, #tpu.memory_space<semaphore_mem>>)
        %dma_wait3A_255 = arith.constant 0 : i32
        %dma_wait3A_256 = tpu.memref_slice %arg3[%add3A_249, %dma_wait3A_255] : memref<2560x128xi32, #tpu.memory_space<hbm>> -> memref<40x128xi32, #tpu.memory_space<hbm>>
        %dma_wait3A_257 = arith.constant 0 : i32
        %dma_wait3A_258 = tpu.memref_slice %arg3[%add3A_249, %dma_wait3A_257] : memref<2560x128xi32, #tpu.memory_space<hbm>> -> memref<40x128xi32, #tpu.memory_space<hbm>>
        tpu.wait_dma2 semaphore(%run_scoped3A_250 : memref<!tpu.dma_semaphore, #tpu.memory_space<semaphore_mem>>) src(%dma_wait3A_258 : memref<40x128xi32, #tpu.memory_space<hbm>>) dst(%arg8 : memref<40x128xi32, #tpu.memory_space<vmem>>)
        tpu.yield
      }) : () -> ()
    } else {
    }
    %gt3A_240 = arith.constant 0 : i32
    %gt3A_241 = arith.cmpi sgt, %min3A_215, %gt3A_240 : i32
    %convert_element_type3A_242 = arith.extui %gt3A_241 : i1 to i32
    %cond3A_243 = arith.constant 0 : i32
    %cond3A_244 = arith.cmpi ne, %convert_element_type3A_242, %cond3A_243 : i32
    scf.if %cond3A_244 {
      %dma_start3A_246 = arith.constant 0 : i32
      %dma_start3A_247 = arith.constant 0 : i32
      %dma_start3A_248 = arith.constant 0 : i32
      %dma_start3A_249 = tpu.memref_slice %arg9[%dma_start3A_246, %dma_start3A_247, %dma_start3A_248] : memref<2x128x128xf32, #tpu.memory_space<vmem>> -> memref<1x128x128xf32, #tpu.memory_space<vmem>>
      %dma_start3A_250 = tpu.memref_squeeze %dma_start3A_249 : memref<1x128x128xf32, #tpu.memory_space<vmem>> -> memref<128x128xf32, #tpu.memory_space<vmem>>
      %dma_start3A_251 = arith.constant 0 : i32
      %dma_start3A_252 = tpu.memref_slice %arg7[%dma_start3A_251] : memref<5120xi32, #tpu.memory_space<vmem>> -> memref<128xi32, #tpu.memory_space<vmem>>
      %dma_start3A_253 = arith.constant 0 : i32
      %dma_start3A_254 = arith.constant 0 : i32
      %dma_start3A_255 = tpu.memref_slice %arg4[%dma_start3A_253, %dma_start3A_254] : memref<10000x128xf32, #tpu.memory_space<hbm>> -> memref<10000x128xf32, #tpu.memory_space<hbm>>
      tpu.enqueue_indirect_dma source(%dma_start3A_255 : memref<10000x128xf32, #tpu.memory_space<hbm>>) target(%dma_start3A_250 : memref<128x128xf32, #tpu.memory_space<vmem>>) offsets(%dma_start3A_252 : memref<128xi32, #tpu.memory_space<vmem>>) semaphore(%arg11 : memref<!tpu.dma_semaphore, #tpu.memory_space<semaphore_mem>>)
      %gt3A_256 = arith.constant 1 : i32
      %gt3A_257 = arith.cmpi sgt, %min3A_215, %gt3A_256 : i32
      %convert_element_type3A_258 = arith.extui %gt3A_257 : i1 to i32
      %cond3A_259 = arith.constant 0 : i32
      %cond3A_260 = arith.cmpi ne, %convert_element_type3A_258, %cond3A_259 : i32
      scf.if %cond3A_260 {
        %dma_start3A_292 = arith.constant 1 : i32
        %dma_start3A_293 = arith.constant 0 : i32
        %dma_start3A_294 = arith.constant 0 : i32
        %dma_start3A_295 = tpu.memref_slice %arg9[%dma_start3A_292, %dma_start3A_293, %dma_start3A_294] : memref<2x128x128xf32, #tpu.memory_space<vmem>> -> memref<1x128x128xf32, #tpu.memory_space<vmem>>
        %dma_start3A_296 = tpu.memref_squeeze %dma_start3A_295 : memref<1x128x128xf32, #tpu.memory_space<vmem>> -> memref<128x128xf32, #tpu.memory_space<vmem>>
        %dma_start3A_297 = arith.constant 128 : i32
        %dma_start3A_298 = tpu.memref_slice %arg7[%dma_start3A_297] : memref<5120xi32, #tpu.memory_space<vmem>> -> memref<128xi32, #tpu.memory_space<vmem>>
        %dma_start3A_299 = arith.constant 0 : i32
        %dma_start3A_300 = arith.constant 0 : i32
        %dma_start3A_301 = tpu.memref_slice %arg4[%dma_start3A_299, %dma_start3A_300] : memref<10000x128xf32, #tpu.memory_space<hbm>> -> memref<10000x128xf32, #tpu.memory_space<hbm>>
        tpu.enqueue_indirect_dma source(%dma_start3A_301 : memref<10000x128xf32, #tpu.memory_space<hbm>>) target(%dma_start3A_296 : memref<128x128xf32, #tpu.memory_space<vmem>>) offsets(%dma_start3A_298 : memref<128xi32, #tpu.memory_space<vmem>>) semaphore(%arg11 : memref<!tpu.dma_semaphore, #tpu.memory_space<semaphore_mem>>)
      } else {
      }
      %dma_wait3A_261 = arith.constant 0 : i32
      %dma_wait3A_262 = arith.constant 0 : i32
      %dma_wait3A_263 = arith.constant 0 : i32
      %dma_wait3A_264 = tpu.memref_slice %arg9[%dma_wait3A_261, %dma_wait3A_262, %dma_wait3A_263] : memref<2x128x128xf32, #tpu.memory_space<vmem>> -> memref<1x128x128xf32, #tpu.memory_space<vmem>>
      %dma_wait3A_265 = tpu.memref_squeeze %dma_wait3A_264 : memref<1x128x128xf32, #tpu.memory_space<vmem>> -> memref<128x128xf32, #tpu.memory_space<vmem>>
      %dma_wait3A_266 = arith.constant 0 : i32
      %dma_wait3A_267 = tpu.memref_slice %arg7[%dma_wait3A_266] : memref<5120xi32, #tpu.memory_space<vmem>> -> memref<128xi32, #tpu.memory_space<vmem>>
      %dma_wait3A_268 = arith.constant 0 : i32
      %dma_wait3A_269 = arith.constant 0 : i32
      %dma_wait3A_270 = tpu.memref_slice %arg4[%dma_wait3A_268, %dma_wait3A_269] : memref<10000x128xf32, #tpu.memory_space<hbm>> -> memref<10000x128xf32, #tpu.memory_space<hbm>>
      tpu.wait_indirect_dma semaphore(%arg11 : memref<!tpu.dma_semaphore, #tpu.memory_space<semaphore_mem>>) src(%dma_wait3A_270 : memref<10000x128xf32, #tpu.memory_space<hbm>>) dst(%dma_wait3A_265 : memref<128x128xf32, #tpu.memory_space<vmem>>)
      %dma_start3A_271 = arith.constant 0 : i32
      %dma_start3A_272 = arith.constant 0 : i32
      %dma_start3A_273 = arith.constant 0 : i32
      %dma_start3A_274 = arith.constant 0 : i32
      %dma_start3A_275 = tpu.memref_slice %arg9[%dma_start3A_271, %dma_start3A_273, %dma_start3A_274] : memref<2x128x128xf32, #tpu.memory_space<vmem>> -> memref<1x128x128xf32, #tpu.memory_space<vmem>>
      %dma_start3A_276 = tpu.memref_squeeze %dma_start3A_275 : memref<1x128x128xf32, #tpu.memory_space<vmem>> -> memref<128x128xf32, #tpu.memory_space<vmem>>
      %dma_start3A_277 = arith.constant 0 : i32
      %dma_start3A_278 = tpu.memref_slice %arg8[%dma_start3A_272, %dma_start3A_277] : memref<40x128xi32, #tpu.memory_space<vmem>> -> memref<1x128xi32, #tpu.memory_space<vmem>>
      %dma_start3A_279 = tpu.memref_squeeze %dma_start3A_278 : memref<1x128xi32, #tpu.memory_space<vmem>> -> memref<128xi32, #tpu.memory_space<vmem>>
      %dma_start3A_280 = arith.constant 0 : i32
      %dma_start3A_281 = arith.constant 0 : i32
      %dma_start3A_282 = tpu.memref_slice %arg10[%dma_start3A_280, %dma_start3A_281] : memref<10240x128xf32, #tpu.memory_space<vmem_shared>> -> memref<10240x128xf32, #tpu.memory_space<vmem_shared>>
      tpu.enqueue_indirect_dma source(%dma_start3A_276 : memref<128x128xf32, #tpu.memory_space<vmem>>) target(%dma_start3A_282 : memref<10240x128xf32, #tpu.memory_space<vmem_shared>>) offsets(%dma_start3A_279 : memref<128xi32, #tpu.memory_space<vmem>>) semaphore(%arg12 : memref<!tpu.dma_semaphore, #tpu.memory_space<semaphore_mem>>) {add = true}
      %gt3A_283 = arith.constant 1 : i32
      %gt3A_284 = arith.cmpi sgt, %min3A_215, %gt3A_283 : i32
      %convert_element_type3A_285 = arith.extui %gt3A_284 : i1 to i32
      %cond3A_286 = arith.constant 0 : i32
      %cond3A_287 = arith.cmpi ne, %convert_element_type3A_285, %cond3A_286 : i32
      scf.if %cond3A_287 {
        %sub3A_292 = arith.constant 1 : i32
        %sub3A_293 = arith.subi %min3A_215, %sub3A_292 : i32
        %while3A = arith.constant 1 : i32
        %while3A_294 = arith.constant 0 : i32
        %while3A_295 = arith.subi %sub3A_293, %while3A : i32
        %while3A_296 = arith.addi %while3A, %while3A_295 : i32
        %while3A_297 = arith.constant 1 : i32
        %while3A_298 = arith.divsi %while3A_295, %while3A_297 : i32
        %while3A_299 = arith.muli %while3A_298, %while3A_297 : i32
        %while3A_300 = arith.addi %while3A, %while3A_299 : i32
        %while3A_301 = arith.constant 1 : i32
        %while3A_302 = scf.for %while3A_361 = %while3A to %while3A_300 step %while3A_301 iter_args(%while3A_362 = %while3A_294) -> (i32)  : i32 {
          %sub3A_363 = arith.constant 1 : i32
          %sub3A_364 = arith.subi %while3A_361, %sub3A_363 : i32
          %and3A_365 = arith.constant 1 : i32
          %and3A_366 = arith.andi %sub3A_364, %and3A_365 : i32
          %dma_wait3A_367 = arith.constant 0 : i32
          %dma_wait3A_368 = arith.constant 0 : i32
          %dma_wait3A_369 = tpu.memref_slice %arg9[%and3A_366, %dma_wait3A_367, %dma_wait3A_368] : memref<2x128x128xf32, #tpu.memory_space<vmem>> -> memref<1x128x128xf32, #tpu.memory_space<vmem>>
          %dma_wait3A_370 = tpu.memref_squeeze %dma_wait3A_369 : memref<1x128x128xf32, #tpu.memory_space<vmem>> -> memref<128x128xf32, #tpu.memory_space<vmem>>
          %dma_wait3A_371 = arith.constant 0 : i32
          %dma_wait3A_372 = tpu.memref_slice %arg8[%sub3A_364, %dma_wait3A_371] : memref<40x128xi32, #tpu.memory_space<vmem>> -> memref<1x128xi32, #tpu.memory_space<vmem>>
          %dma_wait3A_373 = tpu.memref_squeeze %dma_wait3A_372 : memref<1x128xi32, #tpu.memory_space<vmem>> -> memref<128xi32, #tpu.memory_space<vmem>>
          %dma_wait3A_374 = arith.constant 0 : i32
          %dma_wait3A_375 = arith.constant 0 : i32
          %dma_wait3A_376 = tpu.memref_slice %arg10[%dma_wait3A_374, %dma_wait3A_375] : memref<10240x128xf32, #tpu.memory_space<vmem_shared>> -> memref<10240x128xf32, #tpu.memory_space<vmem_shared>>
          tpu.wait_indirect_dma semaphore(%arg12 : memref<!tpu.dma_semaphore, #tpu.memory_space<semaphore_mem>>) src(%dma_wait3A_370 : memref<128x128xf32, #tpu.memory_space<vmem>>) dst(%dma_wait3A_376 : memref<10240x128xf32, #tpu.memory_space<vmem_shared>>)
          %add3A_377 = arith.constant 1 : i32
          %add3A_378 = arith.addi %while3A_361, %add3A_377 : i32
          %mul3A_379 = arith.constant 128 : i32
          %mul3A_380 = arith.muli %add3A_378, %mul3A_379 : i32
          %and3A_381 = arith.constant 1 : i32
          %and3A_382 = arith.andi %add3A_378, %and3A_381 : i32
          %dma_start3A_383 = arith.constant 0 : i32
          %dma_start3A_384 = arith.constant 0 : i32
          %dma_start3A_385 = tpu.memref_slice %arg9[%and3A_382, %dma_start3A_383, %dma_start3A_384] : memref<2x128x128xf32, #tpu.memory_space<vmem>> -> memref<1x128x128xf32, #tpu.memory_space<vmem>>
          %dma_start3A_386 = tpu.memref_squeeze %dma_start3A_385 : memref<1x128x128xf32, #tpu.memory_space<vmem>> -> memref<128x128xf32, #tpu.memory_space<vmem>>
          %dma_start3A_387 = tpu.memref_slice %arg7[%mul3A_380] : memref<5120xi32, #tpu.memory_space<vmem>> -> memref<128xi32, #tpu.memory_space<vmem>>
          %dma_start3A_388 = arith.constant 0 : i32
          %dma_start3A_389 = arith.constant 0 : i32
          %dma_start3A_390 = tpu.memref_slice %arg4[%dma_start3A_388, %dma_start3A_389] : memref<10000x128xf32, #tpu.memory_space<hbm>> -> memref<10000x128xf32, #tpu.memory_space<hbm>>
          tpu.enqueue_indirect_dma source(%dma_start3A_390 : memref<10000x128xf32, #tpu.memory_space<hbm>>) target(%dma_start3A_386 : memref<128x128xf32, #tpu.memory_space<vmem>>) offsets(%dma_start3A_387 : memref<128xi32, #tpu.memory_space<vmem>>) semaphore(%arg11 : memref<!tpu.dma_semaphore, #tpu.memory_space<semaphore_mem>>)
          %mul3A_391 = arith.constant 128 : i32
          %mul3A_392 = arith.muli %while3A_361, %mul3A_391 : i32
          %and3A_393 = arith.constant 1 : i32
          %and3A_394 = arith.andi %while3A_361, %and3A_393 : i32
          %dma_wait3A_395 = arith.constant 0 : i32
          %dma_wait3A_396 = arith.constant 0 : i32
          %dma_wait3A_397 = tpu.memref_slice %arg9[%and3A_394, %dma_wait3A_395, %dma_wait3A_396] : memref<2x128x128xf32, #tpu.memory_space<vmem>> -> memref<1x128x128xf32, #tpu.memory_space<vmem>>
          %dma_wait3A_398 = tpu.memref_squeeze %dma_wait3A_397 : memref<1x128x128xf32, #tpu.memory_space<vmem>> -> memref<128x128xf32, #tpu.memory_space<vmem>>
          %dma_wait3A_399 = tpu.memref_slice %arg7[%mul3A_392] : memref<5120xi32, #tpu.memory_space<vmem>> -> memref<128xi32, #tpu.memory_space<vmem>>
          %dma_wait3A_400 = arith.constant 0 : i32
          %dma_wait3A_401 = arith.constant 0 : i32
          %dma_wait3A_402 = tpu.memref_slice %arg4[%dma_wait3A_400, %dma_wait3A_401] : memref<10000x128xf32, #tpu.memory_space<hbm>> -> memref<10000x128xf32, #tpu.memory_space<hbm>>
          tpu.wait_indirect_dma semaphore(%arg11 : memref<!tpu.dma_semaphore, #tpu.memory_space<semaphore_mem>>) src(%dma_wait3A_402 : memref<10000x128xf32, #tpu.memory_space<hbm>>) dst(%dma_wait3A_398 : memref<128x128xf32, #tpu.memory_space<vmem>>)
          %and3A_403 = arith.constant 1 : i32
          %and3A_404 = arith.andi %while3A_361, %and3A_403 : i32
          %dma_start3A_405 = arith.constant 0 : i32
          %dma_start3A_406 = arith.constant 0 : i32
          %dma_start3A_407 = tpu.memref_slice %arg9[%and3A_404, %dma_start3A_405, %dma_start3A_406] : memref<2x128x128xf32, #tpu.memory_space<vmem>> -> memref<1x128x128xf32, #tpu.memory_space<vmem>>
          %dma_start3A_408 = tpu.memref_squeeze %dma_start3A_407 : memref<1x128x128xf32, #tpu.memory_space<vmem>> -> memref<128x128xf32, #tpu.memory_space<vmem>>
          %dma_start3A_409 = arith.constant 0 : i32
          %dma_start3A_410 = tpu.memref_slice %arg8[%while3A_361, %dma_start3A_409] : memref<40x128xi32, #tpu.memory_space<vmem>> -> memref<1x128xi32, #tpu.memory_space<vmem>>
          %dma_start3A_411 = tpu.memref_squeeze %dma_start3A_410 : memref<1x128xi32, #tpu.memory_space<vmem>> -> memref<128xi32, #tpu.memory_space<vmem>>
          %dma_start3A_412 = arith.constant 0 : i32
          %dma_start3A_413 = arith.constant 0 : i32
          %dma_start3A_414 = tpu.memref_slice %arg10[%dma_start3A_412, %dma_start3A_413] : memref<10240x128xf32, #tpu.memory_space<vmem_shared>> -> memref<10240x128xf32, #tpu.memory_space<vmem_shared>>
          tpu.enqueue_indirect_dma source(%dma_start3A_408 : memref<128x128xf32, #tpu.memory_space<vmem>>) target(%dma_start3A_414 : memref<10240x128xf32, #tpu.memory_space<vmem_shared>>) offsets(%dma_start3A_411 : memref<128xi32, #tpu.memory_space<vmem>>) semaphore(%arg12 : memref<!tpu.dma_semaphore, #tpu.memory_space<semaphore_mem>>) {add = true}
          %while3A_415 = arith.constant 0 : i32
          scf.yield %while3A_415 : i32
        }
        %while3A_303 = arith.constant 1 : i32
        %while3A_304 = scf.for %while3A_361 = %while3A_300 to %while3A_296 step %while3A_303 iter_args(%while3A_362 = %while3A_302) -> (i32)  : i32 {
          %sub3A_363 = arith.constant 1 : i32
          %sub3A_364 = arith.subi %while3A_361, %sub3A_363 : i32
          %and3A_365 = arith.constant 1 : i32
          %and3A_366 = arith.andi %sub3A_364, %and3A_365 : i32
          %dma_wait3A_367 = arith.constant 0 : i32
          %dma_wait3A_368 = arith.constant 0 : i32
          %dma_wait3A_369 = tpu.memref_slice %arg9[%and3A_366, %dma_wait3A_367, %dma_wait3A_368] : memref<2x128x128xf32, #tpu.memory_space<vmem>> -> memref<1x128x128xf32, #tpu.memory_space<vmem>>
          %dma_wait3A_370 = tpu.memref_squeeze %dma_wait3A_369 : memref<1x128x128xf32, #tpu.memory_space<vmem>> -> memref<128x128xf32, #tpu.memory_space<vmem>>
          %dma_wait3A_371 = arith.constant 0 : i32
          %dma_wait3A_372 = tpu.memref_slice %arg8[%sub3A_364, %dma_wait3A_371] : memref<40x128xi32, #tpu.memory_space<vmem>> -> memref<1x128xi32, #tpu.memory_space<vmem>>
          %dma_wait3A_373 = tpu.memref_squeeze %dma_wait3A_372 : memref<1x128xi32, #tpu.memory_space<vmem>> -> memref<128xi32, #tpu.memory_space<vmem>>
          %dma_wait3A_374 = arith.constant 0 : i32
          %dma_wait3A_375 = arith.constant 0 : i32
          %dma_wait3A_376 = tpu.memref_slice %arg10[%dma_wait3A_374, %dma_wait3A_375] : memref<10240x128xf32, #tpu.memory_space<vmem_shared>> -> memref<10240x128xf32, #tpu.memory_space<vmem_shared>>
          tpu.wait_indirect_dma semaphore(%arg12 : memref<!tpu.dma_semaphore, #tpu.memory_space<semaphore_mem>>) src(%dma_wait3A_370 : memref<128x128xf32, #tpu.memory_space<vmem>>) dst(%dma_wait3A_376 : memref<10240x128xf32, #tpu.memory_space<vmem_shared>>)
          %add3A_377 = arith.constant 1 : i32
          %add3A_378 = arith.addi %while3A_361, %add3A_377 : i32
          %mul3A_379 = arith.constant 128 : i32
          %mul3A_380 = arith.muli %add3A_378, %mul3A_379 : i32
          %and3A_381 = arith.constant 1 : i32
          %and3A_382 = arith.andi %add3A_378, %and3A_381 : i32
          %dma_start3A_383 = arith.constant 0 : i32
          %dma_start3A_384 = arith.constant 0 : i32
          %dma_start3A_385 = tpu.memref_slice %arg9[%and3A_382, %dma_start3A_383, %dma_start3A_384] : memref<2x128x128xf32, #tpu.memory_space<vmem>> -> memref<1x128x128xf32, #tpu.memory_space<vmem>>
          %dma_start3A_386 = tpu.memref_squeeze %dma_start3A_385 : memref<1x128x128xf32, #tpu.memory_space<vmem>> -> memref<128x128xf32, #tpu.memory_space<vmem>>
          %dma_start3A_387 = tpu.memref_slice %arg7[%mul3A_380] : memref<5120xi32, #tpu.memory_space<vmem>> -> memref<128xi32, #tpu.memory_space<vmem>>
          %dma_start3A_388 = arith.constant 0 : i32
          %dma_start3A_389 = arith.constant 0 : i32
          %dma_start3A_390 = tpu.memref_slice %arg4[%dma_start3A_388, %dma_start3A_389] : memref<10000x128xf32, #tpu.memory_space<hbm>> -> memref<10000x128xf32, #tpu.memory_space<hbm>>
          tpu.enqueue_indirect_dma source(%dma_start3A_390 : memref<10000x128xf32, #tpu.memory_space<hbm>>) target(%dma_start3A_386 : memref<128x128xf32, #tpu.memory_space<vmem>>) offsets(%dma_start3A_387 : memref<128xi32, #tpu.memory_space<vmem>>) semaphore(%arg11 : memref<!tpu.dma_semaphore, #tpu.memory_space<semaphore_mem>>)
          %mul3A_391 = arith.constant 128 : i32
          %mul3A_392 = arith.muli %while3A_361, %mul3A_391 : i32
          %and3A_393 = arith.constant 1 : i32
          %and3A_394 = arith.andi %while3A_361, %and3A_393 : i32
          %dma_wait3A_395 = arith.constant 0 : i32
          %dma_wait3A_396 = arith.constant 0 : i32
          %dma_wait3A_397 = tpu.memref_slice %arg9[%and3A_394, %dma_wait3A_395, %dma_wait3A_396] : memref<2x128x128xf32, #tpu.memory_space<vmem>> -> memref<1x128x128xf32, #tpu.memory_space<vmem>>
          %dma_wait3A_398 = tpu.memref_squeeze %dma_wait3A_397 : memref<1x128x128xf32, #tpu.memory_space<vmem>> -> memref<128x128xf32, #tpu.memory_space<vmem>>
          %dma_wait3A_399 = tpu.memref_slice %arg7[%mul3A_392] : memref<5120xi32, #tpu.memory_space<vmem>> -> memref<128xi32, #tpu.memory_space<vmem>>
          %dma_wait3A_400 = arith.constant 0 : i32
          %dma_wait3A_401 = arith.constant 0 : i32
          %dma_wait3A_402 = tpu.memref_slice %arg4[%dma_wait3A_400, %dma_wait3A_401] : memref<10000x128xf32, #tpu.memory_space<hbm>> -> memref<10000x128xf32, #tpu.memory_space<hbm>>
          tpu.wait_indirect_dma semaphore(%arg11 : memref<!tpu.dma_semaphore, #tpu.memory_space<semaphore_mem>>) src(%dma_wait3A_402 : memref<10000x128xf32, #tpu.memory_space<hbm>>) dst(%dma_wait3A_398 : memref<128x128xf32, #tpu.memory_space<vmem>>)
          %and3A_403 = arith.constant 1 : i32
          %and3A_404 = arith.andi %while3A_361, %and3A_403 : i32
          %dma_start3A_405 = arith.constant 0 : i32
          %dma_start3A_406 = arith.constant 0 : i32
          %dma_start3A_407 = tpu.memref_slice %arg9[%and3A_404, %dma_start3A_405, %dma_start3A_406] : memref<2x128x128xf32, #tpu.memory_space<vmem>> -> memref<1x128x128xf32, #tpu.memory_space<vmem>>
          %dma_start3A_408 = tpu.memref_squeeze %dma_start3A_407 : memref<1x128x128xf32, #tpu.memory_space<vmem>> -> memref<128x128xf32, #tpu.memory_space<vmem>>
          %dma_start3A_409 = arith.constant 0 : i32
          %dma_start3A_410 = tpu.memref_slice %arg8[%while3A_361, %dma_start3A_409] : memref<40x128xi32, #tpu.memory_space<vmem>> -> memref<1x128xi32, #tpu.memory_space<vmem>>
          %dma_start3A_411 = tpu.memref_squeeze %dma_start3A_410 : memref<1x128xi32, #tpu.memory_space<vmem>> -> memref<128xi32, #tpu.memory_space<vmem>>
          %dma_start3A_412 = arith.constant 0 : i32
          %dma_start3A_413 = arith.constant 0 : i32
          %dma_start3A_414 = tpu.memref_slice %arg10[%dma_start3A_412, %dma_start3A_413] : memref<10240x128xf32, #tpu.memory_space<vmem_shared>> -> memref<10240x128xf32, #tpu.memory_space<vmem_shared>>
          tpu.enqueue_indirect_dma source(%dma_start3A_408 : memref<128x128xf32, #tpu.memory_space<vmem>>) target(%dma_start3A_414 : memref<10240x128xf32, #tpu.memory_space<vmem_shared>>) offsets(%dma_start3A_411 : memref<128xi32, #tpu.memory_space<vmem>>) semaphore(%arg12 : memref<!tpu.dma_semaphore, #tpu.memory_space<semaphore_mem>>) {add = true}
          %while3A_415 = arith.constant 0 : i32
          scf.yield %while3A_415 : i32
        }
        %sub3A_305 = arith.constant 2 : i32
        %sub3A_306 = arith.subi %min3A_215, %sub3A_305 : i32
        %and3A_307 = arith.constant 1 : i32
        %and3A_308 = arith.andi %sub3A_306, %and3A_307 : i32
        %dma_wait3A_309 = arith.constant 0 : i32
        %dma_wait3A_310 = arith.constant 0 : i32
        %dma_wait3A_311 = tpu.memref_slice %arg9[%and3A_308, %dma_wait3A_309, %dma_wait3A_310] : memref<2x128x128xf32, #tpu.memory_space<vmem>> -> memref<1x128x128xf32, #tpu.memory_space<vmem>>
        %dma_wait3A_312 = tpu.memref_squeeze %dma_wait3A_311 : memref<1x128x128xf32, #tpu.memory_space<vmem>> -> memref<128x128xf32, #tpu.memory_space<vmem>>
        %dma_wait3A_313 = arith.constant 0 : i32
        %dma_wait3A_314 = tpu.memref_slice %arg8[%sub3A_306, %dma_wait3A_313] : memref<40x128xi32, #tpu.memory_space<vmem>> -> memref<1x128xi32, #tpu.memory_space<vmem>>
        %dma_wait3A_315 = tpu.memref_squeeze %dma_wait3A_314 : memref<1x128xi32, #tpu.memory_space<vmem>> -> memref<128xi32, #tpu.memory_space<vmem>>
        %dma_wait3A_316 = arith.constant 0 : i32
        %dma_wait3A_317 = arith.constant 0 : i32
        %dma_wait3A_318 = tpu.memref_slice %arg10[%dma_wait3A_316, %dma_wait3A_317] : memref<10240x128xf32, #tpu.memory_space<vmem_shared>> -> memref<10240x128xf32, #tpu.memory_space<vmem_shared>>
        tpu.wait_indirect_dma semaphore(%arg12 : memref<!tpu.dma_semaphore, #tpu.memory_space<semaphore_mem>>) src(%dma_wait3A_312 : memref<128x128xf32, #tpu.memory_space<vmem>>) dst(%dma_wait3A_318 : memref<10240x128xf32, #tpu.memory_space<vmem_shared>>)
        %sub3A_319 = arith.constant 1 : i32
        %sub3A_320 = arith.subi %min3A_215, %sub3A_319 : i32
        %mul3A_321 = arith.constant 128 : i32
        %mul3A_322 = arith.muli %sub3A_320, %mul3A_321 : i32
        %and3A_323 = arith.constant 1 : i32
        %and3A_324 = arith.andi %sub3A_320, %and3A_323 : i32
        %dma_wait3A_325 = arith.constant 0 : i32
        %dma_wait3A_326 = arith.constant 0 : i32
        %dma_wait3A_327 = tpu.memref_slice %arg9[%and3A_324, %dma_wait3A_325, %dma_wait3A_326] : memref<2x128x128xf32, #tpu.memory_space<vmem>> -> memref<1x128x128xf32, #tpu.memory_space<vmem>>
        %dma_wait3A_328 = tpu.memref_squeeze %dma_wait3A_327 : memref<1x128x128xf32, #tpu.memory_space<vmem>> -> memref<128x128xf32, #tpu.memory_space<vmem>>
        %dma_wait3A_329 = tpu.memref_slice %arg7[%mul3A_322] : memref<5120xi32, #tpu.memory_space<vmem>> -> memref<128xi32, #tpu.memory_space<vmem>>
        %dma_wait3A_330 = arith.constant 0 : i32
        %dma_wait3A_331 = arith.constant 0 : i32
        %dma_wait3A_332 = tpu.memref_slice %arg4[%dma_wait3A_330, %dma_wait3A_331] : memref<10000x128xf32, #tpu.memory_space<hbm>> -> memref<10000x128xf32, #tpu.memory_space<hbm>>
        tpu.wait_indirect_dma semaphore(%arg11 : memref<!tpu.dma_semaphore, #tpu.memory_space<semaphore_mem>>) src(%dma_wait3A_332 : memref<10000x128xf32, #tpu.memory_space<hbm>>) dst(%dma_wait3A_328 : memref<128x128xf32, #tpu.memory_space<vmem>>)
        %sub3A_333 = arith.constant 1 : i32
        %sub3A_334 = arith.subi %min3A_215, %sub3A_333 : i32
        %and3A_335 = arith.constant 1 : i32
        %and3A_336 = arith.andi %sub3A_334, %and3A_335 : i32
        %dma_start3A_337 = arith.constant 0 : i32
        %dma_start3A_338 = arith.constant 0 : i32
        %dma_start3A_339 = tpu.memref_slice %arg9[%and3A_336, %dma_start3A_337, %dma_start3A_338] : memref<2x128x128xf32, #tpu.memory_space<vmem>> -> memref<1x128x128xf32, #tpu.memory_space<vmem>>
        %dma_start3A_340 = tpu.memref_squeeze %dma_start3A_339 : memref<1x128x128xf32, #tpu.memory_space<vmem>> -> memref<128x128xf32, #tpu.memory_space<vmem>>
        %dma_start3A_341 = arith.constant 0 : i32
        %dma_start3A_342 = tpu.memref_slice %arg8[%sub3A_334, %dma_start3A_341] : memref<40x128xi32, #tpu.memory_space<vmem>> -> memref<1x128xi32, #tpu.memory_space<vmem>>
        %dma_start3A_343 = tpu.memref_squeeze %dma_start3A_342 : memref<1x128xi32, #tpu.memory_space<vmem>> -> memref<128xi32, #tpu.memory_space<vmem>>
        %dma_start3A_344 = arith.constant 0 : i32
        %dma_start3A_345 = arith.constant 0 : i32
        %dma_start3A_346 = tpu.memref_slice %arg10[%dma_start3A_344, %dma_start3A_345] : memref<10240x128xf32, #tpu.memory_space<vmem_shared>> -> memref<10240x128xf32, #tpu.memory_space<vmem_shared>>
        tpu.enqueue_indirect_dma source(%dma_start3A_340 : memref<128x128xf32, #tpu.memory_space<vmem>>) target(%dma_start3A_346 : memref<10240x128xf32, #tpu.memory_space<vmem_shared>>) offsets(%dma_start3A_343 : memref<128xi32, #tpu.memory_space<vmem>>) semaphore(%arg12 : memref<!tpu.dma_semaphore, #tpu.memory_space<semaphore_mem>>) {add = true}
        %sub3A_347 = arith.constant 1 : i32
        %sub3A_348 = arith.subi %min3A_215, %sub3A_347 : i32
        %and3A_349 = arith.constant 1 : i32
        %and3A_350 = arith.andi %sub3A_348, %and3A_349 : i32
        %dma_wait3A_351 = arith.constant 0 : i32
        %dma_wait3A_352 = arith.constant 0 : i32
        %dma_wait3A_353 = tpu.memref_slice %arg9[%and3A_350, %dma_wait3A_351, %dma_wait3A_352] : memref<2x128x128xf32, #tpu.memory_space<vmem>> -> memref<1x128x128xf32, #tpu.memory_space<vmem>>
        %dma_wait3A_354 = tpu.memref_squeeze %dma_wait3A_353 : memref<1x128x128xf32, #tpu.memory_space<vmem>> -> memref<128x128xf32, #tpu.memory_space<vmem>>
        %dma_wait3A_355 = arith.constant 0 : i32
        %dma_wait3A_356 = tpu.memref_slice %arg8[%sub3A_348, %dma_wait3A_355] : memref<40x128xi32, #tpu.memory_space<vmem>> -> memref<1x128xi32, #tpu.memory_space<vmem>>
        %dma_wait3A_357 = tpu.memref_squeeze %dma_wait3A_356 : memref<1x128xi32, #tpu.memory_space<vmem>> -> memref<128xi32, #tpu.memory_space<vmem>>
        %dma_wait3A_358 = arith.constant 0 : i32
        %dma_wait3A_359 = arith.constant 0 : i32
        %dma_wait3A_360 = tpu.memref_slice %arg10[%dma_wait3A_358, %dma_wait3A_359] : memref<10240x128xf32, #tpu.memory_space<vmem_shared>> -> memref<10240x128xf32, #tpu.memory_space<vmem_shared>>
        tpu.wait_indirect_dma semaphore(%arg12 : memref<!tpu.dma_semaphore, #tpu.memory_space<semaphore_mem>>) src(%dma_wait3A_354 : memref<128x128xf32, #tpu.memory_space<vmem>>) dst(%dma_wait3A_360 : memref<10240x128xf32, #tpu.memory_space<vmem_shared>>)
      } else {
      }
      %eq3A = arith.constant 1 : i32
      %eq3A_288 = arith.cmpi eq, %min3A_215, %eq3A : i32
      %convert_element_type3A_289 = arith.extui %eq3A_288 : i1 to i32
      %cond3A_290 = arith.constant 0 : i32
      %cond3A_291 = arith.cmpi ne, %convert_element_type3A_289, %cond3A_290 : i32
      scf.if %cond3A_291 {
        %dma_wait3A_292 = arith.constant 0 : i32
        %dma_wait3A_293 = arith.constant 0 : i32
        %dma_wait3A_294 = arith.constant 0 : i32
        %dma_wait3A_295 = arith.constant 0 : i32
        %dma_wait3A_296 = tpu.memref_slice %arg9[%dma_wait3A_292, %dma_wait3A_294, %dma_wait3A_295] : memref<2x128x128xf32, #tpu.memory_space<vmem>> -> memref<1x128x128xf32, #tpu.memory_space<vmem>>
        %dma_wait3A_297 = tpu.memref_squeeze %dma_wait3A_296 : memref<1x128x128xf32, #tpu.memory_space<vmem>> -> memref<128x128xf32, #tpu.memory_space<vmem>>
        %dma_wait3A_298 = arith.constant 0 : i32
        %dma_wait3A_299 = tpu.memref_slice %arg8[%dma_wait3A_293, %dma_wait3A_298] : memref<40x128xi32, #tpu.memory_space<vmem>> -> memref<1x128xi32, #tpu.memory_space<vmem>>
        %dma_wait3A_300 = tpu.memref_squeeze %dma_wait3A_299 : memref<1x128xi32, #tpu.memory_space<vmem>> -> memref<128xi32, #tpu.memory_space<vmem>>
        %dma_wait3A_301 = arith.constant 0 : i32
        %dma_wait3A_302 = arith.constant 0 : i32
        %dma_wait3A_303 = tpu.memref_slice %arg10[%dma_wait3A_301, %dma_wait3A_302] : memref<10240x128xf32, #tpu.memory_space<vmem_shared>> -> memref<10240x128xf32, #tpu.memory_space<vmem_shared>>
        tpu.wait_indirect_dma semaphore(%arg12 : memref<!tpu.dma_semaphore, #tpu.memory_space<semaphore_mem>>) src(%dma_wait3A_297 : memref<128x128xf32, #tpu.memory_space<vmem>>) dst(%dma_wait3A_303 : memref<10240x128xf32, #tpu.memory_space<vmem_shared>>)
      } else {
      }
    } else {
    }
    %barrier3A_245 = arith.constant 0 : index
    tpu.barrier barrier_id(%barrier3A_245)
    "tpu.region"() ({
      %run_scoped3A_246 = tpu.sem_alloc : memref<!tpu.dma_semaphore, #tpu.memory_space<semaphore_mem>>
      %dma_start3A_247 = arith.constant 0 : i32
      %dma_start3A_248 = tpu.memref_slice %arg6[%arg0, %mul3A_2, %dma_start3A_247] : memref<2x10240x128xf32, #tpu.memory_space<hbm>> -> memref<1x640x128xf32, #tpu.memory_space<hbm>>
      %dma_start3A_249 = tpu.memref_squeeze %dma_start3A_248 : memref<1x640x128xf32, #tpu.memory_space<hbm>> -> memref<640x128xf32, #tpu.memory_space<hbm>>
      %dma_start3A_250 = arith.constant 0 : i32
      %dma_start3A_251 = tpu.memref_slice %arg10[%mul3A_2, %dma_start3A_250] : memref<10240x128xf32, #tpu.memory_space<vmem_shared>> -> memref<640x128xf32, #tpu.memory_space<vmem_shared>>
      tpu.enqueue_dma source(%dma_start3A_251 : memref<640x128xf32, #tpu.memory_space<vmem_shared>>) target(%dma_start3A_249 : memref<640x128xf32, #tpu.memory_space<hbm>>) target_semaphore(%run_scoped3A_246 : memref<!tpu.dma_semaphore, #tpu.memory_space<semaphore_mem>>)
      %dma_wait3A_252 = arith.constant 0 : i32
      %dma_wait3A_253 = tpu.memref_slice %arg6[%arg0, %mul3A_2, %dma_wait3A_252] : memref<2x10240x128xf32, #tpu.memory_space<hbm>> -> memref<1x640x128xf32, #tpu.memory_space<hbm>>
      %dma_wait3A_254 = tpu.memref_squeeze %dma_wait3A_253 : memref<1x640x128xf32, #tpu.memory_space<hbm>> -> memref<640x128xf32, #tpu.memory_space<hbm>>
      %dma_wait3A_255 = arith.constant 0 : i32
      %dma_wait3A_256 = tpu.memref_slice %arg10[%mul3A_2, %dma_wait3A_255] : memref<10240x128xf32, #tpu.memory_space<vmem_shared>> -> memref<640x128xf32, #tpu.memory_space<vmem_shared>>
      tpu.wait_dma2 semaphore(%run_scoped3A_246 : memref<!tpu.dma_semaphore, #tpu.memory_space<semaphore_mem>>) src(%dma_wait3A_256 : memref<640x128xf32, #tpu.memory_space<vmem_shared>>) dst(%dma_wait3A_254 : memref<640x128xf32, #tpu.memory_space<hbm>>)
      tpu.yield
    }) : () -> ()
    return
  }
}

module attributes {stable_mosaic.version = 14 : i64} {
  func.func @_tc2_body(%arg0: i32, %arg1: memref<2x2000x128xf32, #tpu.memory_space<vmem>>, %arg2: memref<2000x128xf32, #tpu.memory_space<vmem>>, %arg3: memref<2000x1xf32, #tpu.memory_space<vmem>>, %arg4: memref<1x128xf32, #tpu.memory_space<vmem>>, %arg5: memref<2000x128xf32, #tpu.memory_space<vmem>>) attributes {dimension_semantics = [#tpu.dimension_semantics<arbitrary>], iteration_bounds = array<i64: 5>, scalar_prefetch = 0 : i64, scratch_operands = 0 : i64, tpu.core_type = #tpu.core_type<tc>, window_params = [{transform_indices = @transform_0, window_bounds = array<i64: 2, 2000, 128>}, {transform_indices = @transform_1, window_bounds = array<i64: 2000, 128>}, {transform_indices = @transform_2, window_bounds = array<i64: 2000, 1>}, {pipeline_mode = #tpu.pipeline_mode<synchronous>, transform_indices = @transform_3, window_bounds = array<i64: 1, 128>}, {transform_indices = @transform_4, window_bounds = array<i64: 2000, 128>}]} {
    %get3A = arith.constant 0 : index
    %get3A_0 = arith.constant 0 : index
    %get3A_1 = arith.constant 0 : index
    %get3A_2 = vector.load %arg1[%get3A, %get3A_0, %get3A_1] : memref<2x2000x128xf32, #tpu.memory_space<vmem>>, vector<1x2000x128xf32>
    %get3A_3 = vector.shape_cast %get3A_2 : vector<1x2000x128xf32> to vector<2000x128xf32>
    %get3A_4 = arith.constant 1 : index
    %get3A_5 = arith.constant 0 : index
    %get3A_6 = arith.constant 0 : index
    %get3A_7 = vector.load %arg1[%get3A_4, %get3A_5, %get3A_6] : memref<2x2000x128xf32, #tpu.memory_space<vmem>>, vector<1x2000x128xf32>
    %get3A_8 = vector.shape_cast %get3A_7 : vector<1x2000x128xf32> to vector<2000x128xf32>
    %add3A = arith.addf %get3A_3, %get3A_8 : vector<2000x128xf32>
    %get3A_9 = arith.constant 0 : index
    %get3A_10 = arith.constant 0 : index
    %get3A_11 = vector.load %arg2[%get3A_9, %get3A_10] : memref<2000x128xf32, #tpu.memory_space<vmem>>, vector<2000x128xf32>
    %add3A_12 = arith.addf %add3A, %get3A_11 : vector<2000x128xf32>
    %get3A_13 = arith.constant 0 : index
    %get3A_14 = arith.constant 0 : index
    %get3A_15 = vector.load %arg3[%get3A_13, %get3A_14] : memref<2000x1xf32, #tpu.memory_space<vmem>>, vector<2000x1xf32>
    %mul3A = vector.broadcast %get3A_15 : vector<2000x1xf32> to vector<2000x128xf32>
    %mul3A_16 = arith.mulf %add3A_12, %mul3A : vector<2000x128xf32>
    %get3A_17 = arith.constant 0 : index
    %get3A_18 = arith.constant 0 : index
    %get3A_19 = vector.load %arg4[%get3A_17, %get3A_18] : memref<1x128xf32, #tpu.memory_space<vmem>>, vector<1x128xf32>
    %add3A_20 = vector.broadcast %get3A_19 : vector<1x128xf32> to vector<2000x128xf32>
    %add3A_21 = arith.addf %mul3A_16, %add3A_20 : vector<2000x128xf32>
    %swap3A = arith.constant 0 : index
    %swap3A_22 = arith.constant 0 : index
    %swap3A_23 = vector.load %arg5[%swap3A, %swap3A_22] : memref<2000x128xf32, #tpu.memory_space<vmem>>, vector<2000x128xf32>
    tpu.vector_store %arg5[%swap3A, %swap3A_22], %add3A_21 {strides = array<i32>} : memref<2000x128xf32, #tpu.memory_space<vmem>>, vector<2000x128xf32>,
    return
  }
  func.func @transform_0(%arg0: i32) -> (i32, i32, i32) {
    %c0_i32 = arith.constant 0 : i32
    %c0_i32_0 = arith.constant 0 : i32
    %c0_i32_1 = arith.constant 0 : i32
    return %c0_i32, %arg0, %c0_i32_0 : i32, i32, i32
  }
  func.func @transform_1(%arg0: i32) -> (i32, i32) {
    %c0_i32 = arith.constant 0 : i32
    %c0_i32_0 = arith.constant 0 : i32
    return %arg0, %c0_i32 : i32, i32
  }
  func.func @transform_2(%arg0: i32) -> (i32, i32) {
    %c0_i32 = arith.constant 0 : i32
    %c0_i32_0 = arith.constant 0 : i32
    return %arg0, %c0_i32 : i32, i32
  }
  func.func @transform_3(%arg0: i32) -> (i32, i32) {
    %c0_i32 = arith.constant 0 : i32
    %c0_i32_0 = arith.constant 0 : i32
    %c0_i32_1 = arith.constant 0 : i32
    return %c0_i32, %c0_i32_0 : i32, i32
  }
  func.func @transform_4(%arg0: i32) -> (i32, i32) {
    %c0_i32 = arith.constant 0 : i32
    %c0_i32_0 = arith.constant 0 : i32
    return %arg0, %c0_i32 : i32, i32
  }
}

module attributes {stable_mosaic.version = 14 : i64} {
  func.func @_scale_body(%arg0: memref<32x10240xf32, #tpu.memory_space<vmem>>, %arg1: memref<10000x128xf32, #tpu.memory_space<vmem>>, %arg2: memref<128x128xf32, #tpu.memory_space<vmem>>, %arg3: memref<10000x128xf32, #tpu.memory_space<vmem>>, %arg4: memref<10000x1xf32, #tpu.memory_space<vmem>>) attributes {dimension_semantics = [], scalar_prefetch = 0 : i64, scratch_operands = 0 : i64, tpu.core_type = #tpu.core_type<tc>} {
    %get3A = arith.constant 0 : index
    %get3A_0 = arith.constant 0 : index
    %get3A_1 = vector.load %arg0[%get3A, %get3A_0] : memref<32x10240xf32, #tpu.memory_space<vmem>>, vector<32x10240xf32>
    %reduce_sum3A = arith.constant dense<0.000000e+00> : vector<10240xf32>
    %reduce_sum3A_2 = vector.multi_reduction <add>, %get3A_1, %reduce_sum3A [0] : vector<32x10240xf32> to vector<10240xf32>
    %add3A = arith.constant 1.000000e+00 : f32
    %add3A_3 = vector.broadcast %add3A : f32 to vector<10240xf32>
    %add3A_4 = arith.addf %reduce_sum3A_2, %add3A_3 : vector<10240xf32>
    %rsqrt3A = math.rsqrt %add3A_4 : vector<10240xf32>
    %slice3A = vector.extract_strided_slice %rsqrt3A {offsets = [0], sizes = [10000], strides = [1]} : vector<10240xf32> to vector<10000xf32>
    %get3A_5 = arith.constant 0 : index
    %get3A_6 = arith.constant 0 : index
    %get3A_7 = vector.load %arg1[%get3A_5, %get3A_6] : memref<10000x128xf32, #tpu.memory_space<vmem>>, vector<10000x128xf32>
    %get3A_8 = arith.constant 0 : index
    %get3A_9 = arith.constant 0 : index
    %get3A_10 = vector.load %arg2[%get3A_8, %get3A_9] : memref<128x128xf32, #tpu.memory_space<vmem>>, vector<128x128xf32>
    %dot_general3A = arith.constant dense<0.000000e+00> : vector<10000x128xf32>
    %dot_general3A_11 = tpu.matmul %get3A_7, %get3A_10, %dot_general3A {dimension_numbers = #tpu.dot_dimension_numbers<[1], [0], [0], [1], [0, 0, 1, 1], [], []>, transpose_lhs_hint = false} : vector<10000x128xf32>, vector<128x128xf32>, vector<10000x128xf32> -> vector<10000x128xf32>
    %broadcast_in_dim3A = vector.shape_cast %slice3A : vector<10000xf32> to vector<10000x1xf32>
    %mul3A = vector.broadcast %broadcast_in_dim3A : vector<10000x1xf32> to vector<10000x128xf32>
    %mul3A_12 = arith.mulf %dot_general3A_11, %mul3A : vector<10000x128xf32>
    %swap3A = arith.constant 0 : index
    %swap3A_13 = arith.constant 0 : index
    %swap3A_14 = vector.load %arg3[%swap3A, %swap3A_13] : memref<10000x128xf32, #tpu.memory_space<vmem>>, vector<10000x128xf32>
    tpu.vector_store %arg3[%swap3A, %swap3A_13], %mul3A_12 {strides = array<i32>} : memref<10000x128xf32, #tpu.memory_space<vmem>>, vector<10000x128xf32>,
    %broadcast_in_dim3A_15 = vector.shape_cast %slice3A : vector<10000xf32> to vector<10000x1xf32>
    %swap3A_16 = arith.constant 0 : index
    %swap3A_17 = arith.constant 0 : index
    %swap3A_18 = vector.load %arg4[%swap3A_16, %swap3A_17] : memref<10000x1xf32, #tpu.memory_space<vmem>>, vector<10000x1xf32>
    tpu.vector_store %arg4[%swap3A_16, %swap3A_17], %broadcast_in_dim3A_15 {strides = array<i32>} : memref<10000x1xf32, #tpu.memory_space<vmem>>, vector<10000x1xf32>,
    return
  }
}

</mosaic_0001>

<sc_bundles>
// kernel: kernel.6.cloned.1.call-start
scs
__scs_entry_jumppad:
0x0: {  	(pc) =	sbr.rel $0x88, $3  }
0x1: {  	(tag) =	ssettag $0x0;
	lr =	simm.s32 $0x1  }
0x2: {  	[smem:$0x3F9D] =	sst lr;
	_ =	strace $0xD0000000  }
0x3: {  	_ = 	snop  }
0x4: {  	_ = 	snop  }
0x5: {  	_ = 	snop  }
0x6: {  	_ = 	snop  }
0x7: {  	_ = 	snop  }
__scs_overlays_trampoline_lowered:
0x8: {  	[smem:$0x3FAC] =	sst s0  }
0x9: {  	[smem:$0x3FAD] =	sst s1  }
0xa: {  	[smem:$0x3FAE] =	sst s2  }
0xb: {  	[smem:$0x3FAF] =	sst s3  }
0xc: {  	[smem:$0x3FB0] =	sst s4  }
0xd: {  	[smem:$0x3FB1] =	sst s5  }
0xe: {  	[smem:$0x3FB2] =	sst s6  }
0xf: {  	[smem:$0x3FB3] =	sst s7  }
0x10: {  	[smem:$0x3FB4] =	sst s8  }
0x11: {  	[smem:$0x3FB5] =	sst s9;
	s0 =	simm.s32 @!p0 $0x0  }
0x12: {  	s1 =	sld [smem:$0x3F9B];
	s0 =	simm.s32 @p0 $0x1  }
0x13: {  	[smem:$0x3FB6] =	sst s0;
	s0 =	simm.s32 @!p1 $0x0  }
0x14: {  	s2 =	sld [smem:$0x3F9A];
	s0 =	simm.s32 @p1 $0x1  }
0x15: {  	[smem:$0x3FB7] =	sst s0;
	s0 =	simm.s32 @!p2 $0x0  }
0x16: {  	s3 =	sld [smem:$0x3FDB];
	s0 =	simm.s32 @p2 $0x1  }
0x17: {  	s4 =	simm.s32 $0x1BF5;
	[smem:$0x3FB9] =	sst s0  }
0x18: {  	s0 =	sld [smem:$0x3F9C];
	_ =	swait.ge [sflag:s4], $0x0  }
0x19: {  	s7 =	sld [smem:$0x3F9D]  }
0x1a: {  	s8 =	sadd.s32 $0xFFFFE003, lr  }
0x1b: {  	s9 =	sadd.s32 $0xFFFFFEF7, lr;
	s5 =	simm.s32 $0xFFFFFFFF;
	p2 =	slt.u32 s8, $0xFFFFF086  }
0x1c: {  	p1 =	slt.u32 s9, $0xF7A;
	s5 =	simm.s32 @!p2 $0x0  }
0x1d: {  	s5 =	simm.s32 @p1 $0x1;
	p0 =	seq.s32 s7, s2  }
0x1e: {  	s7 =	smul.u32 @!p0 $0xF7A, s2;
	p2 =	seq.s32 @!p0 s5, $0x0  }
0x1f: {  	s9 =	smul.u32 $0xF7A, s1;
	s8 =	simm.s32 @!p0 $0x1BF5;
	p2 =	por !p2, p0  }
0x20: {  	[sflag:s8] =	ssyncset.s32 @!p0 $0xFFFFF086;
	s6 =	sadd.s32 @!p0 s3, s7;
	s7 =	simm.s32 @!p0 $0x108  }
0x21: {  	s3 =	sadd.s32 s3, s9;
	s6 =	sadd.s32 @!p0 $0x88, s6;
	s7 =	simm.s32 @p2 $0x1082  }
0x22: {  	[simem:s7], [sflag:s8] =	dma.local @!p0 [hbm:s6], $0xF7A  }
0x23: {  	s9 =	sor.u32 $0xD0000000, s2;
	s6 =	simm.s32 $0x108;
	_ =	swait.ge @!p0 [sflag:s8], $0x0  }
0x24: {  	s3 =	sadd.s32 $0x88, s3;
	s6 =	simm.s32 @!p1 $0x1082;
	[sflag:s4] =	ssyncset.s32 $0xFFFFF086  }
0x25: {  	[simem:s6], [sflag:s4] =	dma.local [hbm:s3], $0xF7A  }
0x26: {  	[smem:$0x3F9D] =	sst s1;
	(tag) =	ssettag s2;
	_ =	strace s9  }
0x27: {  	s1 =	sld [smem:$0x3FAD]  }
0x28: {  	s2 =	sld [smem:$0x3FAE]  }
0x29: {  	s4 =	sld [smem:$0x3FB0]  }
0x2a: {  	p0 =	seq.s32 s5, $0x0;
	s5 =	sld [smem:$0x3FB1]  }
0x2b: {  	s6 =	sld [smem:$0x3FB2]  }
0x2c: {  	s7 =	sld [smem:$0x3FB3]  }
0x2d: {  	s3 =	simm.s32 $0x108;
	s8 =	sld [smem:$0x3FB4]  }
0x2e: {  	s3 =	simm.s32 @!p0 $0x1082;
	s9 =	sld [smem:$0x3FB5]  }
0x2f: {  	lr =	sadd.s32 s0, s3;
	s0 =	sld [smem:$0x3FAC]  }
0x30: {  	s3 =	sld [smem:$0x3FAF]  }
0x31: {  	[smem:$0x3FB8] =	sst s10  }
0x32: {  	s10 =	sld [smem:$0x3FB6];
	_ =	sdelay $0x3  }
0x33: {  	p0 =	seq.s32 s10, $0x1;
	s10 =	sld [smem:$0x3FB8];
	_ =	sdelay $0x3  }
0x34: {  	[smem:$0x3FB8] =	sst s10  }
0x35: {  	s10 =	sld [smem:$0x3FB7];
	_ =	sdelay $0x3  }
0x36: {  	p1 =	seq.s32 s10, $0x1;
	s10 =	sld [smem:$0x3FB8];
	_ =	sdelay $0x3  }
0x37: {  	[smem:$0x3FB8] =	sst s10  }
0x38: {  	s10 =	sld [smem:$0x3FB9]  }
0x39: {  	_ = 	snop;
	(pc) =	sbr.ind lr, $3  }
0x3a: {  	_ = 	snop  }
0x3b: {  	_ = 	snop  }
0x3c: {  	p2 =	seq.s32 s10, $0x1;
	s10 =	sld [smem:$0x3FB8]  }
0x3d: {  	_ =	shalt  }
0x3e: {  	_ =	shalt  }
0x3f: {  	_ =	shalt  }
0x40: {  	_ =	shalt  }
0x41: {  	_ =	shalt  }
0x42: {  	_ =	shalt  }
0x43: {  	_ =	shalt  }
0x44: {  	_ =	shalt  }
0x45: {  	_ =	shalt  }
0x46: {  	_ =	shalt  }
0x47: {  	_ =	shalt  }
0x48: {  	_ =	shalt  }
0x49: {  	_ =	shalt  }
0x4a: {  	_ =	shalt  }
0x4b: {  	_ =	shalt  }
0x4c: {  	_ =	shalt  }
0x4d: {  	_ =	shalt  }
0x4e: {  	_ =	shalt  }
0x4f: {  	_ =	shalt  }
0x50: {  	_ =	shalt  }
0x51: {  	_ =	shalt  }
0x52: {  	_ =	shalt  }
0x53: {  	_ =	shalt  }
0x54: {  	_ =	shalt  }
0x55: {  	_ =	shalt  }
0x56: {  	_ =	shalt  }
0x57: {  	_ =	shalt  }
0x58: {  	_ =	shalt  }
0x59: {  	_ =	shalt  }
0x5a: {  	_ =	shalt  }
0x5b: {  	_ =	shalt  }
0x5c: {  	_ =	shalt  }
0x5d: {  	_ =	shalt  }
0x5e: {  	_ =	shalt  }
0x5f: {  	_ =	shalt  }
0x60: {  	_ =	shalt  }
0x61: {  	_ =	shalt  }
0x62: {  	_ =	shalt  }
0x63: {  	_ =	shalt  }
0x64: {  	_ =	shalt  }
0x65: {  	_ =	shalt  }
0x66: {  	_ =	shalt  }
0x67: {  	_ =	shalt  }
0x68: {  	_ =	shalt  }
0x69: {  	_ =	shalt  }
0x6a: {  	_ =	shalt  }
0x6b: {  	_ =	shalt  }
0x6c: {  	_ =	shalt  }
0x6d: {  	_ =	shalt  }
0x6e: {  	_ =	shalt  }
0x6f: {  	_ =	shalt  }
0x70: {  	_ =	shalt  }
0x71: {  	_ =	shalt  }
0x72: {  	_ =	shalt  }
0x73: {  	_ =	shalt  }
0x74: {  	_ =	shalt  }
0x75: {  	_ =	shalt  }
0x76: {  	_ =	shalt  }
0x77: {  	_ =	shalt  }
0x78: {  	_ =	shalt  }
0x79: {  	_ =	shalt  }
0x7a: {  	_ =	shalt  }
0x7b: {  	_ =	shalt  }
0x7c: {  	_ =	shalt  }
0x7d: {  	_ =	shalt  }
0x7e: {  	_ =	shalt  }
0x7f: {  	_ =	shalt  }
0x80: {  	_ =	shalt  }
0x81: {  	_ =	shalt  }
0x82: {  	_ =	shalt  }
0x83: {  	_ =	shalt  }
0x84: {  	_ =	shalt  }
0x85: {  	_ =	shalt  }
0x86: {  	_ =	shalt  }
0x87: {  	_ =	shalt  }
.Lfunc_end0:
.L_simem_size_0:
called_computation_lowered:
.L_overlay_start_0:
0x88: {  	s2 =	sld [smem:$0x3FD9]  }
0x89: {  	s3 =	sld [smem:$0x3FFE];
	_ =	sdelay $0x1  }
0x8a: {  	s1 =	srdreg.scid  }
0x8b: {  	s0 =	sand.u32 $0x1, s1  }
0x8c: {  	s17 =	sshll.u32 s0, $0xA;
	s2 =	sadd.s32 s3, s2  }
0x8d: {  	s2 =	sadd.s32 s2, s17  }
0x8e: {  	[smem:$0x3FC4] =	sst s2  }
0x8f: {  	_ = 	snop  }
0x90: {  	s2 =	sld [smem:$0x3FC8]  }
0x91: {  	s18 =	sld [smem:$0x3FD0];
	(tm) =	ssettm $0x1  }
0x92: {  	s4 =	sld [smem:$0x3FFB];
	_ =	sdelay $0x3  }
0x93: {  	_ =	strace s4  }
0x94: {  	s4 =	sld [smem:$0x3FFC];
	_ =	sdelay $0x3  }
0x95: {  	_ =	strace s4  }
0x96: {  	s4 =	sld [smem:$0x3FFD];
	_ =	sdelay $0x3  }
0x97: {  	_ =	strace s4  }
0x98: {  	_ =	strace $0x8FFFFFFF  }
0x99: {  	s19 =	sld [smem:$0x3FDB];
	_ =	sdelay $0x1  }
0x9a: {  	s5 =	simm.s32 $_scs_section_size  }
0x9b: {  	s6 =	simm.s32 $_size__tile_overlayer_lowered;
	s7 =	simm.s32 $_tile_overlayer_lowered  }
0x9c: {  	s22 =	simm.s32 $0x1BFF;
	s21 =	sshll.u32 s7, $0x1;
	s4 =	sadd.s32 s5, s19  }
0x9d: {  	s8 =	simm.s32 $0x0;
	s20 =	sshll.u32 s6, $0x1;
	s6 =	sadd.s32 s21, s4  }
0x9e: {  	[timem:s8], [sflag:s22] =	dma.local [hbm:s6], s20  }
0x9f: {  	_ =	swait.ge [sflag:s22], s20  }
0xa0: {  	s5 =	ssub.s32 $0x0, s20;
	[sflag:s22] =	ssyncset.done $0x0  }
0xa1: {  	[sflag:s22] =	ssyncadd.s32 s5;
	_ =	sdelay $0x1  }
0xa2: {  	s23 =	simm.s32 $0x1B8B  }
0xa3: {  	_ =	swait.ge [sflag:s23], $0x1  }
0xa4: {  	[sflag:s23] =	ssyncset.done $0x0  }
0xa5: {  	s25 =	simm.s32 $0x1B8E;
	s24 =	sld [smem:$0x3FFE];
	[sflag:s23] =	ssyncadd.s32 $0xFFFFFFFF  }
0xa6: {  	s26 =	simm.s32 $execute0_lowered;
	[smem:$0x3FD2] =	sst s25  }
0xa7: {  	s6 =	sshll.u32 s26, $0x1;
	_ =	strace $0x80000046;
	[dreg:$0x1] =	wrdreg $0xFFFFFFFF  }
0xa8: {  	s28 =	simm.s32 $_size_execute0_lowered;
	s4 =	sadd.s32 s4, s6;
	[dreg:$0x0] =	wrdreg $0x0  }
0xa9: {  	s6 =	sshll.u32 s28, $0x1;
	[dreg:$0x2] =	wrdreg s4  }
0xaa: {  	[dreg:$0x3] =	wrdreg s6  }
0xab: {  	[dreg:$0x4] =	wrdreg $0xC0  }
0xac: {  	_ =	task [dreg:s8], $0x5FFFF  }
0xad: {  	[dreg:$0x1] =	wrdreg $0xFFFFFFFF  }
0xae: {  	[dreg:$0x0] =	wrdreg $0x60  }
0xaf: {  	[dreg:$0x2] =	wrdreg s2  }
0xb0: {  	[dreg:$0x3] =	wrdreg s18  }
0xb1: {  	[dreg:$0x4] =	wrdreg s24  }
0xb2: {  	[dreg:$0x5] =	wrdreg $0x9  }
0xb3: {  	_ =	task.clear_ibuf [dreg:s8], $0x6FFFF;
	_ =	strace $0x90000046  }
0xb4: {  	s29 =	simm.s32 $0x9;
	_ =	strace $0x80000048  }
0xb5: {  	_ =	swait.ge [sflag:s29], $0x1  }
0xb6: {  	[sflag:s29] =	ssyncadd.s32 $0xFFFFFFFF  }
0xb7: {  	_ =	strace $0x90000048  }
0xb8: {  	_ =	sfence  }
0xb9: {  	s30 =	sld [smem:$0x0];
	_ =	sdelay $0x2  }
0xba: {  	s31 =	sshll.u32 s1, $0xD;
	s1 =	sshrl.u32 s1, $0x2  }
0xbb: {  	s3 =	sand.u32 $0x4000, s31;
	s1 =	sadd.s32 s1, s30  }
0xbc: {  	s0 =	sor.u32 s3, s0;
	s1 =	sshll.u32 s1, $0x11  }
0xbd: {  	s0 =	sor.u32 s1, s0  }
0xbe: {  	s0 =	sadd.s32 $0x8F2B, s0  }
0xbf: {  	[sflag:s0] =	ssyncadd.remote.s32 $0x1  }
0xc0: {  	_ =	sfence.sel $0xFFFF  }
0xc1: {  	[dreg:$0x0] =	wrdreg $0xFFFFFFFF;
	(pc) =	sbr.abs _section_cstart, $3  }
0xc2: {  	[dreg:$0x1] =	wrdreg $0xFFFFFFFF  }
0xc3: {  	_ =	task.clear_ibuf [dreg:s8], $0x2FFFF;
	_ =	strace $0x9FFFFFFF  }
0xc4: {  	(tm) =	ssettm $0x7FFFFFFF  }
0xc5: {  	_ =	shalt  }
tec
execute0_lowered:
.L_overlay_start_1:
0x0: {  	(tag) =	ssettag $0x1  }
0x1: {  	s4 =	rddreg [dreg:$0x0]  }
0x2: {  	s0 =	srdreg.scid;
	s8 =	rddreg [dreg:$0x1]  }
0x3: {  	s5 =	rddreg [dreg:$0x2];
	s2 =	simm.s32 $0x0;
	s3 =	sand.u32 $0x1, s0  }
0x4: {  	s0 =	stileid.u32;
	[smem:$0x7FF] =	sst s2;
	s13 =	sadd.s32 $0x1C00, s5  }
0x5: {  	s15 =	sadd.s32 $0x10, s4;
	s1 =	sshll.u32 s3, $0x4;
	s14 =	smul.u32 $0xFFFFFFB0, s0  }
0x6: {  	s4 =	sadd.s32 $0x13610, s4;
	s16 =	smul.u32 $0xFFFFFB00, s3;
	s12 =	sor.u32 s0, s1  }
0x7: {  	s10 =	ssub.s32 $0x2, s3;
	s26 =	sshll.u32 s0, $0x7;
	s7 =	smul.u32 $0x50, s12  }
0x8: {  	s1 =	rddreg [dreg:$0x3];
	_ =	strace $0x80000047;
	s6 =	smul.u32 $0x2800, s12  }
0x9: {  	s20 =	sshrl.u32 s10, $0x1;
	s28 =	sand.u32 $0x380, s26;
	s9 =	smul.u32 $0xA00, s12  }
0xa: {  	s11 =	smul.u32 $0x500, s12;
	s10 =	ssub.s32 s10, s20;
	s22 =	sadd.s32 s16, s14  }
0xb: {  	s24 =	sshrl.u32 s12, $0x3;
	p0 =	seq.s32 s12, $0x1F;
	s12 =	simm.s32 $0x2800  }
0xc: {  	s16 =	simm.s32 $0x400;
	s14 =	sadd.s32 $0x9C4, s22;
	s17 =	ssub.s32 $0x9C4, s7  }
0xd: {  	s3 =	sadd.s32 s9, s15;
	s5 =	sadd.s32 s13, s11;
	s21 =	sadd.s32 $0x1400, s6  }
0xe: {  	s25 =	smax.u32 s14, $0x28;
	s11 =	smul.u32 $0x14000, s24;
	s18 =	sadd.s32 $0xFFFFF68B, s7  }
0xf: {  	s31 =	smin.u32 s14, $0x28;
	s14 =	simm.s32 $0x1;
	s17 =	smax.u32 s17, $0x28  }
0x10: {  	s23 =	sshrl.u32 s21, $0x2;
	s9 =	sshrl.u32 s21, $0x3;
	p1 =	sgt.u32 s18, $0x26  }
0x11: {  	s6 =	sadd.s32 s23, s15;
	s15 =	smin.u32 s25, $0x50;
	s11 =	sor.u32 s28, s11  }
.Ltmp0:
0x12: {  	s7 =	sadd.s32 s13, s9;
	s15 =	sshll.u32 s15, $0x3;
	(pc) =	sbr.rel .LBB2_1-.Ltmp0, $4  }
0x13: {  	s9 =	smax.u32 s10, $0x1;
	s10 =	sshll.u32 s31, $0x7;
	s15 =	sadd.s32 $0xFFFFFEC0, s15  }
0x14: {  	s13 =	simm.s32 $0x1400;
	p2 =	seq.s32 s17, $0x28;
	s30 =	sshrl.u32 s15, $0x2  }
0x15: {  	s17 =	simm.s32 $0x0;
	s29 =	sshrl.u32 s11, $0x3;
	s11 =	smax.u32 s30, $0x1  }
0x16: {  	v0 =	vimm.f32 $0.0e+00;
	v1 =	vimm.f32 $1.000000000e+00;
	s8 =	sadd.s32 s8, s29;
	s15 =	simm.s32 $0x80;
	s11 =	sshll.u32 s11, $0x6  }
.LBB2_9:
0x17: {  	[hbm4b:s7+s2] =	stream.linear.scatter [tilespmem:s13], [sflag:$0x1], $0x1400, $0x38;
	[tilespmem:$0x5000] =	vst v63  }
0x18: {  	_ =	swait.ge [sflag:s14], $0x1400  }
0x19: {  	[sflag:s14] =	ssyncset.done $0x0  }
0x1a: {  	[sflag:s14] =	ssyncadd.s32 $0xFFFFEC00  }
.LBB2_10:
0x1b: {  	s17 =	sadd.s32 $0x1, s17  }
0x1c: {  	p3 =	sne.s32 s17, s9  }
.Ltmp1:
0x1d: {  	_ = 	snop;
	(pc) =	sbr.rel @!p3 .LBB2_11-.Ltmp1, $4  }
0x1e: {  	[hbm4b:s8+s15] =	stream.strided.scatter [tilespmem:s12], [sflag:$0x1], $0x2800, s16, s15, $0x38;
	[tilespmem:$0x5000] =	vst v63  }
0x1f: {  	_ =	swait.ge [sflag:s14], $0x2800  }
0x20: {  	[sflag:s14] =	ssyncset.done $0x0  }
0x21: {  	[sflag:s14] =	ssyncadd.s32 $0xFFFFD800  }
.LBB2_1:
0x22: {  	s19 =	simm.s32 $0x100;
	s18 =	simm.s32 $0x0  }
.LBB2_2:
0x23: {  	p3 =	sne.s32 s19, $0x9F00;
	[tilespmem:s18+$0x2830] =	vst v0;
	s20 =	smov.u32 s19;
	s19 =	sadd.s32 $0x100, s19  }
.Ltmp2:
0x24: {  	[tilespmem:s18+$0x2820] =	vst v0;
	(pc) =	sbr.rel @p3 .LBB2_2-.Ltmp2, $3  }
0x25: {  	[tilespmem:s18+$0x2800] =	vst v0  }
0x26: {  	[tilespmem:s18+$0x2810] =	vst v0;
	_ =	sdelay $0x1  }
0x27: {  	s18 =	sshra.s32 s20, $0x2  }
0x28: {  	[tilespmem:s18+$0x2830] =	vst v0  }
0x29: {  	[tilespmem:s18+$0x2820] =	vst v0  }
0x2a: {  	[tilespmem:s18+$0x2800] =	vst v0  }
0x2b: {  	[tilespmem:s18+$0x2810] =	vst v0;
	s18 =	simm.s32 @p0 $0x80;
	s19 =	simm.s32 @p0 $0x100;
	s20 =	simm.s32 @p0 $0x0  }
0x2c: {  	[tilespmem:s20], [sflag:$0x1] =	stream.strided.gather @p0 [hbm4b:s4+s18], $0xA00, s19, s18, $0x38;
	[tilespmem:$0x5000] =	vst v63  }
0x2d: {  	s18 =	simm.s32 @p0 $0x1  }
0x2e: {  	_ =	swait.ge @p0 [sflag:s18], $0xA00  }
0x2f: {  	s19 =	simm.s32 @!p0 $0x100;
	[sflag:s18] =	ssyncset.done @p0 $0x0  }
0x30: {  	s20 =	simm.s32 @!p0 $0x0;
	[sflag:s18] =	ssyncadd.s32 @p0 $0xFFFFF600;
	s18 =	simm.s32 @!p0 $0x80  }
0x31: {  	[tilespmem:s20], [sflag:$0x1] =	stream.strided.gather @!p0 [hbm4b:s3+s18], $0x1400, s19, s18, $0x38;
	[tilespmem:$0x5000] =	vst v63  }
0x32: {  	s18 =	simm.s32 @!p0 $0x1  }
0x33: {  	_ =	swait.ge @!p0 [sflag:s18], $0x1400  }
0x34: {  	s19 =	simm.s32 $0x20;
	[sflag:s18] =	ssyncset.done @!p0 $0x0  }
0x35: {  	s20 =	simm.s32 $0x0;
	[sflag:s18] =	ssyncadd.s32 @!p0 $0xFFFFEC00;
	s18 =	simm.s32 $0x0  }
.LBB2_4:
0x36: {  	v2 =	vld [tilespmem:s19+$0xFFFFFFE0];
	_ =	sdelay $0x4  }
0x37: {  	s21 =	sshrl.u32 s18, $0x3  }
0x38: {  	s22 =	sshll.u32 s21, $0x9  }
0x39: {  	s23 =	sand.u32 $0x40, s20;
	s22 =	sshra.s32 s22, $0x2  }
0x3a: {  	s22 =	sor.u32 s23, s22;
	[tilespmem:v2+s12+$0x0] =	vst.idx.add.f32.msk $0xffff, v1  }
0x3b: {  	[tilespmem:s22+$0x1400] =	vst v2  }
0x3c: {  	v2 =	vld [tilespmem:s19+$0xFFFFFFF0];
	_ =	sdelay $0x2  }
0x3d: {  	s28 =	sshra.s32 s18, $0x1F  }
0x3e: {  	s21 =	sadd.s32 s28, s21  }
0x3f: {  	s21 =	sshll.u32 s21, $0x9  }
0x40: {  	s29 =	sadd.s32 $0x10, s20;
	s21 =	sshra.s32 s21, $0x2  }
0x41: {  	s21 =	sadd.s32 $0x1400, s21;
	s22 =	sand.u32 $0x50, s29  }
0x42: {  	s22 =	sor.u32 s22, s21;
	[tilespmem:v2+s12+$0x0] =	vst.idx.add.f32.msk $0xffff, v1  }
0x43: {  	[tilespmem:s22+$0x0] =	vst v2  }
0x44: {  	v2 =	vld [tilespmem:s19+$0x0];
	_ =	sdelay $0x5  }
0x45: {  	s30 =	sadd.s32 $0x20, s20  }
0x46: {  	s22 =	sand.u32 $0x60, s30  }
0x47: {  	s22 =	sor.u32 s22, s21;
	[tilespmem:v2+s12+$0x0] =	vst.idx.add.f32.msk $0xffff, v1  }
0x48: {  	[tilespmem:s22+$0x0] =	vst v2  }
0x49: {  	v2 =	vld [tilespmem:s19+$0x10];
	_ =	sdelay $0x2  }
0x4a: {  	s31 =	sadd.s32 $0x30, s20;
	s20 =	sadd.s32 $0x40, s20  }
0x4b: {  	p3 =	sne.s32 s10, s20  }
.Ltmp3:
0x4c: {  	_ = 	snop;
	(pc) =	sbr.rel @p3 .LBB2_4-.Ltmp3, $4  }
0x4d: {  	_ = 	snop  }
0x4e: {  	s22 =	sand.u32 $0x70, s31  }
0x4f: {  	s21 =	sor.u32 s22, s21;
	[tilespmem:v2+s12+$0x0] =	vst.idx.add.f32.msk $0xffff, v1  }
0x50: {  	s18 =	sadd.s32 $0x4, s18;
	s19 =	sadd.s32 $0x40, s19;
	[tilespmem:s21+$0x0] =	vst v2  }
0x51: {  	[hbm4b:s5+s2] =	stream.linear.scatter [tilespmem:s13], [sflag:$0x1], $0x1400, $0x38;
	[tilespmem:$0x5000] =	vst v63  }
0x52: {  	_ =	swait.ge [sflag:s14], $0x1400  }
0x53: {  	s18 =	simm.s32 @!p0 $0x80;
	[sflag:s14] =	ssyncset.done $0x0  }
0x54: {  	s19 =	simm.s32 @!p0 $0x100;
	s20 =	simm.s32 @!p0 $0x0;
	[sflag:s14] =	ssyncadd.s32 $0xFFFFEC00  }
0x55: {  	[tilespmem:s20], [sflag:$0x1] =	stream.strided.gather @!p0 [hbm4b:s6+s18], $0x1400, s19, s18, $0x38;
	[tilespmem:$0x5000] =	vst v63  }
0x56: {  	s18 =	simm.s32 @!p0 $0x1  }
0x57: {  	_ =	swait.ge @!p0 [sflag:s18], $0x1400  }
0x58: {  	s19 =	simm.s32 @!p1 $0x100;
	[sflag:s18] =	ssyncset.done @!p0 $0x0  }
0x59: {  	s20 =	simm.s32 @!p1 $0x0;
	[sflag:s18] =	ssyncadd.s32 @!p0 $0xFFFFEC00;
	s18 =	simm.s32 @!p1 $0x80  }
0x5a: {  	[tilespmem:s20], [sflag:$0x1] =	stream.strided.gather @!p1 [hbm4b:s6+s18], $0xA00, s19, s18, $0x38;
	[tilespmem:$0x5000] =	vst v63  }
.Ltmp4:
0x5b: {  	_ = 	snop;
	(pc) =	sbr.rel @p0 .LBB2_10-.Ltmp4, $4  }
0x5c: {  	s18 =	simm.s32 @!p1 $0x1  }
0x5d: {  	_ =	swait.ge @!p1 [sflag:s18], $0xA00  }
0x5e: {  	[sflag:s18] =	ssyncset.done @!p1 $0x0  }
0x5f: {  	[sflag:s18] =	ssyncadd.s32 @!p1 $0xFFFFF600  }
.Ltmp5:
0x60: {  	(pc) =	sbr.rel @p2 .LBB2_9-.Ltmp5, $1  }
0x61: {  	_ =	sdelay $0x3  }
0x62: {  	s18 =	simm.s32 $0x0;
	s19 =	simm.s32 $0x20;
	s20 =	simm.s32 $0x0  }
.LBB2_8:
0x63: {  	v2 =	vld [tilespmem:s19+$0xFFFFFFE0];
	_ =	sdelay $0x4  }
0x64: {  	s21 =	sshrl.u32 s18, $0x3  }
0x65: {  	s22 =	sshll.u32 s21, $0x9  }
0x66: {  	s23 =	sand.u32 $0x40, s20;
	s22 =	sshra.s32 s22, $0x2  }
0x67: {  	s22 =	sor.u32 s23, s22;
	[tilespmem:v2+s12+$0x0] =	vst.idx.add.f32.msk $0xffff, v1  }
0x68: {  	[tilespmem:s22+$0x1400] =	vst v2  }
0x69: {  	v2 =	vld [tilespmem:s19+$0xFFFFFFF0];
	_ =	sdelay $0x2  }
0x6a: {  	s28 =	sshra.s32 s18, $0x1F  }
0x6b: {  	s21 =	sadd.s32 s28, s21  }
0x6c: {  	s21 =	sshll.u32 s21, $0x9  }
0x6d: {  	s29 =	sadd.s32 $0x10, s20;
	s21 =	sshra.s32 s21, $0x2  }
0x6e: {  	s21 =	sadd.s32 $0x1400, s21;
	s22 =	sand.u32 $0x50, s29  }
0x6f: {  	s22 =	sor.u32 s22, s21;
	[tilespmem:v2+s12+$0x0] =	vst.idx.add.f32.msk $0xffff, v1  }
0x70: {  	[tilespmem:s22+$0x0] =	vst v2  }
0x71: {  	v2 =	vld [tilespmem:s19+$0x0];
	_ =	sdelay $0x5  }
0x72: {  	s30 =	sadd.s32 $0x20, s20  }
0x73: {  	s22 =	sand.u32 $0x60, s30  }
0x74: {  	s22 =	sor.u32 s22, s21;
	[tilespmem:v2+s12+$0x0] =	vst.idx.add.f32.msk $0xffff, v1  }
0x75: {  	[tilespmem:s22+$0x0] =	vst v2  }
0x76: {  	v2 =	vld [tilespmem:s19+$0x10];
	_ =	sdelay $0x2  }
0x77: {  	s31 =	sadd.s32 $0x30, s20;
	s20 =	sadd.s32 $0x40, s20  }
0x78: {  	p3 =	sne.s32 s11, s20  }
.Ltmp6:
0x79: {  	_ = 	snop;
	(pc) =	sbr.rel @p3 .LBB2_8-.Ltmp6, $4  }
0x7a: {  	_ = 	snop  }
0x7b: {  	s22 =	sand.u32 $0x70, s31  }
0x7c: {  	s21 =	sor.u32 s22, s21;
	[tilespmem:v2+s12+$0x0] =	vst.idx.add.f32.msk $0xffff, v1  }
0x7d: {  	s18 =	sadd.s32 $0x4, s18;
	s19 =	sadd.s32 $0x40, s19;
	[tilespmem:s21+$0x0] =	vst v2  }
.Ltmp7:
0x7e: {  	_ = 	snop;
	(pc) =	sbr.rel .LBB2_9-.Ltmp7, $1  }
0x7f: {  	_ =	sdelay $0x3  }
.LBB2_11:
0x80: {  	_ =	sfence.sel $0x180000  }
0x81: {  	[bflag:$0x0] =	sbarrier.arrive $0xFFFF  }
0x82: {  	p0 =	sne.s32 s0, $0x0;
	_ =	strace $0x90000047  }
0x83: {  	s0 =	sadd.s32 @!p0 $0x100000, s1;
	[bflag:$0x2] =	sbarrier.arrive $0xFFFF  }
0x84: {  	[sflag:s0] =	ssyncadd.tile.s32 @!p0 $0x1;
	_ =	shalt  }
.Lfunc_end2:
_tile_overlayer_lowered:
.L_overlay_start_2:
0x85: {  	(tag) =	ssettag $0x2  }
0x86: {  	s0 =	rddreg [dreg:$0x0];
	s2 =	stileid.u32  }
0x87: {  	s1 =	rddreg [dreg:$0x1];
	p0 =	sne.s32 s2, $0x0  }
0x88: {  	s3 =	rddreg [dreg:$0x2];
	[bflag:$0x3] =	sbarrier.arrive $0xFFFF;
	s2 =	simm.s32 @!p0 $0x1C01  }
0x89: {  	[timem:s3], [sflag:s2] =	dma.local @!p0 [hbm:s0], s1  }
0x8a: {  	s0 =	simm.s32 @!p0 $0x1  }
0x8b: {  	_ =	swait.ge @!p0 [sflag:s0], s1  }
0x8c: {  	s1 =	ssub.s32 @!p0 $0x0, s1;
	[sflag:s0] =	ssyncset.done @!p0 $0x0  }
0x8d: {  	[sflag:s0] =	ssyncadd.s32 @!p0 s1  }
0x8e: {  	[bflag:$0x3] =	sbarrier.arrive $0xFFFF  }
0x8f: {  	_ =	shalt  }

// kernel: kernel.9.cloned.1.call-start
scs
__scs_entry_jumppad:
0x0: {  	(pc) =	sbr.rel $0x88, $3  }
0x1: {  	(tag) =	ssettag $0x0;
	lr =	simm.s32 $0x1  }
0x2: {  	[smem:$0x3F9D] =	sst lr;
	_ =	strace $0xD0000000  }
0x3: {  	_ = 	snop  }
0x4: {  	_ = 	snop  }
0x5: {  	_ = 	snop  }
0x6: {  	_ = 	snop  }
0x7: {  	_ = 	snop  }
__scs_overlays_trampoline_lowered:
0x8: {  	[smem:$0x3FAC] =	sst s0  }
0x9: {  	[smem:$0x3FAD] =	sst s1  }
0xa: {  	[smem:$0x3FAE] =	sst s2  }
0xb: {  	[smem:$0x3FAF] =	sst s3  }
0xc: {  	[smem:$0x3FB0] =	sst s4  }
0xd: {  	[smem:$0x3FB1] =	sst s5  }
0xe: {  	[smem:$0x3FB2] =	sst s6  }
0xf: {  	[smem:$0x3FB3] =	sst s7  }
0x10: {  	[smem:$0x3FB4] =	sst s8  }
0x11: {  	[smem:$0x3FB5] =	sst s9;
	s0 =	simm.s32 @!p0 $0x0  }
0x12: {  	s1 =	sld [smem:$0x3F9B];
	s0 =	simm.s32 @p0 $0x1  }
0x13: {  	[smem:$0x3FB6] =	sst s0;
	s0 =	simm.s32 @!p1 $0x0  }
0x14: {  	s2 =	sld [smem:$0x3F9A];
	s0 =	simm.s32 @p1 $0x1  }
0x15: {  	[smem:$0x3FB7] =	sst s0;
	s0 =	simm.s32 @!p2 $0x0  }
0x16: {  	s3 =	sld [smem:$0x3FDB];
	s0 =	simm.s32 @p2 $0x1  }
0x17: {  	s4 =	simm.s32 $0x1BF5;
	[smem:$0x3FB9] =	sst s0  }
0x18: {  	s0 =	sld [smem:$0x3F9C];
	_ =	swait.ge [sflag:s4], $0x0  }
0x19: {  	s7 =	sld [smem:$0x3F9D]  }
0x1a: {  	s8 =	sadd.s32 $0xFFFFE003, lr  }
0x1b: {  	s9 =	sadd.s32 $0xFFFFFEF7, lr;
	s5 =	simm.s32 $0xFFFFFFFF;
	p2 =	slt.u32 s8, $0xFFFFF086  }
0x1c: {  	p1 =	slt.u32 s9, $0xF7A;
	s5 =	simm.s32 @!p2 $0x0  }
0x1d: {  	s5 =	simm.s32 @p1 $0x1;
	p0 =	seq.s32 s7, s2  }
0x1e: {  	s7 =	smul.u32 @!p0 $0xF7A, s2;
	p2 =	seq.s32 @!p0 s5, $0x0  }
0x1f: {  	s9 =	smul.u32 $0xF7A, s1;
	s8 =	simm.s32 @!p0 $0x1BF5;
	p2 =	por !p2, p0  }
0x20: {  	[sflag:s8] =	ssyncset.s32 @!p0 $0xFFFFF086;
	s6 =	sadd.s32 @!p0 s3, s7;
	s7 =	simm.s32 @!p0 $0x108  }
0x21: {  	s3 =	sadd.s32 s3, s9;
	s6 =	sadd.s32 @!p0 $0x88, s6;
	s7 =	simm.s32 @p2 $0x1082  }
0x22: {  	[simem:s7], [sflag:s8] =	dma.local @!p0 [hbm:s6], $0xF7A  }
0x23: {  	s9 =	sor.u32 $0xD0000000, s2;
	s6 =	simm.s32 $0x108;
	_ =	swait.ge @!p0 [sflag:s8], $0x0  }
0x24: {  	s3 =	sadd.s32 $0x88, s3;
	s6 =	simm.s32 @!p1 $0x1082;
	[sflag:s4] =	ssyncset.s32 $0xFFFFF086  }
0x25: {  	[simem:s6], [sflag:s4] =	dma.local [hbm:s3], $0xF7A  }
0x26: {  	[smem:$0x3F9D] =	sst s1;
	(tag) =	ssettag s2;
	_ =	strace s9  }
0x27: {  	s1 =	sld [smem:$0x3FAD]  }
0x28: {  	s2 =	sld [smem:$0x3FAE]  }
0x29: {  	s4 =	sld [smem:$0x3FB0]  }
0x2a: {  	p0 =	seq.s32 s5, $0x0;
	s5 =	sld [smem:$0x3FB1]  }
0x2b: {  	s6 =	sld [smem:$0x3FB2]  }
0x2c: {  	s7 =	sld [smem:$0x3FB3]  }
0x2d: {  	s3 =	simm.s32 $0x108;
	s8 =	sld [smem:$0x3FB4]  }
0x2e: {  	s3 =	simm.s32 @!p0 $0x1082;
	s9 =	sld [smem:$0x3FB5]  }
0x2f: {  	lr =	sadd.s32 s0, s3;
	s0 =	sld [smem:$0x3FAC]  }
0x30: {  	s3 =	sld [smem:$0x3FAF]  }
0x31: {  	[smem:$0x3FB8] =	sst s10  }
0x32: {  	s10 =	sld [smem:$0x3FB6];
	_ =	sdelay $0x3  }
0x33: {  	p0 =	seq.s32 s10, $0x1;
	s10 =	sld [smem:$0x3FB8];
	_ =	sdelay $0x3  }
0x34: {  	[smem:$0x3FB8] =	sst s10  }
0x35: {  	s10 =	sld [smem:$0x3FB7];
	_ =	sdelay $0x3  }
0x36: {  	p1 =	seq.s32 s10, $0x1;
	s10 =	sld [smem:$0x3FB8];
	_ =	sdelay $0x3  }
0x37: {  	[smem:$0x3FB8] =	sst s10  }
0x38: {  	s10 =	sld [smem:$0x3FB9]  }
0x39: {  	_ = 	snop;
	(pc) =	sbr.ind lr, $3  }
0x3a: {  	_ = 	snop  }
0x3b: {  	_ = 	snop  }
0x3c: {  	p2 =	seq.s32 s10, $0x1;
	s10 =	sld [smem:$0x3FB8]  }
0x3d: {  	_ =	shalt  }
0x3e: {  	_ =	shalt  }
0x3f: {  	_ =	shalt  }
0x40: {  	_ =	shalt  }
0x41: {  	_ =	shalt  }
0x42: {  	_ =	shalt  }
0x43: {  	_ =	shalt  }
0x44: {  	_ =	shalt  }
0x45: {  	_ =	shalt  }
0x46: {  	_ =	shalt  }
0x47: {  	_ =	shalt  }
0x48: {  	_ =	shalt  }
0x49: {  	_ =	shalt  }
0x4a: {  	_ =	shalt  }
0x4b: {  	_ =	shalt  }
0x4c: {  	_ =	shalt  }
0x4d: {  	_ =	shalt  }
0x4e: {  	_ =	shalt  }
0x4f: {  	_ =	shalt  }
0x50: {  	_ =	shalt  }
0x51: {  	_ =	shalt  }
0x52: {  	_ =	shalt  }
0x53: {  	_ =	shalt  }
0x54: {  	_ =	shalt  }
0x55: {  	_ =	shalt  }
0x56: {  	_ =	shalt  }
0x57: {  	_ =	shalt  }
0x58: {  	_ =	shalt  }
0x59: {  	_ =	shalt  }
0x5a: {  	_ =	shalt  }
0x5b: {  	_ =	shalt  }
0x5c: {  	_ =	shalt  }
0x5d: {  	_ =	shalt  }
0x5e: {  	_ =	shalt  }
0x5f: {  	_ =	shalt  }
0x60: {  	_ =	shalt  }
0x61: {  	_ =	shalt  }
0x62: {  	_ =	shalt  }
0x63: {  	_ =	shalt  }
0x64: {  	_ =	shalt  }
0x65: {  	_ =	shalt  }
0x66: {  	_ =	shalt  }
0x67: {  	_ =	shalt  }
0x68: {  	_ =	shalt  }
0x69: {  	_ =	shalt  }
0x6a: {  	_ =	shalt  }
0x6b: {  	_ =	shalt  }
0x6c: {  	_ =	shalt  }
0x6d: {  	_ =	shalt  }
0x6e: {  	_ =	shalt  }
0x6f: {  	_ =	shalt  }
0x70: {  	_ =	shalt  }
0x71: {  	_ =	shalt  }
0x72: {  	_ =	shalt  }
0x73: {  	_ =	shalt  }
0x74: {  	_ =	shalt  }
0x75: {  	_ =	shalt  }
0x76: {  	_ =	shalt  }
0x77: {  	_ =	shalt  }
0x78: {  	_ =	shalt  }
0x79: {  	_ =	shalt  }
0x7a: {  	_ =	shalt  }
0x7b: {  	_ =	shalt  }
0x7c: {  	_ =	shalt  }
0x7d: {  	_ =	shalt  }
0x7e: {  	_ =	shalt  }
0x7f: {  	_ =	shalt  }
0x80: {  	_ =	shalt  }
0x81: {  	_ =	shalt  }
0x82: {  	_ =	shalt  }
0x83: {  	_ =	shalt  }
0x84: {  	_ =	shalt  }
0x85: {  	_ =	shalt  }
0x86: {  	_ =	shalt  }
0x87: {  	_ =	shalt  }
.Lfunc_end0:
.L_simem_size_0:
called_computation.1_lowered:
.L_overlay_start_0:
0x88: {  	s2 =	sld [smem:$0x3FD9]  }
0x89: {  	s3 =	sld [smem:$0x3FFE];
	_ =	sdelay $0x1  }
0x8a: {  	s1 =	srdreg.scid  }
0x8b: {  	s0 =	sand.u32 $0x1, s1  }
0x8c: {  	s17 =	sshll.u32 s0, $0xA;
	s2 =	sadd.s32 s3, s2  }
0x8d: {  	s2 =	sadd.s32 s2, s17  }
0x8e: {  	[smem:$0x3FC4] =	sst s2  }
0x8f: {  	_ = 	snop  }
0x90: {  	s2 =	sld [smem:$0x3FC8]  }
0x91: {  	s18 =	sld [smem:$0x3FD0];
	(tm) =	ssettm $0x1  }
0x92: {  	s4 =	sld [smem:$0x3FFB];
	_ =	sdelay $0x3  }
0x93: {  	_ =	strace s4  }
0x94: {  	s4 =	sld [smem:$0x3FFC];
	_ =	sdelay $0x3  }
0x95: {  	_ =	strace s4  }
0x96: {  	s4 =	sld [smem:$0x3FFD];
	_ =	sdelay $0x3  }
0x97: {  	_ =	strace s4  }
0x98: {  	_ =	strace $0x8FFFFFFF  }
0x99: {  	s19 =	sld [smem:$0x3FDB];
	_ =	sdelay $0x1  }
0x9a: {  	s5 =	simm.s32 $_scs_section_size  }
0x9b: {  	s6 =	simm.s32 $_size__tile_overlayer_lowered;
	s7 =	simm.s32 $_tile_overlayer_lowered  }
0x9c: {  	s22 =	simm.s32 $0x1BFF;
	s21 =	sshll.u32 s7, $0x1;
	s4 =	sadd.s32 s5, s19  }
0x9d: {  	s8 =	simm.s32 $0x0;
	s20 =	sshll.u32 s6, $0x1;
	s6 =	sadd.s32 s21, s4  }
0x9e: {  	[timem:s8], [sflag:s22] =	dma.local [hbm:s6], s20  }
0x9f: {  	_ =	swait.ge [sflag:s22], s20  }
0xa0: {  	s5 =	ssub.s32 $0x0, s20;
	[sflag:s22] =	ssyncset.done $0x0  }
0xa1: {  	[sflag:s22] =	ssyncadd.s32 s5;
	_ =	sdelay $0x1  }
0xa2: {  	s23 =	simm.s32 $0x1B8B  }
0xa3: {  	_ =	swait.ge [sflag:s23], $0x1  }
0xa4: {  	[sflag:s23] =	ssyncset.done $0x0  }
0xa5: {  	s25 =	simm.s32 $0x1B8E;
	s24 =	sld [smem:$0x3FFE];
	[sflag:s23] =	ssyncadd.s32 $0xFFFFFFFF  }
0xa6: {  	s26 =	simm.s32 $execute0_lowered;
	[smem:$0x3FD2] =	sst s25  }
0xa7: {  	s6 =	sshll.u32 s26, $0x1;
	_ =	strace $0x80000049;
	[dreg:$0x1] =	wrdreg $0xFFFFFFFF  }
0xa8: {  	s28 =	simm.s32 $_size_execute0_lowered;
	s4 =	sadd.s32 s4, s6;
	[dreg:$0x0] =	wrdreg $0x0  }
0xa9: {  	s6 =	sshll.u32 s28, $0x1;
	[dreg:$0x2] =	wrdreg s4  }
0xaa: {  	[dreg:$0x3] =	wrdreg s6  }
0xab: {  	[dreg:$0x4] =	wrdreg $0xC0  }
0xac: {  	_ =	task [dreg:s8], $0x5FFFF  }
0xad: {  	[dreg:$0x1] =	wrdreg $0xFFFFFFFF  }
0xae: {  	[dreg:$0x0] =	wrdreg $0x60  }
0xaf: {  	[dreg:$0x2] =	wrdreg s2  }
0xb0: {  	[dreg:$0x3] =	wrdreg s24  }
0xb1: {  	[dreg:$0x4] =	wrdreg s18  }
0xb2: {  	[dreg:$0x5] =	wrdreg $0xA8000  }
0xb3: {  	[dreg:$0x6] =	wrdreg $0x9  }
0xb4: {  	_ =	task.clear_ibuf [dreg:s8], $0x7FFFF;
	_ =	strace $0x90000049  }
0xb5: {  	s29 =	simm.s32 $0x9;
	_ =	strace $0x8000004B  }
0xb6: {  	_ =	swait.ge [sflag:s29], $0x1  }
0xb7: {  	[sflag:s29] =	ssyncadd.s32 $0xFFFFFFFF  }
0xb8: {  	_ =	strace $0x9000004B  }
0xb9: {  	_ =	sfence  }
0xba: {  	s30 =	sld [smem:$0x0];
	_ =	sdelay $0x2  }
0xbb: {  	s31 =	sshll.u32 s1, $0xD;
	s1 =	sshrl.u32 s1, $0x2  }
0xbc: {  	s3 =	sand.u32 $0x4000, s31;
	s1 =	sadd.s32 s1, s30  }
0xbd: {  	s0 =	sor.u32 s3, s0;
	s1 =	sshll.u32 s1, $0x11  }
0xbe: {  	s0 =	sor.u32 s1, s0  }
0xbf: {  	s0 =	sadd.s32 $0x8F2B, s0  }
0xc0: {  	[sflag:s0] =	ssyncadd.remote.s32 $0x1  }
0xc1: {  	_ =	sfence.sel $0xFFFF  }
0xc2: {  	[dreg:$0x0] =	wrdreg $0xFFFFFFFF;
	(pc) =	sbr.abs _section_cstart, $3  }
0xc3: {  	[dreg:$0x1] =	wrdreg $0xFFFFFFFF  }
0xc4: {  	_ =	task.clear_ibuf [dreg:s8], $0x2FFFF;
	_ =	strace $0x9FFFFFFF  }
0xc5: {  	(tm) =	ssettm $0x7FFFFFFF  }
tec
execute0_lowered:
.L_overlay_start_1:
0x0: {  	(tag) =	ssettag $0x1  }
0x1: {  	s0 =	rddreg [dreg:$0x0]  }
0x2: {  	s1 =	rddreg [dreg:$0x1]  }
0x3: {  	s2 =	rddreg [dreg:$0x2];
	s4 =	srdreg.scid  }
0x4: {  	s3 =	rddreg [dreg:$0x3];
	s10 =	stileid.u32  }
0x5: {  	s28 =	simm.s32 $0x1;
	s29 =	simm.s32 $0x0;
	s7 =	smul.u32 $0x14000, s10  }
0x6: {  	s5 =	sand.u32 $0x1, s4;
	s4 =	simm.s32 $0x0;
	s8 =	smul.u32 $0x50000, s10  }
0x7: {  	s31 =	sadd.s32 $0x1C00, s1;
	s9 =	sadd.s32 $0xBC00, s1;
	s6 =	smul.u32 $0x140000, s5  }
0x8: {  	[smem:$0x7FF] =	sst s4;
	s14 =	sshll.u32 s5, $0x4;
	s15 =	ssub.s32 $0x2, s5  }
0x9: {  	s5 =	smul.u32 $0xFFFFFB00, s5;
	_ =	strace $0x8000004A;
	s16 =	sor.u32 s10, s14  }
0xa: {  	[dreg:$0x5] =	wrdreg s9;
	s18 =	sshrl.u32 s8, $0x2;
	s17 =	smul.u32 $0x50, s16  }
0xb: {  	s19 =	sshrl.u32 s15, $0x1;
	s6 =	sadd.s32 s7, s6;
	s21 =	smul.u32 $0x2800, s16  }
0xc: {  	s8 =	ssub.s32 s15, s19;
	s23 =	smul.u32 $0xA00, s16;
	s6 =	sshrl.u32 s6, $0x3  }
0xd: {  	s24 =	smul.u32 $0x500, s16;
	p0 =	seq.s32 s16, $0x1F;
	s1 =	sadd.s32 s6, s1  }
0xe: {  	s6 =	sadd.s32 s18, s3;
	s15 =	ssub.s32 $0x9C4, s17;
	s18 =	smul.u32 $0xFFFFFFB0, s10  }
0xf: {  	s9 =	sadd.s32 $0x1400, s21;
	s30 =	sadd.s32 $0xFFFFF68B, s17;
	s21 =	simm.s32 $0x2800  }
0x10: {  	s20 =	sadd.s32 $0x4000, s6;
	s11 =	sadd.s32 $0x8000, s6;
	s22 =	sadd.s32 $0xC000, s6  }
0x11: {  	s12 =	sadd.s32 $0x10000, s6;
	s13 =	smin.u32 s15, $0x28;
	[dreg:$0x6] =	wrdreg s20  }
0x12: {  	s15 =	smax.u32 s15, $0x28;
	s19 =	sshrl.u32 s9, $0x2;
	[dreg:$0x7] =	wrdreg s11  }
0x13: {  	s9 =	sshrl.u32 s9, $0x3;
	p1 =	sgt.u32 s30, $0x26;
	[dreg:$0x8] =	wrdreg s22  }
0x14: {  	[dreg:$0x9] =	wrdreg s12;
	s11 =	sadd.s32 s0, s23;
	s12 =	sadd.s32 s31, s24  }
0x15: {  	s14 =	sshll.u32 s13, $0x7;
	s13 =	sadd.s32 $0xFFFFFFFF, s13;
	s5 =	sadd.s32 s5, s18  }
0x16: {  	s25 =	smin.u32 s15, $0x50;
	s15 =	sadd.s32 s0, s19;
	s7 =	sadd.s32 s31, s9  }
0x17: {  	s18 =	sadd.s32 $0xC400, s1;
	s19 =	smax.u32 s8, $0x1;
	s22 =	simm.s32 $0x3  }
.Ltmp0:
0x18: {  	s23 =	simm.s32 $0x1400;
	s26 =	sadd.s32 $0x9C4, s5;
	(pc) =	sbr.rel .LBB2_1-.Ltmp0, $4  }
0x19: {  	s24 =	simm.s32 $0x2;
	s14 =	sadd.s32 $0x1380, s14;
	s0 =	smax.u32 s26, $0x2B  }
0x1a: {  	[dreg:$0xa] =	wrdreg s7;
	s31 =	sshll.u32 s25, $0x7;
	s0 =	smin.u32 s0, $0x50  }
0x1b: {  	s25 =	simm.s32 $0x80;
	s7 =	sadd.s32 $0xFFFFFF80, s31;
	s0 =	sshll.u32 s0, $0xE  }
0x1c: {  	s26 =	simm.s32 $0x6800;
	[dreg:$0xb] =	wrdreg s7;
	s20 =	sadd.s32 $0xFFF58000, s0  }
.LBB2_6:
0x1d: {  	[spmem:s3] =	stream.indirect.scatter.add.f32 [tilespmem:s8], [sflag:$0x2], $0x80, s7, s25, $0xb8;
	[tilespmem:$0x1E800] =	vst v63  }
0x1e: {  	_ =	swait.ge [sflag:s24], $0x4000  }
0x1f: {  	[sflag:s24] =	ssyncset.done $0x0  }
0x20: {  	[sflag:s24] =	ssyncadd.s32 $0xFFFFC000  }
0x21: {  	_ =	swait.ge [sflag:s28], $0x4000  }
0x22: {  	[sflag:s28] =	ssyncset.done $0x0  }
0x23: {  	s0 =	rddreg [dreg:$0xb];
	[sflag:s28] =	ssyncadd.s32 $0xFFFFC000  }
0x24: {  	[spmem:s3] =	stream.indirect.scatter.add.f32 [tilespmem:s26], [sflag:$0x2], $0x80, s0, s25, $0xb8;
	[tilespmem:$0x1E800] =	vst v63  }
0x25: {  	_ =	swait.ge [sflag:s24], $0x4000  }
0x26: {  	[sflag:s24] =	ssyncset.done $0x0  }
0x27: {  	[sflag:s24] =	ssyncadd.s32 $0xFFFFC000  }
.LBB2_7:
0x28: {  	s0 =	stileid.u32;
	s29 =	sadd.s32 $0x1, s29  }
0x29: {  	[bflag:$0x0] =	sbarrier.arrive $0xFFFF;
	s0 =	sshll.u32 s0, $0x6;
	p2 =	sne.s32 s29, s19  }
.Ltmp1:
0x2a: {  	s1 =	sshrl.u32 s6, $0x3;
	s0 =	sor.u32 $0x1C03, s0;
	(pc) =	sbr.rel @!p2 .LBB2_8-.Ltmp1, $4  }
0x2b: {  	[hbm:s18], [sflag:s0] =	dma.local [spmem:s1], $0x2800  }
0x2c: {  	_ =	swait.ge [sflag:s22], $0x2800  }
0x2d: {  	[sflag:s22] =	ssyncset.done $0x0  }
0x2e: {  	[sflag:s22] =	ssyncadd.s32 $0xFFFFD800  }
.LBB2_1:
0x2f: {  	s0 =	rddreg [dreg:$0x5]  }
0x30: {  	[tilespmem:s21], [sflag:$0x3] =	stream.linear.gather [hbm4b:s0+s4], $0x4000, $0x38;
	[tilespmem:$0x1E800] =	vst v63  }
0x31: {  	_ =	swait.ge [sflag:s22], $0x4000  }
0x32: {  	[sflag:s22] =	ssyncset.done $0x0  }
0x33: {  	[sflag:s22] =	ssyncadd.s32 $0xFFFFC000  }
0x34: {  	[spmem:s6] =	stream.linear.scatter [tilespmem:s21], [sflag:$0x2], $0x4000, $0x38;
	[tilespmem:$0x1E800] =	vst v63  }
0x35: {  	s1 =	rddreg [dreg:$0x6]  }
0x36: {  	[spmem:s1] =	stream.linear.scatter [tilespmem:s21], [sflag:$0x2], $0x4000, $0x38;
	[tilespmem:$0x1E800] =	vst v63  }
0x37: {  	s5 =	rddreg [dreg:$0x7]  }
0x38: {  	[spmem:s5] =	stream.linear.scatter [tilespmem:s21], [sflag:$0x2], $0x4000, $0x38;
	[tilespmem:$0x1E800] =	vst v63  }
0x39: {  	s7 =	rddreg [dreg:$0x8]  }
0x3a: {  	[spmem:s7] =	stream.linear.scatter [tilespmem:s21], [sflag:$0x2], $0x4000, $0x38;
	[tilespmem:$0x1E800] =	vst v63  }
0x3b: {  	s8 =	rddreg [dreg:$0x9]  }
0x3c: {  	[spmem:s8] =	stream.linear.scatter [tilespmem:s21], [sflag:$0x2], $0x4000, $0x38;
	[tilespmem:$0x1E800] =	vst v63  }
0x3d: {  	s0 =	simm.s32 @p0 $0x80;
	s1 =	simm.s32 @p0 $0x100;
	s5 =	simm.s32 @p0 $0x0  }
0x3e: {  	[tilespmem:s5], [sflag:$0x3] =	stream.strided.gather @p0 [hbm4b:s11+s0], $0xA00, s1, s0, $0x38;
	[tilespmem:$0x1E800] =	vst v63  }
0x3f: {  	s0 =	simm.s32 @p0 $0x3  }
0x40: {  	_ =	swait.ge @p0 [sflag:s0], $0xA00  }
0x41: {  	s30 =	simm.s32 @!p0 $0x80;
	s31 =	simm.s32 @!p0 $0x100;
	[sflag:s0] =	ssyncset.done @p0 $0x0  }
0x42: {  	s1 =	simm.s32 @!p0 $0x0;
	[sflag:s0] =	ssyncadd.s32 @p0 $0xFFFFF600;
	s0 =	simm.s32 @!p0 $0x3  }
0x43: {  	[tilespmem:s1], [sflag:$0x3] =	stream.strided.gather @!p0 [hbm4b:s11+s30], $0x1400, s31, s30, $0x38;
	[tilespmem:$0x1E800] =	vst v63  }
0x44: {  	_ =	swait.ge @!p0 [sflag:s0], $0x1400  }
0x45: {  	[sflag:s0] =	ssyncset.done @!p0 $0x0  }
0x46: {  	[sflag:s0] =	ssyncadd.s32 @!p0 $0xFFFFEC00  }
0x47: {  	[tilespmem:s23], [sflag:$0x3] =	stream.linear.gather [hbm4b:s12+s4], $0x1400, $0x38;
	[tilespmem:$0x1E800] =	vst v63  }
0x48: {  	_ =	swait.ge [sflag:s22], $0x1400  }
0x49: {  	[sflag:s22] =	ssyncset.done $0x0  }
0x4a: {  	[sflag:s22] =	ssyncadd.s32 $0xFFFFEC00  }
0x4b: {  	_ =	swait.ge [sflag:s24], $0x4000  }
0x4c: {  	[sflag:s24] =	ssyncset.done $0x0  }
0x4d: {  	[sflag:s24] =	ssyncadd.s32 $0xFFFFC000  }
0x4e: {  	_ =	swait.ge [sflag:s24], $0x4000  }
0x4f: {  	[sflag:s24] =	ssyncset.done $0x0  }
0x50: {  	[sflag:s24] =	ssyncadd.s32 $0xFFFFC000  }
0x51: {  	_ =	swait.ge [sflag:s24], $0x4000  }
0x52: {  	[sflag:s24] =	ssyncset.done $0x0  }
0x53: {  	[sflag:s24] =	ssyncadd.s32 $0xFFFFC000  }
0x54: {  	_ =	swait.ge [sflag:s24], $0x4000  }
0x55: {  	[sflag:s24] =	ssyncset.done $0x0  }
0x56: {  	[sflag:s24] =	ssyncadd.s32 $0xFFFFC000  }
0x57: {  	_ =	swait.ge [sflag:s24], $0x4000  }
0x58: {  	[sflag:s24] =	ssyncset.done $0x0  }
0x59: {  	[sflag:s24] =	ssyncadd.s32 $0xFFFFC000  }
0x5a: {  	[bflag:$0x0] =	sbarrier.arrive $0xFFFF  }
0x5b: {  	[tilespmem:s21], [sflag:$0x1] =	stream.indirect.gather [hbm4b:s2+s25], $0x80, s4, s25, $0xb8;
	[tilespmem:$0x1E800] =	vst v63  }
0x5c: {  	_ = 	snop  }
0x5d: {  	[tilespmem:s26], [sflag:$0x1] =	stream.indirect.gather [hbm4b:s2+s25], $0x80, s25, s25, $0xb8;
	[tilespmem:$0x1E800] =	vst v63  }
0x5e: {  	_ =	swait.ge [sflag:s28], $0x4000  }
0x5f: {  	[sflag:s28] =	ssyncset.done $0x0  }
0x60: {  	s17 =	simm.s32 $0x8000;
	[sflag:s28] =	ssyncadd.s32 $0xFFFFC000  }
0x61: {  	[spmem:s3] =	stream.indirect.scatter.add.f32 [tilespmem:s21], [sflag:$0x2], $0x80, s23, s25, $0xb8;
	[tilespmem:$0x1E800] =	vst v63  }
0x62: {  	p2 =	sgt.u32 s13, $0x2;
	s9 =	sand.u32 $0x4000, s17;
	_ =	swait.ge [sflag:s24], $0x4000  }
0x63: {  	s7 =	simm.s32 $0x4000;
	s8 =	simm.s32 $0x100;
	[sflag:s24] =	ssyncset.done $0x0  }
.Ltmp2:
0x64: {  	s5 =	sor.u32 $0x2800, s9;
	[sflag:s24] =	ssyncadd.s32 $0xFFFFC000;
	(pc) =	sbr.rel @!p2 .LBB2_3-.Ltmp2, $4  }
0x65: {  	[tilespmem:s5], [sflag:$0x1] =	stream.indirect.gather [hbm4b:s2+s25], $0x80, s8, s25, $0xb8;
	[tilespmem:$0x1E800] =	vst v63  }
0x66: {  	s16 =	simm.s32 $0x1480;
	s10 =	sand.u32 $0x4000, s7;
	_ =	swait.ge [sflag:s28], $0x4000  }
0x67: {  	s7 =	simm.s32 $0x180;
	s9 =	sor.u32 $0x2800, s10;
	[sflag:s28] =	ssyncset.done $0x0  }
0x68: {  	s5 =	simm.s32 $0x2;
	s8 =	simm.s32 $0x1500;
	[sflag:s28] =	ssyncadd.s32 $0xFFFFC000  }
.LBB2_2:
0x69: {  	[spmem:s3] =	stream.indirect.scatter.add.f32 [tilespmem:s9], [sflag:$0x2], $0x80, s16, s25, $0xb8;
	[tilespmem:$0x1E800] =	vst v63  }
0x6a: {  	s9 =	smov.u32 s17;
	s16 =	smov.u32 s8  }
0x6b: {  	s5 =	sadd.s32 $0x1, s5;
	s17 =	sadd.s32 $0x4000, s17;
	_ =	swait.ge [sflag:s24], $0x4000  }
0x6c: {  	s10 =	sand.u32 $0x4000, s17;
	p2 =	slt.u32 s5, s13;
	[sflag:s24] =	ssyncset.done $0x0  }
.Ltmp3:
0x6d: {  	s10 =	sor.u32 $0x2800, s10;
	[sflag:s24] =	ssyncadd.s32 $0xFFFFC000;
	(pc) =	sbr.rel @p2 .LBB2_2-.Ltmp3, $4  }
0x6e: {  	[tilespmem:s10], [sflag:$0x1] =	stream.indirect.gather [hbm4b:s2+s25], $0x80, s7, s25, $0xb8;
	[tilespmem:$0x1E800] =	vst v63  }
0x6f: {  	_ =	swait.ge [sflag:s28], $0x4000  }
0x70: {  	s9 =	sand.u32 $0x4000, s9;
	s7 =	sadd.s32 $0x80, s7;
	[sflag:s28] =	ssyncset.done $0x0  }
0x71: {  	s8 =	sadd.s32 $0x80, s8;
	s9 =	sor.u32 $0x2800, s9;
	[sflag:s28] =	ssyncadd.s32 $0xFFFFC000  }
.LBB2_3:
0x72: {  	[spmem:s3] =	stream.indirect.scatter.add.f32 [tilespmem:s9], [sflag:$0x2], $0x80, s16, s25, $0xb8;
	[tilespmem:$0x1E800] =	vst v63  }
0x73: {  	_ =	swait.ge [sflag:s24], $0x4000  }
0x74: {  	[sflag:s24] =	ssyncset.done $0x0  }
0x75: {  	[sflag:s24] =	ssyncadd.s32 $0xFFFFC000  }
0x76: {  	_ =	swait.ge [sflag:s28], $0x4000  }
0x77: {  	[sflag:s28] =	ssyncset.done $0x0  }
0x78: {  	[sflag:s28] =	ssyncadd.s32 $0xFFFFC000  }
0x79: {  	[spmem:s3] =	stream.indirect.scatter.add.f32 [tilespmem:s26], [sflag:$0x2], $0x80, s14, s25, $0xb8;
	[tilespmem:$0x1E800] =	vst v63  }
0x7a: {  	_ =	swait.ge [sflag:s24], $0x4000  }
0x7b: {  	[sflag:s24] =	ssyncset.done $0x0  }
0x7c: {  	[sflag:s24] =	ssyncadd.s32 $0xFFFFC000  }
0x7d: {  	[tilespmem:s1], [sflag:$0x3] =	stream.strided.gather @!p0 [hbm4b:s15+s30], $0x1400, s31, s30, $0x38;
	[tilespmem:$0x1E800] =	vst v63  }
0x7e: {  	_ =	swait.ge @!p0 [sflag:s0], $0x1400  }
0x7f: {  	s5 =	simm.s32 @!p1 $0x0;
	[sflag:s0] =	ssyncset.done @!p0 $0x0  }
0x80: {  	s1 =	simm.s32 @!p1 $0x100;
	[sflag:s0] =	ssyncadd.s32 @!p0 $0xFFFFEC00;
	s0 =	simm.s32 @!p1 $0x80  }
0x81: {  	[tilespmem:s5], [sflag:$0x3] =	stream.strided.gather @!p1 [hbm4b:s15+s0], $0xA00, s1, s0, $0x38;
	[tilespmem:$0x1E800] =	vst v63  }
.Ltmp4:
0x82: {  	_ = 	snop;
	(pc) =	sbr.rel @p0 .LBB2_7-.Ltmp4, $4  }
0x83: {  	s0 =	simm.s32 @!p1 $0x3  }
0x84: {  	_ =	swait.ge @!p1 [sflag:s0], $0xA00  }
0x85: {  	[sflag:s0] =	ssyncset.done @!p1 $0x0  }
0x86: {  	[sflag:s0] =	ssyncadd.s32 @!p1 $0xFFFFF600  }
0x87: {  	s0 =	simm.s32 $0x0;
	s1 =	rddreg [dreg:$0xa]  }
0x88: {  	[tilespmem:s23], [sflag:$0x3] =	stream.linear.gather [hbm4b:s1+s0], $0x1400, $0x38;
	[tilespmem:$0x1E800] =	vst v63  }
0x89: {  	_ =	swait.ge [sflag:s22], $0x1400  }
0x8a: {  	[sflag:s22] =	ssyncset.done $0x0  }
0x8b: {  	[sflag:s22] =	ssyncadd.s32 $0xFFFFEC00  }
0x8c: {  	[tilespmem:s21], [sflag:$0x1] =	stream.indirect.gather [hbm4b:s2+s25], $0x80, s0, s25, $0xb8;
	[tilespmem:$0x1E800] =	vst v63  }
0x8d: {  	_ = 	snop  }
0x8e: {  	[tilespmem:s26], [sflag:$0x1] =	stream.indirect.gather [hbm4b:s2+s25], $0x80, s25, s25, $0xb8;
	[tilespmem:$0x1E800] =	vst v63  }
0x8f: {  	_ =	swait.ge [sflag:s28], $0x4000  }
0x90: {  	[sflag:s28] =	ssyncset.done $0x0  }
0x91: {  	[sflag:s28] =	ssyncadd.s32 $0xFFFFC000  }
0x92: {  	[spmem:s3] =	stream.indirect.scatter.add.f32 [tilespmem:s21], [sflag:$0x2], $0x80, s23, s25, $0xb8;
	[tilespmem:$0x1E800] =	vst v63  }
0x93: {  	s17 =	simm.s32 $0x8000;
	s30 =	simm.s32 $0x100;
	_ =	swait.ge [sflag:s24], $0x4000  }
0x94: {  	p2 =	sne.s32 s20, $0x4000;
	s5 =	sand.u32 $0x4000, s17;
	[sflag:s24] =	ssyncset.done $0x0  }
.Ltmp5:
0x95: {  	s5 =	sor.u32 $0x2800, s5;
	[sflag:s24] =	ssyncadd.s32 $0xFFFFC000;
	(pc) =	sbr.rel @!p2 .LBB2_6-.Ltmp5, $4  }
0x96: {  	[tilespmem:s5], [sflag:$0x1] =	stream.indirect.gather [hbm4b:s2+s25], $0x80, s30, s25, $0xb8;
	[tilespmem:$0x1E800] =	vst v63  }
0x97: {  	s7 =	simm.s32 $0x1480;
	s0 =	simm.s32 $0x4000;
	_ =	swait.ge [sflag:s28], $0x4000  }
0x98: {  	s1 =	simm.s32 $0x180;
	s31 =	sand.u32 $0x4000, s0;
	[sflag:s28] =	ssyncset.done $0x0  }
0x99: {  	s8 =	sor.u32 $0x2800, s31;
	s5 =	simm.s32 $0x1500;
	[sflag:s28] =	ssyncadd.s32 $0xFFFFC000  }
.LBB2_5:
0x9a: {  	[spmem:s3] =	stream.indirect.scatter.add.f32 [tilespmem:s8], [sflag:$0x2], $0x80, s7, s25, $0xb8;
	[tilespmem:$0x1E800] =	vst v63  }
0x9b: {  	s7 =	sadd.s32 $0x8000, s0  }
0x9c: {  	s0 =	sadd.s32 $0x4000, s0;
	_ =	swait.ge [sflag:s24], $0x4000;
	s7 =	sand.u32 $0x4000, s7  }
0x9d: {  	s8 =	sand.u32 $0x4000, s0;
	p2 =	sne.s32 s20, s0;
	[sflag:s24] =	ssyncset.done $0x0  }
.Ltmp6:
0x9e: {  	s7 =	sor.u32 $0x2800, s7;
	[sflag:s24] =	ssyncadd.s32 $0xFFFFC000;
	(pc) =	sbr.rel @p2 .LBB2_5-.Ltmp6, $4  }
0x9f: {  	[tilespmem:s7], [sflag:$0x1] =	stream.indirect.gather [hbm4b:s2+s25], $0x80, s1, s25, $0xb8;
	[tilespmem:$0x1E800] =	vst v63  }
0xa0: {  	s7 =	smov.u32 s5;
	_ =	swait.ge [sflag:s28], $0x4000  }
0xa1: {  	s1 =	sadd.s32 $0x80, s1;
	[sflag:s28] =	ssyncset.done $0x0  }
0xa2: {  	s8 =	sor.u32 $0x2800, s8;
	s5 =	sadd.s32 $0x80, s5;
	[sflag:s28] =	ssyncadd.s32 $0xFFFFC000  }
.Ltmp7:
0xa3: {  	_ = 	snop;
	(pc) =	sbr.rel .LBB2_6-.Ltmp7, $1  }
0xa4: {  	_ =	sdelay $0x3  }
.LBB2_8:
0xa5: {  	_ =	sfence.sel $0x180000  }
0xa6: {  	[bflag:$0x0] =	sbarrier.arrive $0xFFFF  }
0xa7: {  	_ =	strace $0x9000004A  }
0xa8: {  	s0 =	stileid.u32;
	[bflag:$0x2] =	sbarrier.arrive $0xFFFF  }
0xa9: {  	p0 =	sne.s32 s0, $0x0;
	s0 =	rddreg [dreg:$0x4]  }
0xaa: {  	s0 =	sadd.s32 @!p0 $0x100000, s0  }
0xab: {  	[sflag:s0] =	ssyncadd.tile.s32 @!p0 $0x1;
	_ =	shalt  }
.Lfunc_end2:
_tile_overlayer_lowered:
.L_overlay_start_2:
0xac: {  	(tag) =	ssettag $0x2  }
0xad: {  	s0 =	rddreg [dreg:$0x0];
	s2 =	stileid.u32  }
0xae: {  	s1 =	rddreg [dreg:$0x1];
	p0 =	sne.s32 s2, $0x0  }
0xaf: {  	s3 =	rddreg [dreg:$0x2];
	[bflag:$0x3] =	sbarrier.arrive $0xFFFF;
	s2 =	simm.s32 @!p0 $0x1C03  }
0xb0: {  	[timem:s3], [sflag:s2] =	dma.local @!p0 [hbm:s0], s1  }
0xb1: {  	s0 =	simm.s32 @!p0 $0x3  }
0xb2: {  	_ =	swait.ge @!p0 [sflag:s0], s1  }
0xb3: {  	s1 =	ssub.s32 @!p0 $0x0, s1;
	[sflag:s0] =	ssyncset.done @!p0 $0x0  }
0xb4: {  	[sflag:s0] =	ssyncadd.s32 @!p0 s1  }
0xb5: {  	[bflag:$0x3] =	sbarrier.arrive $0xFFFF  }
0xb6: {  	_ =	shalt  }

</sc_bundles>
